<compile_context>
chip_gen: v7x
topology: tpu7x:2x2x1
jax: 0.10.2.dev20260603
libtpu: 0.0.44.dev20260713+nightly
codegen_flags: <defaults>
</compile_context>

<pallas_src>
import jax
import jax.numpy as jnp
import numpy as np
from jax.experimental import pallas as pl

_RES = (480, 640)
_HW = _RES[0] * _RES[1]
_FLOW_SCALING = 640.0
_I0 = np.int32(0)


def _warp_body(ts_ref, y_ref, x_ref, p_ref, efy_ref, efx_ref,
               fw_ref, wpos_ref, wneg_ref, ka_ref):
    ts = ts_ref[...]
    y = y_ref[...]
    x = x_ref[...]
    p = p_ref[...]
    dt = 1.0 - ts
    wy = y + dt * efy_ref[...] * _FLOW_SCALING
    wx = x + dt * efx_ref[...] * _FLOW_SCALING
    iy = jnp.round(wy)
    ix = jnp.round(wx)
    m = (iy >= 0) & (iy < _RES[0]) & (ix >= 0) & (ix < _RES[1])
    iy = jnp.where(m, iy, 0.0)
    ix = jnp.where(m, ix, 0.0)
    fw = (iy * _RES[1] + ix).astype(jnp.int32)
    w = m.astype(jnp.float32)
    wpos_ref[...] = w * (p > 0).astype(jnp.float32)
    wneg_ref[...] = w * (p < 0).astype(jnp.float32)
    lin = (y * _RES[1] + x).astype(jnp.int32)
    pol = (p > 0).astype(jnp.int32)
    pol = jnp.where(m, pol, jnp.int32(2))
    fw_ref[...] = fw
    ka_ref[...] = pol * _HW + lin


def _uniq_body(ka_ref, kb_ref, pka_ref, pkb_ref, cpos_ref, cneg_ref):
    ka = ka_ref[...]
    kb = kb_ref[...]
    is_first = (ka != pka_ref[...]) | (kb != pkb_ref[...])
    cf = is_first.astype(jnp.float32)
    cpos_ref[...] = cf * ((ka >= _HW) & (ka < 2 * _HW)).astype(jnp.float32)
    cneg_ref[...] = cf * (ka < _HW).astype(jnp.float32)


def _div_body(iwe_ref, cnt_ref, out_ref):
    iwe = iwe_ref[...]
    cnt = cnt_ref[...]
    out_ref[...] = jnp.where(cnt > 0, iwe / jnp.where(cnt > 0, cnt, 1.0), iwe)


def kernel(flow, event_list, pol_mask):
    B, N = event_list.shape[0], event_list.shape[1]
    flow = flow.astype(jnp.float32)
    event_list = event_list.astype(jnp.float32)

    ts = event_list[:, :, 0]
    y = event_list[:, :, 1]
    x = event_list[:, :, 2]
    p = event_list[:, :, 3]

    lin = (y * _RES[1] + x).astype(jnp.int32)
    flow_flat = flow.reshape(B, 2, _HW)
    efy = jnp.take_along_axis(flow_flat[:, 1, :], lin, axis=1)
    efx = jnp.take_along_axis(flow_flat[:, 0, :], lin, axis=1)

    NR = N // 128
    row = pl.BlockSpec((1, NR, 128), lambda b: (b, _I0, _I0))
    r3 = lambda a: a.reshape(B, NR, 128)
    fw, wpos, wneg, ka = pl.pallas_call(
        _warp_body,
        grid=(B,),
        in_specs=[row] * 6,
        out_specs=[row] * 4,
        out_shape=[
            jax.ShapeDtypeStruct((B, NR, 128), jnp.int32),
            jax.ShapeDtypeStruct((B, NR, 128), jnp.float32),
            jax.ShapeDtypeStruct((B, NR, 128), jnp.float32),
            jax.ShapeDtypeStruct((B, NR, 128), jnp.int32),
        ],
    )(r3(ts), r3(y), r3(x), r3(p), r3(efy), r3(efx))
    fw = fw.reshape(B, N)
    wpos = wpos.reshape(B, N)
    wneg = wneg.reshape(B, N)
    ka = ka.reshape(B, N)

    ka_s, kb_s = jax.lax.sort((ka, kb := fw), dimension=1, num_keys=2)
    pad = jnp.full((B, 1), -1, jnp.int32)
    pka = jnp.concatenate([pad, ka_s[:, :-1]], axis=1)
    pkb = jnp.concatenate([pad, kb_s[:, :-1]], axis=1)

    cpos, cneg = pl.pallas_call(
        _uniq_body,
        grid=(B,),
        in_specs=[row] * 4,
        out_specs=[row] * 2,
        out_shape=[
            jax.ShapeDtypeStruct((B, NR, 128), jnp.float32),
            jax.ShapeDtypeStruct((B, NR, 128), jnp.float32),
        ],
    )(r3(ka_s), r3(kb_s), r3(pka), r3(pkb))
    cpos = cpos.reshape(B, N)
    cneg = cneg.reshape(B, N)

    bidx = jnp.arange(B)[:, None]
    zeros = jnp.zeros((B, _HW), jnp.float32)
    iwe_pos = zeros.at[bidx, fw].add(wpos)
    iwe_neg = zeros.at[bidx, fw].add(wneg)
    cnt_pos = zeros.at[bidx, kb_s].add(cpos)
    cnt_neg = zeros.at[bidx, kb_s].add(cneg)

    iwe = jnp.stack([iwe_pos, iwe_neg], axis=1).reshape(B, 2, _RES[0], _RES[1])
    cnt = jnp.stack([cnt_pos, cnt_neg], axis=1).reshape(B, 2, _RES[0], _RES[1])

    out = pl.pallas_call(
        _div_body,
        grid=(B,),
        in_specs=[pl.BlockSpec((1, 2, _RES[0], _RES[1]), lambda b: (b, _I0, _I0, _I0))] * 2,
        out_specs=pl.BlockSpec((1, 2, _RES[0], _RES[1]), lambda b: (b, _I0, _I0, _I0)),
        out_shape=jax.ShapeDtypeStruct(iwe.shape, jnp.float32),
    )(iwe, cnt)
    return out

# --- scband reference (transcript-rebuilt; emitter-appended) ---
"""Pipeline reference for scband-averaged-iwe-11879879544375 (READ-ONLY COPY).

The authoritative reference and input builder live on the scoring server;
editing this copy changes nothing except your own understanding.
"""

import jax, jax.numpy as jnp
import numpy as np
jax.config.update("jax_enable_x64", True)

RES = (480, 640)
FLOW_SCALING = 640.0
BATCH = 8
N_EV = 131072


def setup_inputs(seed: int = 0):
    key = jax.random.key(seed)
    k1, k2, k3, k4, k5 = jax.random.split(key, 5)
    flow = jax.random.normal(k1, (BATCH, 2, RES[0], RES[1]), dtype=jnp.float32) * 0.01
    ts = jax.random.uniform(k2, (BATCH, N_EV, 1), dtype=jnp.float32)
    y = jax.random.randint(k3, (BATCH, N_EV, 1), 0, RES[0]).astype(jnp.float32)
    x = jax.random.randint(k4, (BATCH, N_EV, 1), 0, RES[1]).astype(jnp.float32)
    p = jax.random.randint(k5, (BATCH, N_EV, 1), 0, 2).astype(jnp.float32) * 2.0 - 1.0
    event_list = jnp.concatenate([ts, y, x, p], axis=2)
    pol_mask = jnp.concatenate([(p > 0).astype(jnp.float32), (p < 0).astype(jnp.float32)], axis=2)
    return {"flow": flow, "event_list": event_list, "pol_mask": pol_mask}


def get_interpolation(events, flow, tref, res, flow_scaling):
    # round_idx=True branch of the original helper
    warped = events[:, :, 1:3] + (tref - events[:, :, 0:1]) * flow * flow_scaling
    idx = jnp.round(warped)
    weights = jnp.ones_like(idx)
    mask = ((idx[:, :, 0:1] >= 0) & (idx[:, :, 0:1] < res[0]) & (idx[:, :, 1:2] >= 0) & (idx[:, :, 1:2] < res[1])).astype(idx.dtype)
    idx = idx * mask
    weights = weights * mask
    weights = jnp.prod(weights, axis=-1, keepdims=True)
    idx = idx[:, :, 0:1] * res[1] + idx[:, :, 1:2]
    return idx, weights


def interpolate(idx, weights, res, polarity_mask=None):
    if polarity_mask is not None:
        weights = weights * polarity_mask
    B = idx.shape[0]
    iwe = jnp.zeros((B, res[0] * res[1]), dtype=jnp.float32)
    iwe = iwe.at[jnp.arange(B)[:, None], idx[:, :, 0]].add(weights[:, :, 0])
    return iwe.reshape(B, 1, res[0], res[1])


def _warp_and_scatter(flow, event_list, pol_mask, res, flow_scaling):
    B = flow.shape[0]
    lin = event_list[:, :, 1] * res[1] + event_list[:, :, 2]
    flow_idx = lin.astype(jnp.int64)
    flow_flat = flow.reshape(B, 2, -1)
    efy = jnp.take_along_axis(flow_flat[:, 1, :], flow_idx, axis=1)
    efx = jnp.take_along_axis(flow_flat[:, 0, :], flow_idx, axis=1)
    event_flow = jnp.stack([efy, efx], axis=2)
    fw_idx, fw_weights = get_interpolation(event_list, event_flow, 1.0, res, flow_scaling)
    fw_idx_i = fw_idx.astype(jnp.int64)
    iwe_pos = interpolate(fw_idx_i, fw_weights, res, pol_mask[:, :, 0:1])
    iwe_neg = interpolate(fw_idx_i, fw_weights, res, pol_mask[:, :, 1:2])
    return iwe_pos, iwe_neg, fw_idx_i, fw_weights, lin


def _contrib_maps(event_list, fw_idx_i, fw_weights, lin, res):
    B = event_list.shape[0]
    hw = res[0] * res[1]
    pol_list = event_list[:, :, 3:4]
    pol_list = jnp.where(pol_list < 1, 0.0, pol_list)
    pol_list = jnp.where(fw_weights == 0, 2.0, pol_list)
    idx0 = lin.astype(jnp.int64)[:, :, None]
    m_idx = idx0 * hw + fw_idx_i
    pm_idx = pol_list.astype(jnp.int64) * (hw * hw) + m_idx
    pos_list, neg_list = [], []
    for b in range(B):
        s_pm = jnp.sort(pm_idx[b, :, 0])
        is_first = jnp.concatenate([jnp.ones((1,), dtype=bool), s_pm[1:] != s_pm[:-1]])
        pol = s_pm // (hw * hw)
        fwpix = (s_pm % (hw * hw)) % hw
        pol2 = pol
        pix2 = fwpix
        mask_pos = jnp.where(pol2 == 2, 0, pol2).astype(jnp.float32)
        mask_neg = (1 - jnp.where(pol2 == 2, 1, pol2)).astype(jnp.float32)
        cf = is_first.astype(jnp.float32)
        pos_list.append(jnp.zeros((hw,), jnp.float32).at[pix2].add(mask_pos * cf))
        neg_list.append(jnp.zeros((hw,), jnp.float32).at[pix2].add(mask_neg * cf))
    pos_c = jnp.stack(pos_list).reshape(B, 1, res[0], res[1])
    neg_c = jnp.stack(neg_list).reshape(B, 1, res[0], res[1])
    return pos_c, neg_c


def reference(flow, event_list, pol_mask):
    res = RES
    iwe_pos, iwe_neg, fw_idx_i, fw_weights, lin = _warp_and_scatter(flow, event_list, pol_mask, res, FLOW_SCALING)
    pos_c, neg_c = _contrib_maps(event_list, fw_idx_i, fw_weights, lin, res)
    iwe_pos = jnp.where(pos_c > 0, iwe_pos / jnp.where(pos_c > 0, pos_c, 1.0), iwe_pos)
    iwe_neg = jnp.where(neg_c > 0, iwe_neg / jnp.where(neg_c > 0, neg_c, 1.0), iwe_neg)
    return jnp.concatenate([iwe_pos, iwe_neg], axis=1)

if __name__ == "__main__":
    import jax
    _d = setup_inputs()
    print(jax.jit(kernel)(*tuple(_d.values())))

</pallas_src>

<mosaic_0001>
module attributes {stable_mosaic.version = 14 : i64} {
  func.func @_warp_body(%arg0: i32, %arg1: memref<1x1024x128xf32, #tpu.memory_space<vmem>>, %arg2: memref<1x1024x128xf32, #tpu.memory_space<vmem>>, %arg3: memref<1x1024x128xf32, #tpu.memory_space<vmem>>, %arg4: memref<1x1024x128xf32, #tpu.memory_space<vmem>>, %arg5: memref<1x1024x128xf32, #tpu.memory_space<vmem>>, %arg6: memref<1x1024x128xf32, #tpu.memory_space<vmem>>, %arg7: memref<1x1024x128xi32, #tpu.memory_space<vmem>>, %arg8: memref<1x1024x128xf32, #tpu.memory_space<vmem>>, %arg9: memref<1x1024x128xf32, #tpu.memory_space<vmem>>, %arg10: memref<1x1024x128xi32, #tpu.memory_space<vmem>>) attributes {dimension_semantics = [#tpu.dimension_semantics<arbitrary>], iteration_bounds = array<i64: 8>, scalar_prefetch = 0 : i64, scratch_operands = 0 : i64, tpu.core_type = #tpu.core_type<tc>, window_params = [{transform_indices = @transform_0, window_bounds = array<i64: 1, 1024, 128>}, {transform_indices = @transform_1, window_bounds = array<i64: 1, 1024, 128>}, {transform_indices = @transform_2, window_bounds = array<i64: 1, 1024, 128>}, {transform_indices = @transform_3, window_bounds = array<i64: 1, 1024, 128>}, {transform_indices = @transform_4, window_bounds = array<i64: 1, 1024, 128>}, {transform_indices = @transform_5, window_bounds = array<i64: 1, 1024, 128>}, {transform_indices = @transform_6, window_bounds = array<i64: 1, 1024, 128>}, {transform_indices = @transform_7, window_bounds = array<i64: 1, 1024, 128>}, {transform_indices = @transform_8, window_bounds = array<i64: 1, 1024, 128>}, {transform_indices = @transform_9, window_bounds = array<i64: 1, 1024, 128>}]} {
    %get3A = arith.constant 0 : index
    %get3A_0 = arith.constant 0 : index
    %get3A_1 = arith.constant 0 : index
    %get3A_2 = vector.load %arg1[%get3A, %get3A_0, %get3A_1] : memref<1x1024x128xf32, #tpu.memory_space<vmem>>, vector<1x1024x128xf32>
    %get3A_3 = arith.constant 0 : index
    %get3A_4 = arith.constant 0 : index
    %get3A_5 = arith.constant 0 : index
    %get3A_6 = vector.load %arg2[%get3A_3, %get3A_4, %get3A_5] : memref<1x1024x128xf32, #tpu.memory_space<vmem>>, vector<1x1024x128xf32>
    %get3A_7 = arith.constant 0 : index
    %get3A_8 = arith.constant 0 : index
    %get3A_9 = arith.constant 0 : index
    %get3A_10 = vector.load %arg3[%get3A_7, %get3A_8, %get3A_9] : memref<1x1024x128xf32, #tpu.memory_space<vmem>>, vector<1x1024x128xf32>
    %get3A_11 = arith.constant 0 : index
    %get3A_12 = arith.constant 0 : index
    %get3A_13 = arith.constant 0 : index
    %get3A_14 = vector.load %arg4[%get3A_11, %get3A_12, %get3A_13] : memref<1x1024x128xf32, #tpu.memory_space<vmem>>, vector<1x1024x128xf32>
    %sub3A = arith.constant 1.000000e+00 : f32
    %sub3A_15 = vector.broadcast %sub3A : f32 to vector<1x1024x128xf32>
    %sub3A_16 = arith.subf %sub3A_15, %get3A_2 : vector<1x1024x128xf32>
    %get3A_17 = arith.constant 0 : index
    %get3A_18 = arith.constant 0 : index
    %get3A_19 = arith.constant 0 : index
    %get3A_20 = vector.load %arg5[%get3A_17, %get3A_18, %get3A_19] : memref<1x1024x128xf32, #tpu.memory_space<vmem>>, vector<1x1024x128xf32>
    %mul3A = arith.mulf %sub3A_16, %get3A_20 : vector<1x1024x128xf32>
    %mul3A_21 = arith.constant 6.400000e+02 : f32
    %mul3A_22 = vector.broadcast %mul3A_21 : f32 to vector<1x1024x128xf32>
    %mul3A_23 = arith.mulf %mul3A, %mul3A_22 : vector<1x1024x128xf32>
    %add3A = arith.addf %get3A_6, %mul3A_23 : vector<1x1024x128xf32>
    %get3A_24 = arith.constant 0 : index
    %get3A_25 = arith.constant 0 : index
    %get3A_26 = arith.constant 0 : index
    %get3A_27 = vector.load %arg6[%get3A_24, %get3A_25, %get3A_26] : memref<1x1024x128xf32, #tpu.memory_space<vmem>>, vector<1x1024x128xf32>
    %mul3A_28 = arith.mulf %sub3A_16, %get3A_27 : vector<1x1024x128xf32>
    %mul3A_29 = arith.constant 6.400000e+02 : f32
    %mul3A_30 = vector.broadcast %mul3A_29 : f32 to vector<1x1024x128xf32>
    %mul3A_31 = arith.mulf %mul3A_28, %mul3A_30 : vector<1x1024x128xf32>
    %add3A_32 = arith.addf %get3A_10, %mul3A_31 : vector<1x1024x128xf32>
    %round3A = math.roundeven %add3A : vector<1x1024x128xf32>
    %round3A_33 = math.roundeven %add3A_32 : vector<1x1024x128xf32>
    %ge3A = arith.constant 0.000000e+00 : f32
    %ge3A_34 = vector.broadcast %ge3A : f32 to vector<1x1024x128xf32>
    %ge3A_35 = arith.cmpf oge, %round3A, %ge3A_34 : vector<1x1024x128xf32>
    %lt3A = arith.constant 4.800000e+02 : f32
    %lt3A_36 = vector.broadcast %lt3A : f32 to vector<1x1024x128xf32>
    %lt3A_37 = arith.cmpf olt, %round3A, %lt3A_36 : vector<1x1024x128xf32>
    %and3A = arith.andi %ge3A_35, %lt3A_37 : vector<1x1024x128xi1>
    %ge3A_38 = arith.constant 0.000000e+00 : f32
    %ge3A_39 = vector.broadcast %ge3A_38 : f32 to vector<1x1024x128xf32>
    %ge3A_40 = arith.cmpf oge, %round3A_33, %ge3A_39 : vector<1x1024x128xf32>
    %and3A_41 = arith.andi %and3A, %ge3A_40 : vector<1x1024x128xi1>
    %lt3A_42 = arith.constant 6.400000e+02 : f32
    %lt3A_43 = vector.broadcast %lt3A_42 : f32 to vector<1x1024x128xf32>
    %lt3A_44 = arith.cmpf olt, %round3A_33, %lt3A_43 : vector<1x1024x128xf32>
    %and3A_45 = arith.andi %and3A_41, %lt3A_44 : vector<1x1024x128xi1>
    %jit3A = arith.constant 0.000000e+00 : f64
    %convert_element_type3A = arith.truncf %jit3A : f64 to f32
    %broadcast_in_dim3A = vector.broadcast %convert_element_type3A : f32 to vector<1x1024x128xf32>
    %select_n3A = arith.select %and3A_45, %round3A, %broadcast_in_dim3A : vector<1x1024x128xi1>, vector<1x1024x128xf32>
    %jit3A_46 = arith.constant 0.000000e+00 : f64
    %convert_element_type3A_47 = arith.truncf %jit3A_46 : f64 to f32
    %broadcast_in_dim3A_48 = vector.broadcast %convert_element_type3A_47 : f32 to vector<1x1024x128xf32>
    %select_n3A_49 = arith.select %and3A_45, %round3A_33, %broadcast_in_dim3A_48 : vector<1x1024x128xi1>, vector<1x1024x128xf32>
    %mul3A_50 = arith.constant 6.400000e+02 : f32
    %mul3A_51 = vector.broadcast %mul3A_50 : f32 to vector<1x1024x128xf32>
    %mul3A_52 = arith.mulf %select_n3A, %mul3A_51 : vector<1x1024x128xf32>
    %add3A_53 = arith.addf %mul3A_52, %select_n3A_49 : vector<1x1024x128xf32>
    %convert_element_type3A_54 = arith.fptosi %add3A_53 : vector<1x1024x128xf32> to vector<1x1024x128xi32>
    %convert_element_type3A_55 = arith.extui %and3A_45 : vector<1x1024x128xi1> to vector<1x1024x128xi32>
    %convert_element_type3A_56 = arith.sitofp %convert_element_type3A_55 : vector<1x1024x128xi32> to vector<1x1024x128xf32>
    %gt3A = arith.constant 0.000000e+00 : f32
    %gt3A_57 = vector.broadcast %gt3A : f32 to vector<1x1024x128xf32>
    %gt3A_58 = arith.cmpf ogt, %get3A_14, %gt3A_57 : vector<1x1024x128xf32>
    %convert_element_type3A_59 = arith.extui %gt3A_58 : vector<1x1024x128xi1> to vector<1x1024x128xi32>
    %convert_element_type3A_60 = arith.sitofp %convert_element_type3A_59 : vector<1x1024x128xi32> to vector<1x1024x128xf32>
    %mul3A_61 = arith.mulf %convert_element_type3A_56, %convert_element_type3A_60 : vector<1x1024x128xf32>
    %swap3A = arith.constant 0 : index
    %swap3A_62 = arith.constant 0 : index
    %swap3A_63 = arith.constant 0 : index
    %swap3A_64 = vector.load %arg8[%swap3A, %swap3A_62, %swap3A_63] : memref<1x1024x128xf32, #tpu.memory_space<vmem>>, vector<1x1024x128xf32>
    tpu.vector_store %arg8[%swap3A, %swap3A_62, %swap3A_63], %mul3A_61 {strides = array<i32>} : memref<1x1024x128xf32, #tpu.memory_space<vmem>>, vector<1x1024x128xf32>,
    %lt3A_65 = arith.constant 0.000000e+00 : f32
    %lt3A_66 = vector.broadcast %lt3A_65 : f32 to vector<1x1024x128xf32>
    %lt3A_67 = arith.cmpf olt, %get3A_14, %lt3A_66 : vector<1x1024x128xf32>
    %convert_element_type3A_68 = arith.extui %lt3A_67 : vector<1x1024x128xi1> to vector<1x1024x128xi32>
    %convert_element_type3A_69 = arith.sitofp %convert_element_type3A_68 : vector<1x1024x128xi32> to vector<1x1024x128xf32>
    %mul3A_70 = arith.mulf %convert_element_type3A_56, %convert_element_type3A_69 : vector<1x1024x128xf32>
    %swap3A_71 = arith.constant 0 : index
    %swap3A_72 = arith.constant 0 : index
    %swap3A_73 = arith.constant 0 : index
    %swap3A_74 = vector.load %arg9[%swap3A_71, %swap3A_72, %swap3A_73] : memref<1x1024x128xf32, #tpu.memory_space<vmem>>, vector<1x1024x128xf32>
    tpu.vector_store %arg9[%swap3A_71, %swap3A_72, %swap3A_73], %mul3A_70 {strides = array<i32>} : memref<1x1024x128xf32, #tpu.memory_space<vmem>>, vector<1x1024x128xf32>,
    %mul3A_75 = arith.constant 6.400000e+02 : f32
    %mul3A_76 = vector.broadcast %mul3A_75 : f32 to vector<1x1024x128xf32>
    %mul3A_77 = arith.mulf %get3A_6, %mul3A_76 : vector<1x1024x128xf32>
    %add3A_78 = arith.addf %mul3A_77, %get3A_10 : vector<1x1024x128xf32>
    %convert_element_type3A_79 = arith.fptosi %add3A_78 : vector<1x1024x128xf32> to vector<1x1024x128xi32>
    %gt3A_80 = arith.constant 0.000000e+00 : f32
    %gt3A_81 = vector.broadcast %gt3A_80 : f32 to vector<1x1024x128xf32>
    %gt3A_82 = arith.cmpf ogt, %get3A_14, %gt3A_81 : vector<1x1024x128xf32>
    %convert_element_type3A_83 = arith.extui %gt3A_82 : vector<1x1024x128xi1> to vector<1x1024x128xi32>
    %jit3A_84 = arith.constant 2 : i32
    %broadcast_in_dim3A_85 = vector.broadcast %jit3A_84 : i32 to vector<1x1024x128xi32>
    %select_n3A_86 = arith.select %and3A_45, %convert_element_type3A_83, %broadcast_in_dim3A_85 : vector<1x1024x128xi1>, vector<1x1024x128xi32>
    %swap3A_87 = arith.constant 0 : index
    %swap3A_88 = arith.constant 0 : index
    %swap3A_89 = arith.constant 0 : index
    %swap3A_90 = vector.load %arg7[%swap3A_87, %swap3A_88, %swap3A_89] : memref<1x1024x128xi32, #tpu.memory_space<vmem>>, vector<1x1024x128xi32>
    tpu.vector_store %arg7[%swap3A_87, %swap3A_88, %swap3A_89], %convert_element_type3A_54 {strides = array<i32>} : memref<1x1024x128xi32, #tpu.memory_space<vmem>>, vector<1x1024x128xi32>,
    %mul3A_91 = arith.constant 307200 : i32
    %mul3A_92 = vector.broadcast %mul3A_91 : i32 to vector<1x1024x128xi32>
    %mul3A_93 = arith.muli %select_n3A_86, %mul3A_92 : vector<1x1024x128xi32>
    %add3A_94 = arith.addi %mul3A_93, %convert_element_type3A_79 : vector<1x1024x128xi32>
    %swap3A_95 = arith.constant 0 : index
    %swap3A_96 = arith.constant 0 : index
    %swap3A_97 = arith.constant 0 : index
    %swap3A_98 = vector.load %arg10[%swap3A_95, %swap3A_96, %swap3A_97] : memref<1x1024x128xi32, #tpu.memory_space<vmem>>, vector<1x1024x128xi32>
    tpu.vector_store %arg10[%swap3A_95, %swap3A_96, %swap3A_97], %add3A_94 {strides = array<i32>} : memref<1x1024x128xi32, #tpu.memory_space<vmem>>, vector<1x1024x128xi32>,
    return
  }
  func.func @transform_0(%arg0: i32) -> (i32, i32, i32) {
    %c0_i32 = arith.constant 0 : i32
    %c0_i32_0 = arith.constant 0 : i32
    %c0_i32_1 = arith.constant 0 : i32
    return %arg0, %c0_i32, %c0_i32_0 : i32, i32, i32
  }
  func.func @transform_1(%arg0: i32) -> (i32, i32, i32) {
    %c0_i32 = arith.constant 0 : i32
    %c0_i32_0 = arith.constant 0 : i32
    %c0_i32_1 = arith.constant 0 : i32
    return %arg0, %c0_i32, %c0_i32_0 : i32, i32, i32
  }
  func.func @transform_2(%arg0: i32) -> (i32, i32, i32) {
    %c0_i32 = arith.constant 0 : i32
    %c0_i32_0 = arith.constant 0 : i32
    %c0_i32_1 = arith.constant 0 : i32
    return %arg0, %c0_i32, %c0_i32_0 : i32, i32, i32
  }
  func.func @transform_3(%arg0: i32) -> (i32, i32, i32) {
    %c0_i32 = arith.constant 0 : i32
    %c0_i32_0 = arith.constant 0 : i32
    %c0_i32_1 = arith.constant 0 : i32
    return %arg0, %c0_i32, %c0_i32_0 : i32, i32, i32
  }
  func.func @transform_4(%arg0: i32) -> (i32, i32, i32) {
    %c0_i32 = arith.constant 0 : i32
    %c0_i32_0 = arith.constant 0 : i32
    %c0_i32_1 = arith.constant 0 : i32
    return %arg0, %c0_i32, %c0_i32_0 : i32, i32, i32
  }
  func.func @transform_5(%arg0: i32) -> (i32, i32, i32) {
    %c0_i32 = arith.constant 0 : i32
    %c0_i32_0 = arith.constant 0 : i32
    %c0_i32_1 = arith.constant 0 : i32
    return %arg0, %c0_i32, %c0_i32_0 : i32, i32, i32
  }
  func.func @transform_6(%arg0: i32) -> (i32, i32, i32) {
    %c0_i32 = arith.constant 0 : i32
    %c0_i32_0 = arith.constant 0 : i32
    %c0_i32_1 = arith.constant 0 : i32
    return %arg0, %c0_i32, %c0_i32_0 : i32, i32, i32
  }
  func.func @transform_7(%arg0: i32) -> (i32, i32, i32) {
    %c0_i32 = arith.constant 0 : i32
    %c0_i32_0 = arith.constant 0 : i32
    %c0_i32_1 = arith.constant 0 : i32
    return %arg0, %c0_i32, %c0_i32_0 : i32, i32, i32
  }
  func.func @transform_8(%arg0: i32) -> (i32, i32, i32) {
    %c0_i32 = arith.constant 0 : i32
    %c0_i32_0 = arith.constant 0 : i32
    %c0_i32_1 = arith.constant 0 : i32
    return %arg0, %c0_i32, %c0_i32_0 : i32, i32, i32
  }
  func.func @transform_9(%arg0: i32) -> (i32, i32, i32) {
    %c0_i32 = arith.constant 0 : i32
    %c0_i32_0 = arith.constant 0 : i32
    %c0_i32_1 = arith.constant 0 : i32
    return %arg0, %c0_i32, %c0_i32_0 : i32, i32, i32
  }
}

module attributes {stable_mosaic.version = 14 : i64} {
  func.func @_uniq_body(%arg0: i32, %arg1: memref<1x1024x128xi32, #tpu.memory_space<vmem>>, %arg2: memref<1x1024x128xi32, #tpu.memory_space<vmem>>, %arg3: memref<1x1024x128xi32, #tpu.memory_space<vmem>>, %arg4: memref<1x1024x128xi32, #tpu.memory_space<vmem>>, %arg5: memref<1x1024x128xf32, #tpu.memory_space<vmem>>, %arg6: memref<1x1024x128xf32, #tpu.memory_space<vmem>>) attributes {dimension_semantics = [#tpu.dimension_semantics<arbitrary>], iteration_bounds = array<i64: 8>, scalar_prefetch = 0 : i64, scratch_operands = 0 : i64, tpu.core_type = #tpu.core_type<tc>, window_params = [{transform_indices = @transform_0, window_bounds = array<i64: 1, 1024, 128>}, {transform_indices = @transform_1, window_bounds = array<i64: 1, 1024, 128>}, {transform_indices = @transform_2, window_bounds = array<i64: 1, 1024, 128>}, {transform_indices = @transform_3, window_bounds = array<i64: 1, 1024, 128>}, {transform_indices = @transform_4, window_bounds = array<i64: 1, 1024, 128>}, {transform_indices = @transform_5, window_bounds = array<i64: 1, 1024, 128>}]} {
    %get3A = arith.constant 0 : index
    %get3A_0 = arith.constant 0 : index
    %get3A_1 = arith.constant 0 : index
    %get3A_2 = vector.load %arg1[%get3A, %get3A_0, %get3A_1] : memref<1x1024x128xi32, #tpu.memory_space<vmem>>, vector<1x1024x128xi32>
    %get3A_3 = arith.constant 0 : index
    %get3A_4 = arith.constant 0 : index
    %get3A_5 = arith.constant 0 : index
    %get3A_6 = vector.load %arg2[%get3A_3, %get3A_4, %get3A_5] : memref<1x1024x128xi32, #tpu.memory_space<vmem>>, vector<1x1024x128xi32>
    %get3A_7 = arith.constant 0 : index
    %get3A_8 = arith.constant 0 : index
    %get3A_9 = arith.constant 0 : index
    %get3A_10 = vector.load %arg3[%get3A_7, %get3A_8, %get3A_9] : memref<1x1024x128xi32, #tpu.memory_space<vmem>>, vector<1x1024x128xi32>
    %ne3A = arith.cmpi ne, %get3A_2, %get3A_10 : vector<1x1024x128xi32>
    %get3A_11 = arith.constant 0 : index
    %get3A_12 = arith.constant 0 : index
    %get3A_13 = arith.constant 0 : index
    %get3A_14 = vector.load %arg4[%get3A_11, %get3A_12, %get3A_13] : memref<1x1024x128xi32, #tpu.memory_space<vmem>>, vector<1x1024x128xi32>
    %ne3A_15 = arith.cmpi ne, %get3A_6, %get3A_14 : vector<1x1024x128xi32>
    %or3A = arith.ori %ne3A, %ne3A_15 : vector<1x1024x128xi1>
    %convert_element_type3A = arith.extui %or3A : vector<1x1024x128xi1> to vector<1x1024x128xi32>
    %convert_element_type3A_16 = arith.sitofp %convert_element_type3A : vector<1x1024x128xi32> to vector<1x1024x128xf32>
    %ge3A = arith.constant 307200 : i32
    %ge3A_17 = vector.broadcast %ge3A : i32 to vector<1x1024x128xi32>
    %ge3A_18 = arith.cmpi sge, %get3A_2, %ge3A_17 : vector<1x1024x128xi32>
    %lt3A = arith.constant 614400 : i32
    %lt3A_19 = vector.broadcast %lt3A : i32 to vector<1x1024x128xi32>
    %lt3A_20 = arith.cmpi slt, %get3A_2, %lt3A_19 : vector<1x1024x128xi32>
    %and3A = arith.andi %ge3A_18, %lt3A_20 : vector<1x1024x128xi1>
    %convert_element_type3A_21 = arith.extui %and3A : vector<1x1024x128xi1> to vector<1x1024x128xi32>
    %convert_element_type3A_22 = arith.sitofp %convert_element_type3A_21 : vector<1x1024x128xi32> to vector<1x1024x128xf32>
    %mul3A = arith.mulf %convert_element_type3A_16, %convert_element_type3A_22 : vector<1x1024x128xf32>
    %swap3A = arith.constant 0 : index
    %swap3A_23 = arith.constant 0 : index
    %swap3A_24 = arith.constant 0 : index
    %swap3A_25 = vector.load %arg5[%swap3A, %swap3A_23, %swap3A_24] : memref<1x1024x128xf32, #tpu.memory_space<vmem>>, vector<1x1024x128xf32>
    tpu.vector_store %arg5[%swap3A, %swap3A_23, %swap3A_24], %mul3A {strides = array<i32>} : memref<1x1024x128xf32, #tpu.memory_space<vmem>>, vector<1x1024x128xf32>,
    %lt3A_26 = arith.constant 307200 : i32
    %lt3A_27 = vector.broadcast %lt3A_26 : i32 to vector<1x1024x128xi32>
    %lt3A_28 = arith.cmpi slt, %get3A_2, %lt3A_27 : vector<1x1024x128xi32>
    %convert_element_type3A_29 = arith.extui %lt3A_28 : vector<1x1024x128xi1> to vector<1x1024x128xi32>
    %convert_element_type3A_30 = arith.sitofp %convert_element_type3A_29 : vector<1x1024x128xi32> to vector<1x1024x128xf32>
    %mul3A_31 = arith.mulf %convert_element_type3A_16, %convert_element_type3A_30 : vector<1x1024x128xf32>
    %swap3A_32 = arith.constant 0 : index
    %swap3A_33 = arith.constant 0 : index
    %swap3A_34 = arith.constant 0 : index
    %swap3A_35 = vector.load %arg6[%swap3A_32, %swap3A_33, %swap3A_34] : memref<1x1024x128xf32, #tpu.memory_space<vmem>>, vector<1x1024x128xf32>
    tpu.vector_store %arg6[%swap3A_32, %swap3A_33, %swap3A_34], %mul3A_31 {strides = array<i32>} : memref<1x1024x128xf32, #tpu.memory_space<vmem>>, vector<1x1024x128xf32>,
    return
  }
  func.func @transform_0(%arg0: i32) -> (i32, i32, i32) {
    %c0_i32 = arith.constant 0 : i32
    %c0_i32_0 = arith.constant 0 : i32
    %c0_i32_1 = arith.constant 0 : i32
    return %arg0, %c0_i32, %c0_i32_0 : i32, i32, i32
  }
  func.func @transform_1(%arg0: i32) -> (i32, i32, i32) {
    %c0_i32 = arith.constant 0 : i32
    %c0_i32_0 = arith.constant 0 : i32
    %c0_i32_1 = arith.constant 0 : i32
    return %arg0, %c0_i32, %c0_i32_0 : i32, i32, i32
  }
  func.func @transform_2(%arg0: i32) -> (i32, i32, i32) {
    %c0_i32 = arith.constant 0 : i32
    %c0_i32_0 = arith.constant 0 : i32
    %c0_i32_1 = arith.constant 0 : i32
    return %arg0, %c0_i32, %c0_i32_0 : i32, i32, i32
  }
  func.func @transform_3(%arg0: i32) -> (i32, i32, i32) {
    %c0_i32 = arith.constant 0 : i32
    %c0_i32_0 = arith.constant 0 : i32
    %c0_i32_1 = arith.constant 0 : i32
    return %arg0, %c0_i32, %c0_i32_0 : i32, i32, i32
  }
  func.func @transform_4(%arg0: i32) -> (i32, i32, i32) {
    %c0_i32 = arith.constant 0 : i32
    %c0_i32_0 = arith.constant 0 : i32
    %c0_i32_1 = arith.constant 0 : i32
    return %arg0, %c0_i32, %c0_i32_0 : i32, i32, i32
  }
  func.func @transform_5(%arg0: i32) -> (i32, i32, i32) {
    %c0_i32 = arith.constant 0 : i32
    %c0_i32_0 = arith.constant 0 : i32
    %c0_i32_1 = arith.constant 0 : i32
    return %arg0, %c0_i32, %c0_i32_0 : i32, i32, i32
  }
}

module attributes {stable_mosaic.version = 14 : i64} {
  func.func @_div_body(%arg0: i32, %arg1: memref<1x2x480x640xf32, #tpu.memory_space<vmem>>, %arg2: memref<1x2x480x640xf32, #tpu.memory_space<vmem>>, %arg3: memref<1x2x480x640xf32, #tpu.memory_space<vmem>>) attributes {dimension_semantics = [#tpu.dimension_semantics<arbitrary>], iteration_bounds = array<i64: 8>, scalar_prefetch = 0 : i64, scratch_operands = 0 : i64, tpu.core_type = #tpu.core_type<tc>, window_params = [{transform_indices = @transform_0, window_bounds = array<i64: 1, 2, 480, 640>}, {transform_indices = @transform_1, window_bounds = array<i64: 1, 2, 480, 640>}, {transform_indices = @transform_2, window_bounds = array<i64: 1, 2, 480, 640>}]} {
    %get3A = arith.constant 0 : index
    %get3A_0 = arith.constant 0 : index
    %get3A_1 = arith.constant 0 : index
    %get3A_2 = arith.constant 0 : index
    %get3A_3 = vector.load %arg1[%get3A, %get3A_0, %get3A_1, %get3A_2] : memref<1x2x480x640xf32, #tpu.memory_space<vmem>>, vector<1x2x480x640xf32>
    %get3A_4 = arith.constant 0 : index
    %get3A_5 = arith.constant 0 : index
    %get3A_6 = arith.constant 0 : index
    %get3A_7 = arith.constant 0 : index
    %get3A_8 = vector.load %arg2[%get3A_4, %get3A_5, %get3A_6, %get3A_7] : memref<1x2x480x640xf32, #tpu.memory_space<vmem>>, vector<1x2x480x640xf32>
    %gt3A = arith.constant 0.000000e+00 : f32
    %gt3A_9 = vector.broadcast %gt3A : f32 to vector<1x2x480x640xf32>
    %gt3A_10 = arith.cmpf ogt, %get3A_8, %gt3A_9 : vector<1x2x480x640xf32>
    %gt3A_11 = arith.constant 0.000000e+00 : f32
    %gt3A_12 = vector.broadcast %gt3A_11 : f32 to vector<1x2x480x640xf32>
    %gt3A_13 = arith.cmpf ogt, %get3A_8, %gt3A_12 : vector<1x2x480x640xf32>
    %jit3A = arith.constant 1.000000e+00 : f64
    %convert_element_type3A = arith.truncf %jit3A : f64 to f32
    %broadcast_in_dim3A = vector.broadcast %convert_element_type3A : f32 to vector<1x2x480x640xf32>
    %select_n3A = arith.select %gt3A_13, %get3A_8, %broadcast_in_dim3A : vector<1x2x480x640xi1>, vector<1x2x480x640xf32>
    %div3A = arith.divf %get3A_3, %select_n3A : vector<1x2x480x640xf32>
    %select_n3A_14 = arith.select %gt3A_10, %div3A, %get3A_3 : vector<1x2x480x640xi1>, vector<1x2x480x640xf32>
    %swap3A = arith.constant 0 : index
    %swap3A_15 = arith.constant 0 : index
    %swap3A_16 = arith.constant 0 : index
    %swap3A_17 = arith.constant 0 : index
    %swap3A_18 = vector.load %arg3[%swap3A, %swap3A_15, %swap3A_16, %swap3A_17] : memref<1x2x480x640xf32, #tpu.memory_space<vmem>>, vector<1x2x480x640xf32>
    tpu.vector_store %arg3[%swap3A, %swap3A_15, %swap3A_16, %swap3A_17], %select_n3A_14 {strides = array<i32>} : memref<1x2x480x640xf32, #tpu.memory_space<vmem>>, vector<1x2x480x640xf32>,
    return
  }
  func.func @transform_0(%arg0: i32) -> (i32, i32, i32, i32) {
    %c0_i32 = arith.constant 0 : i32
    %c0_i32_0 = arith.constant 0 : i32
    %c0_i32_1 = arith.constant 0 : i32
    %c0_i32_2 = arith.constant 0 : i32
    return %arg0, %c0_i32, %c0_i32_0, %c0_i32_1 : i32, i32, i32, i32
  }
  func.func @transform_1(%arg0: i32) -> (i32, i32, i32, i32) {
    %c0_i32 = arith.constant 0 : i32
    %c0_i32_0 = arith.constant 0 : i32
    %c0_i32_1 = arith.constant 0 : i32
    %c0_i32_2 = arith.constant 0 : i32
    return %arg0, %c0_i32, %c0_i32_0, %c0_i32_1 : i32, i32, i32, i32
  }
  func.func @transform_2(%arg0: i32) -> (i32, i32, i32, i32) {
    %c0_i32 = arith.constant 0 : i32
    %c0_i32_0 = arith.constant 0 : i32
    %c0_i32_1 = arith.constant 0 : i32
    %c0_i32_2 = arith.constant 0 : i32
    return %arg0, %c0_i32, %c0_i32_0, %c0_i32_1 : i32, i32, i32, i32
  }
}

</mosaic_0001>

<sc_bundles>
// kernel: gather_offload_async_start.1
scs
__scs_entry_jumppad:
0x0: {  	(pc) =	sbr.rel $0x88, $3  }
0x1: {  	(tag) =	ssettag $0x0;
	lr =	simm.s32 $0x1  }
0x2: {  	[smem:$0x3F9F] =	sst lr;
	_ =	strace $0xD0000000  }
0x3: {  	_ = 	snop  }
0x4: {  	_ = 	snop  }
0x5: {  	_ = 	snop  }
0x6: {  	_ = 	snop  }
0x7: {  	_ = 	snop  }
__scs_overlays_trampoline_lowered:
0x8: {  	[smem:$0x3FAE] =	sst s0  }
0x9: {  	[smem:$0x3FAF] =	sst s1  }
0xa: {  	[smem:$0x3FB0] =	sst s2  }
0xb: {  	[smem:$0x3FB1] =	sst s3  }
0xc: {  	[smem:$0x3FB2] =	sst s4  }
0xd: {  	[smem:$0x3FB3] =	sst s5  }
0xe: {  	[smem:$0x3FB4] =	sst s6  }
0xf: {  	[smem:$0x3FB5] =	sst s7  }
0x10: {  	[smem:$0x3FB6] =	sst s8  }
0x11: {  	[smem:$0x3FB7] =	sst s9;
	s0 =	simm.s32 @!p0 $0x0  }
0x12: {  	s1 =	sld [smem:$0x3F9D];
	s0 =	simm.s32 @p0 $0x1  }
0x13: {  	[smem:$0x3FB8] =	sst s0;
	s0 =	simm.s32 @!p1 $0x0  }
0x14: {  	s2 =	sld [smem:$0x3F9C];
	s0 =	simm.s32 @p1 $0x1  }
0x15: {  	[smem:$0x3FB9] =	sst s0;
	s0 =	simm.s32 @!p2 $0x0  }
0x16: {  	s3 =	sld [smem:$0x3FDB];
	s0 =	simm.s32 @p2 $0x1  }
0x17: {  	s4 =	simm.s32 $0x1BF5;
	[smem:$0x3FBB] =	sst s0  }
0x18: {  	s0 =	sld [smem:$0x3F9E];
	_ =	swait.ge [sflag:s4], $0x0  }
0x19: {  	s7 =	sld [smem:$0x3F9F]  }
0x1a: {  	s8 =	sadd.s32 $0xFFFFE003, lr  }
0x1b: {  	s9 =	sadd.s32 $0xFFFFFEF7, lr;
	s5 =	simm.s32 $0xFFFFFFFF;
	p2 =	slt.u32 s8, $0xFFFFF086  }
0x1c: {  	p1 =	slt.u32 s9, $0xF7A;
	s5 =	simm.s32 @!p2 $0x0  }
0x1d: {  	s5 =	simm.s32 @p1 $0x1;
	p0 =	seq.s32 s7, s2  }
0x1e: {  	s7 =	smul.u32 @!p0 $0xF7A, s2;
	p2 =	seq.s32 @!p0 s5, $0x0  }
0x1f: {  	s9 =	smul.u32 $0xF7A, s1;
	s8 =	simm.s32 @!p0 $0x1BF5;
	p2 =	por !p2, p0  }
0x20: {  	[sflag:s8] =	ssyncset.s32 @!p0 $0xFFFFF086;
	s6 =	sadd.s32 @!p0 s3, s7;
	s7 =	simm.s32 @!p0 $0x108  }
0x21: {  	s3 =	sadd.s32 s3, s9;
	s6 =	sadd.s32 @!p0 $0x88, s6;
	s7 =	simm.s32 @p2 $0x1082  }
0x22: {  	[simem:s7], [sflag:s8] =	dma.local @!p0 [hbm:s6], $0xF7A  }
0x23: {  	s9 =	sor.u32 $0xD0000000, s2;
	s6 =	simm.s32 $0x108;
	_ =	swait.ge @!p0 [sflag:s8], $0x0  }
0x24: {  	s3 =	sadd.s32 $0x88, s3;
	s6 =	simm.s32 @!p1 $0x1082;
	[sflag:s4] =	ssyncset.s32 $0xFFFFF086  }
0x25: {  	[simem:s6], [sflag:s4] =	dma.local [hbm:s3], $0xF7A  }
0x26: {  	[smem:$0x3F9F] =	sst s1;
	(tag) =	ssettag s2;
	_ =	strace s9  }
0x27: {  	s1 =	sld [smem:$0x3FAF]  }
0x28: {  	s2 =	sld [smem:$0x3FB0]  }
0x29: {  	s4 =	sld [smem:$0x3FB2]  }
0x2a: {  	p0 =	seq.s32 s5, $0x0;
	s5 =	sld [smem:$0x3FB3]  }
0x2b: {  	s6 =	sld [smem:$0x3FB4]  }
0x2c: {  	s7 =	sld [smem:$0x3FB5]  }
0x2d: {  	s3 =	simm.s32 $0x108;
	s8 =	sld [smem:$0x3FB6]  }
0x2e: {  	s3 =	simm.s32 @!p0 $0x1082;
	s9 =	sld [smem:$0x3FB7]  }
0x2f: {  	lr =	sadd.s32 s0, s3;
	s0 =	sld [smem:$0x3FAE]  }
0x30: {  	s3 =	sld [smem:$0x3FB1]  }
0x31: {  	[smem:$0x3FBA] =	sst s10  }
0x32: {  	s10 =	sld [smem:$0x3FB8];
	_ =	sdelay $0x3  }
0x33: {  	p0 =	seq.s32 s10, $0x1;
	s10 =	sld [smem:$0x3FBA];
	_ =	sdelay $0x3  }
0x34: {  	[smem:$0x3FBA] =	sst s10  }
0x35: {  	s10 =	sld [smem:$0x3FB9];
	_ =	sdelay $0x3  }
0x36: {  	p1 =	seq.s32 s10, $0x1;
	s10 =	sld [smem:$0x3FBA];
	_ =	sdelay $0x3  }
0x37: {  	[smem:$0x3FBA] =	sst s10  }
0x38: {  	s10 =	sld [smem:$0x3FBB]  }
0x39: {  	_ = 	snop;
	(pc) =	sbr.ind lr, $3  }
0x3a: {  	_ = 	snop  }
0x3b: {  	_ = 	snop  }
0x3c: {  	p2 =	seq.s32 s10, $0x1;
	s10 =	sld [smem:$0x3FBA]  }
0x3d: {  	_ =	shalt  }
0x3e: {  	_ =	shalt  }
0x3f: {  	_ =	shalt  }
0x40: {  	_ =	shalt  }
0x41: {  	_ =	shalt  }
0x42: {  	_ =	shalt  }
0x43: {  	_ =	shalt  }
0x44: {  	_ =	shalt  }
0x45: {  	_ =	shalt  }
0x46: {  	_ =	shalt  }
0x47: {  	_ =	shalt  }
0x48: {  	_ =	shalt  }
0x49: {  	_ =	shalt  }
0x4a: {  	_ =	shalt  }
0x4b: {  	_ =	shalt  }
0x4c: {  	_ =	shalt  }
0x4d: {  	_ =	shalt  }
0x4e: {  	_ =	shalt  }
0x4f: {  	_ =	shalt  }
0x50: {  	_ =	shalt  }
0x51: {  	_ =	shalt  }
0x52: {  	_ =	shalt  }
0x53: {  	_ =	shalt  }
0x54: {  	_ =	shalt  }
0x55: {  	_ =	shalt  }
0x56: {  	_ =	shalt  }
0x57: {  	_ =	shalt  }
0x58: {  	_ =	shalt  }
0x59: {  	_ =	shalt  }
0x5a: {  	_ =	shalt  }
0x5b: {  	_ =	shalt  }
0x5c: {  	_ =	shalt  }
0x5d: {  	_ =	shalt  }
0x5e: {  	_ =	shalt  }
0x5f: {  	_ =	shalt  }
0x60: {  	_ =	shalt  }
0x61: {  	_ =	shalt  }
0x62: {  	_ =	shalt  }
0x63: {  	_ =	shalt  }
0x64: {  	_ =	shalt  }
0x65: {  	_ =	shalt  }
0x66: {  	_ =	shalt  }
0x67: {  	_ =	shalt  }
0x68: {  	_ =	shalt  }
0x69: {  	_ =	shalt  }
0x6a: {  	_ =	shalt  }
0x6b: {  	_ =	shalt  }
0x6c: {  	_ =	shalt  }
0x6d: {  	_ =	shalt  }
0x6e: {  	_ =	shalt  }
0x6f: {  	_ =	shalt  }
0x70: {  	_ =	shalt  }
0x71: {  	_ =	shalt  }
0x72: {  	_ =	shalt  }
0x73: {  	_ =	shalt  }
0x74: {  	_ =	shalt  }
0x75: {  	_ =	shalt  }
0x76: {  	_ =	shalt  }
0x77: {  	_ =	shalt  }
0x78: {  	_ =	shalt  }
0x79: {  	_ =	shalt  }
0x7a: {  	_ =	shalt  }
0x7b: {  	_ =	shalt  }
0x7c: {  	_ =	shalt  }
0x7d: {  	_ =	shalt  }
0x7e: {  	_ =	shalt  }
0x7f: {  	_ =	shalt  }
0x80: {  	_ =	shalt  }
0x81: {  	_ =	shalt  }
0x82: {  	_ =	shalt  }
0x83: {  	_ =	shalt  }
0x84: {  	_ =	shalt  }
0x85: {  	_ =	shalt  }
0x86: {  	_ =	shalt  }
0x87: {  	_ =	shalt  }
.Lfunc_end0:
.L_simem_size_0:
called_computation.5_lowered:
.L_overlay_start_0:
0x88: {  	s2 =	sld [smem:$0x3FD9]  }
0x89: {  	s3 =	sld [smem:$0x3FFE];
	_ =	sdelay $0x1  }
0x8a: {  	s1 =	srdreg.scid  }
0x8b: {  	s0 =	sand.u32 $0x1, s1  }
0x8c: {  	s16 =	sshll.u32 s0, $0xA;
	s2 =	sadd.s32 s3, s2  }
0x8d: {  	s2 =	sadd.s32 s2, s16  }
0x8e: {  	[smem:$0x3FC6] =	sst s2  }
0x8f: {  	_ = 	snop  }
0x90: {  	(tm) =	ssettm $0x1  }
0x91: {  	s17 =	sld [smem:$0x3FFB];
	_ =	sdelay $0x3  }
0x92: {  	_ =	strace s17  }
0x93: {  	s2 =	sld [smem:$0x3FFC];
	_ =	sdelay $0x3  }
0x94: {  	_ =	strace s2  }
0x95: {  	s2 =	sld [smem:$0x3FFD];
	_ =	sdelay $0x3  }
0x96: {  	_ =	strace s2  }
0x97: {  	_ =	strace $0x8FFFFFFF  }
0x98: {  	s18 =	sld [smem:$0x3FDB];
	_ =	sdelay $0x1  }
0x99: {  	s19 =	simm.s32 $_scs_section_size  }
0x9a: {  	s4 =	simm.s32 $_size__tile_overlayer_lowered;
	s5 =	simm.s32 $_tile_overlayer_lowered  }
0x9b: {  	s22 =	simm.s32 $0x1BFF;
	s21 =	sshll.u32 s5, $0x1;
	s2 =	sadd.s32 s19, s18  }
0x9c: {  	s6 =	simm.s32 $0x0;
	s20 =	sshll.u32 s4, $0x1;
	s4 =	sadd.s32 s21, s2  }
0x9d: {  	[timem:s6], [sflag:s22] =	dma.local [hbm:s4], s20  }
0x9e: {  	_ =	swait.ge [sflag:s22], s20  }
0x9f: {  	s3 =	ssub.s32 $0x0, s20;
	[sflag:s22] =	ssyncset.done $0x0  }
0xa0: {  	[sflag:s22] =	ssyncadd.s32 s3;
	_ =	sdelay $0x1  }
0xa1: {  	s23 =	simm.s32 $0x1B8B  }
0xa2: {  	_ =	swait.ge [sflag:s23], $0x1  }
0xa3: {  	[sflag:s23] =	ssyncset.done $0x0  }
0xa4: {  	s25 =	simm.s32 $0x1B8E;
	s24 =	sld [smem:$0x3FFE];
	[sflag:s23] =	ssyncadd.s32 $0xFFFFFFFF  }
0xa5: {  	s26 =	simm.s32 $execute0_lowered;
	[smem:$0x3FD2] =	sst s25  }
0xa6: {  	s4 =	sshll.u32 s26, $0x1;
	_ =	strace $0x80000046;
	[dreg:$0x1] =	wrdreg $0xFFFFFFFF  }
0xa7: {  	s28 =	simm.s32 $_size_execute0_lowered;
	s2 =	sadd.s32 s2, s4;
	[dreg:$0x0] =	wrdreg $0x0  }
0xa8: {  	s4 =	sshll.u32 s28, $0x1;
	[dreg:$0x2] =	wrdreg s2  }
0xa9: {  	[dreg:$0x3] =	wrdreg s4  }
0xaa: {  	[dreg:$0x4] =	wrdreg $0xC0  }
0xab: {  	_ =	task [dreg:s6], $0x5FFFF  }
0xac: {  	[dreg:$0x1] =	wrdreg $0xFFFFFFFF  }
0xad: {  	[dreg:$0x0] =	wrdreg $0x60  }
0xae: {  	[dreg:$0x2] =	wrdreg s24  }
0xaf: {  	[dreg:$0x3] =	wrdreg $0x9  }
0xb0: {  	_ =	task.clear_ibuf [dreg:s6], $0x4FFFF;
	_ =	strace $0x90000046  }
0xb1: {  	s29 =	simm.s32 $0x9;
	_ =	strace $0x80000048  }
0xb2: {  	_ =	swait.ge [sflag:s29], $0x1  }
0xb3: {  	[sflag:s29] =	ssyncadd.s32 $0xFFFFFFFF  }
0xb4: {  	_ =	strace $0x90000048  }
0xb5: {  	_ =	sfence  }
0xb6: {  	s30 =	sld [smem:$0x0];
	_ =	sdelay $0x2  }
0xb7: {  	s31 =	sshll.u32 s1, $0xD;
	s1 =	sshrl.u32 s1, $0x2  }
0xb8: {  	s3 =	sand.u32 $0x4000, s31;
	s1 =	sadd.s32 s1, s30  }
0xb9: {  	s0 =	sor.u32 s3, s0;
	s1 =	sshll.u32 s1, $0x11  }
0xba: {  	s0 =	sor.u32 s1, s0  }
0xbb: {  	s0 =	sadd.s32 $0x8F2B, s0  }
0xbc: {  	[sflag:s0] =	ssyncadd.remote.s32 $0x1  }
0xbd: {  	_ =	sfence.sel $0xFFFF  }
0xbe: {  	[dreg:$0x0] =	wrdreg $0xFFFFFFFF;
	(pc) =	sbr.abs _section_cstart, $3  }
0xbf: {  	[dreg:$0x1] =	wrdreg $0xFFFFFFFF  }
0xc0: {  	_ =	task.clear_ibuf [dreg:s6], $0x2FFFF;
	_ =	strace $0x9FFFFFFF  }
0xc1: {  	(tm) =	ssettm $0x7FFFFFFF  }
tec
execute0_lowered:
.L_overlay_start_1:
0x0: {  	(tag) =	ssettag $0x1  }
0x1: {  	s0 =	srdreg.scid;
	s5 =	rddreg [dreg:$0x0]  }
0x2: {  	s1 =	stileid.u32;
	s6 =	simm.s32 $0x1;
	s9 =	simm.s32 $0x1  }
0x3: {  	s10 =	simm.s32 $0x3;
	s13 =	simm.s32 $0x0;
	s2 =	sshll.u32 s0, $0xE  }
0x4: {  	s12 =	simm.s32 $0x0;
	s3 =	sshll.u32 s1, $0xF;
	s2 =	sand.u32 $0x4000, s2  }
0x5: {  	s0 =	rddreg [dreg:$0x1];
	_ =	strace $0x80000047;
	s2 =	sor.u32 s3, s2  }
0x6: {  	s4 =	sadd.s32 $0x80000, s5;
	[sflag:s6] =	ssyncpa.u1 $0x0;
	s8 =	ssub.s32 $0x100000, s2  }
.Ltmp0:
0x7: {  	s3 =	sadd.s32 $0xA0000, s5;
	s7 =	sand.u32 $0x7C000, s8;
	(pc) =	sbr.rel .LBB2_1-.Ltmp0, $4  }
0x8: {  	s5 =	sadd.s32 $0xEB000, s5;
	s11 =	smov.u32 s2;
	p0 =	sne.s32 s7, $0x0  }
0x9: {  	s8 =	sshrl.u32 s8, $0x13;
	s7 =	simm.s32 $0x2;
	s9 =	simm.s32 @!p0 $0x0  }
0xa: {  	[sflag:s7] =	ssyncpa.u1 $0x0;
	p0 =	por $0x0, $0x0;
	s8 =	sadd.s32 s9, s8  }
0xb: {  	vm0 =	vmmov $0xffff;
	[sflag:s10] =	ssyncpa.u1 $0x0;
	s10 =	simm.s32 $0x0;
	s9 =	sadd.s32 $0x1, s8  }
.LBB2_4:
0xc: {  	vm1 =	veq.s32 v4, $0x80000000;
	v56 =	vand.u32 $0x7, v4;
	v6 =	vand.u32 $0x7FFFF, v6  }
0xd: {  	v2 =	vor.u32 v2, v5;
	v59 =	vshrl.u32 v1, $0x3;
	v60 =	vand.u32 $0x7, v1  }
0xe: {  	v4 =	vsel vm1, $0xFFFFFFFF, v56;
	v6 =	vsel vm1, $0xFFFFFFFF, v6;
	v2 =	vor.u32 v3, v2  }
0xf: {  	vm1 =	veq.s32 v1, $0x80000000;
	v5 =	vand.u32 $0x7FFFF, v59;
	v7 =	vshrl.u32 v4, $0x3  }
0x10: {  	v57 =	vshll.u32 v6, $0x3;
	v4 =	vshll.u32 v4, $0x7;
	v1 =	vsel vm1, $0xFFFFFFFF, v60  }
0x11: {  	v5 =	vsel vm1, $0xFFFFFFFF, v5;
	v6 =	vand.u32 $0x7F, v6;
	v7 =	vmul.u32 $0x258000, v7  }
0x12: {  	v58 =	vand.u32 $0xFFFFFC00, v57;
	v4 =	vand.u32 $0x380, v4;
	v61 =	vshrl.u32 v1, $0x3  }
0x13: {  	v62 =	vshll.u32 v5, $0x3;
	v3 =	vadd.s32 v7, v58;
	v7 =	vmul.u32 $0x258000, v61  }
0x14: {  	v1 =	vshll.u32 v1, $0x7;
	v3 =	vor.u32 v4, v3;
	v4 =	vand.u32 $0xFFFFFC00, v62  }
0x15: {  	v1 =	vand.u32 $0x380, v1;
	v3 =	vor.u32 v6, v3;
	v4 =	vadd.s32 v7, v4  }
0x16: {  	[tilespmem:s16], [sflag:$0x1] =	stream.indirect_vreg.gather [hbm4b:s3+s10], $0x1, v0, vm0, $0x4038;
	v63 =	vand.u32 $0x7F, v5;
	v1 =	vor.u32 v1, v4;
	[tilespmem:$0x10000] =	vst v63  }
0x17: {  	s15 =	sadd.s32 $0x10, s15;
	(ifvalue) =	ssetifvalue $0x7FFFFFFF;
	v0 =	vor.u32 v63, v1  }
0x18: {  	[tilespmem:s15], [sflag:$0x1] =	stream.indirect_vreg.gather [hbm4b:s3+s10], $0x1, v2, vm0, $0x4038;
	[tilespmem:$0x10000] =	vst v63  }
0x19: {  	s15 =	sadd.s32 $0x10, s15;
	(ifvalue) =	ssetifvalue $0x7FFFFFFF  }
0x1a: {  	[tilespmem:s15], [sflag:$0x1] =	stream.indirect_vreg.gather [hbm4b:s3+s10], $0x1, v3, vm0, $0x4038;
	[tilespmem:$0x10000] =	vst v63  }
0x1b: {  	s15 =	sadd.s32 $0x10, s15;
	(ifvalue) =	ssetifvalue $0x7FFFFFFF  }
0x1c: {  	[tilespmem:s15], [sflag:$0x1] =	stream.indirect_vreg.gather [hbm4b:s3+s10], $0x1, v0, vm0, $0x4038;
	[tilespmem:$0x10000] =	vst v63  }
0x1d: {  	_ =	swait.ge [sflag:s6], $0x4000  }
0x1e: {  	s30 =	sshrl.u32 s13, $0x3;
	[sflag:s6] =	ssyncset.done $0x0  }
0x1f: {  	s31 =	sand.u32 $0x7, s13;
	s15 =	sadd.s32 s5, s30;
	[sflag:s6] =	ssyncadd.s32 $0xFFFFC000  }
0x20: {  	[hbm4b:s15+s31] =	stream.linear.scatter [tilespmem:s14], [sflag:$0x3], $0x4000, $0x38;
	[tilespmem:$0x10000] =	vst v63  }
.LBB2_5:
0x21: {  	s15 =	sadd.s32 $0x80000, s11  }
0x22: {  	p2 =	sgt.s32 s15, $0xFFFFF  }
0x23: {  	s15 =	smov.u32 @p2 s2;
	p2 =	sne.s32 s12, s9  }
.Ltmp1:
0x24: {  	p1 =	slt.u32 s12, $0x2;
	(pc) =	sbr.rel @!p2 .LBB2_6-.Ltmp1, $4  }
0x25: {  	s14 =	simm.s32 @!p1 $0x3  }
0x26: {  	s16 =	sadd.s32 $0x1, s12;
	_ =	swait.ge @!p1 [sflag:s14], $0x4000  }
0x27: {  	s13 =	smov.u32 s11;
	p0 =	por !p0, !p0;
	[sflag:s14] =	ssyncset.done @!p1 $0x0  }
0x28: {  	s12 =	smov.u32 s16;
	s11 =	smov.u32 s15;
	[sflag:s14] =	ssyncadd.s32 @!p1 $0xFFFFC000  }
.LBB2_1:
0x29: {  	p1 =	sge.u32 s12, s8  }
0x2a: {  	s14 =	sxor.u32 @!p1 $0xFFFFFFFF, s12  }
0x2b: {  	s31 =	sadd.s32 $0xFFFFFFFF, s12;
	s15 =	sshrl.u32 @!p1 s11, $0x3;
	s14 =	sshll.u32 @!p1 s14, $0xE  }
0x2c: {  	s16 =	sand.u32 @!p1 $0x7, s11;
	s15 =	sadd.s32 @!p1 s4, s15;
	s14 =	sand.u32 @!p1 $0x4000, s14  }
0x2d: {  	[tilespmem:s14], [sflag:$0x2] =	stream.linear.gather @!p1 [hbm4b:s15+s16], $0x4000, $0x38;
	[tilespmem:$0x10000] =	vst v63  }
0x2e: {  	p1 =	sge.u32 s31, s8  }
.Ltmp2:
0x2f: {  	_ = 	snop;
	(pc) =	sbr.rel @p1 .LBB2_5-.Ltmp2, $1  }
0x30: {  	_ =	sdelay $0x3  }
0x31: {  	s14 =	simm.s32 $0x1  }
0x32: {  	_ =	swait.ge [sflag:s7], $0x4000;
	s14 =	simm.s32 @!p0 $0x0  }
0x33: {  	[sflag:s7] =	ssyncset.done $0x0;
	s14 =	sshll.u32 s14, $0xE  }
0x34: {  	[sflag:s7] =	ssyncadd.s32 $0xFFFFC000;
	(ifvalue) =	ssetifvalue $0x7FFFFFFF;
	v0 =	vld.msk [tilespmem:s14+$0x0 ss:$0x1], $0xffff  }
0x35: {  	s15 =	sadd.s32 $0x10, s14  }
0x36: {  	v1 =	vld.msk [tilespmem:s15+$0x0 ss:$0x1], $0xffff;
	_ =	sdelay $0x2  }
0x37: {  	v2 =	vshrl.u32 v0, $0x3  }
0x38: {  	vm1 =	veq.s32 v0, $0x80000000;
	v0 =	vand.u32 $0x7, v0;
	v2 =	vand.u32 $0x7FFFF, v2  }
0x39: {  	v0 =	vsel vm1, $0xFFFFFFFF, v0;
	v6 =	vshrl.u32 v1, $0x3;
	v2 =	vsel vm1, $0xFFFFFFFF, v2  }
0x3a: {  	v3 =	vshrl.u32 v0, $0x3;
	v0 =	vshll.u32 v0, $0x7;
	vm1 =	veq.s32 v1, $0x80000000  }
0x3b: {  	s15 =	sadd.s32 $0x10, s15;
	v1 =	vand.u32 $0x7, v1;
	v4 =	vshll.u32 v2, $0x3;
	v3 =	vmul.u32 $0x258000, v3  }
0x3c: {  	v0 =	vand.u32 $0x380, v0;
	v7 =	vand.u32 $0x7F, v2;
	v5 =	vand.u32 $0xFFFFFC00, v4;
	v4 =	vld.msk [tilespmem:s15+$0x0 ss:$0x1], $0xffff  }
0x3d: {  	v1 =	vsel vm1, $0xFFFFFFFF, v1;
	v2 =	vadd.s32 v3, v5;
	v3 =	vand.u32 $0x7FFFF, v6  }
0x3e: {  	v3 =	vsel vm1, $0xFFFFFFFF, v3;
	v0 =	vor.u32 v0, v2;
	v2 =	vshrl.u32 v1, $0x3  }
0x3f: {  	s16 =	sshll.u32 s12, $0xE;
	s18 =	simm.s32 $0x30;
	v1 =	vshll.u32 v1, $0x7;
	v5 =	vshll.u32 v3, $0x3;
	v8 =	vmul.u32 $0x258000, v2  }
0x40: {  	s31 =	sand.u32 $0x4000, s16;
	s17 =	sadd.s32 $0x10, s15;
	s15 =	sor.u32 $0x8000, s14;
	v2 =	vand.u32 $0x380, v1;
	v0 =	vor.u32 v7, v0;
	v5 =	vand.u32 $0xFFFFFC00, v5  }
0x41: {  	s14 =	sor.u32 $0x8000, s31;
	s16 =	smov.u32 s15;
	v1 =	vld.msk [tilespmem:s17+$0x0 ss:$0x1], $0xffff;
	v3 =	vand.u32 $0x7F, v3;
	(ifvalue) =	ssetifvalue $0x7FFFFFFF;
	v6 =	vshrl.u32 v4, $0x3;
	v5 =	vadd.s32 v8, v5  }
.LBB2_3:
0x42: {  	s18 =	sadd.s32 $0x10, s18  }
0x43: {  	vm1 =	veq.s32 v4, $0x80000000;
	v4 =	vand.u32 $0x7, v4;
	v6 =	vand.u32 $0x7FFFF, v6;
	s15 =	sadd.s32 $0x10, s15;
	p1 =	slt.u32 s18, $0x3FF0  }
.Ltmp3:
0x44: {  	v5 =	vor.u32 v2, v5;
	v4 =	vsel vm1, $0xFFFFFFFF, v4;
	v7 =	vsel vm1, $0xFFFFFFFF, v6;
	(pc) =	sbr.rel @p1 .LBB2_3-.Ltmp3, $4  }
0x45: {  	v2 =	vshrl.u32 v4, $0x3;
	v6 =	vshll.u32 v7, $0x3;
	v4 =	vshll.u32 v4, $0x7;
	[tilespmem:s16], [sflag:$0x1] =	stream.indirect_vreg.gather [hbm4b:s3+s10], $0x1, v0, vm0, $0x4038;
	[tilespmem:$0x10000] =	vst v63  }
0x46: {  	v0 =	vor.u32 v3, v5;
	s16 =	smov.u32 s15;
	v8 =	vmul.u32 $0x258000, v2;
	v2 =	vand.u32 $0x380, v4  }
0x47: {  	s17 =	sadd.s32 $0x10, s17;
	v9 =	vand.u32 $0xFFFFFC00, v6  }
0x48: {  	v3 =	vand.u32 $0x7F, v7;
	v6 =	vshrl.u32 v1, $0x3;
	v5 =	vadd.s32 v8, v9;
	(ifvalue) =	ssetifvalue $0x7FFFFFFF;
	v4 =	vmovc v1;
	v1 =	vld.msk [tilespmem:s17+$0x0 ss:$0x1], $0xffff  }
.Ltmp4:
0x49: {  	_ = 	snop;
	(pc) =	sbr.rel .LBB2_4-.Ltmp4, $1  }
0x4a: {  	_ =	sdelay $0x3  }
.LBB2_6:
0x4b: {  	_ =	sfence.sel $0x180000  }
0x4c: {  	s2 =	simm.s32 $0x2;
	[bflag:$0x0] =	sbarrier.arrive $0xFFFF  }
0x4d: {  	s30 =	simm.s32 $0x3;
	[sflag:s2] =	ssyncpa.u1 $0x1  }
0x4e: {  	s31 =	simm.s32 $0x1;
	[sflag:s30] =	ssyncpa.u1 $0x1  }
0x4f: {  	[sflag:s31] =	ssyncpa.u1 $0x1  }
0x50: {  	p0 =	sne.s32 s1, $0x0;
	_ =	strace $0x90000047  }
0x51: {  	s0 =	sadd.s32 @!p0 $0x100000, s0;
	[bflag:$0x2] =	sbarrier.arrive $0xFFFF  }
0x52: {  	[sflag:s0] =	ssyncadd.tile.s32 @!p0 $0x1;
	_ =	shalt  }
.Lfunc_end2:
_tile_overlayer_lowered:
.L_overlay_start_2:
0x53: {  	(tag) =	ssettag $0x2  }
0x54: {  	s0 =	rddreg [dreg:$0x0];
	s2 =	stileid.u32  }
0x55: {  	s1 =	rddreg [dreg:$0x1];
	p0 =	sne.s32 s2, $0x0  }
0x56: {  	s3 =	rddreg [dreg:$0x2];
	[bflag:$0x3] =	sbarrier.arrive $0xFFFF;
	s2 =	simm.s32 @!p0 $0x1C01  }
0x57: {  	[timem:s3], [sflag:s2] =	dma.local @!p0 [hbm:s0], s1  }
0x58: {  	s0 =	simm.s32 @!p0 $0x1  }
0x59: {  	_ =	swait.ge @!p0 [sflag:s0], s1  }
0x5a: {  	s1 =	ssub.s32 @!p0 $0x0, s1;
	[sflag:s0] =	ssyncset.done @!p0 $0x0  }
0x5b: {  	[sflag:s0] =	ssyncadd.s32 @!p0 s1  }
0x5c: {  	[bflag:$0x3] =	sbarrier.arrive $0xFFFF  }
0x5d: {  	_ =	shalt  }

// kernel: gather_offload_async_start
scs
__scs_entry_jumppad:
0x0: {  	(pc) =	sbr.rel $0x88, $3  }
0x1: {  	(tag) =	ssettag $0x0;
	lr =	simm.s32 $0x1  }
0x2: {  	[smem:$0x3F9F] =	sst lr;
	_ =	strace $0xD0000000  }
0x3: {  	_ = 	snop  }
0x4: {  	_ = 	snop  }
0x5: {  	_ = 	snop  }
0x6: {  	_ = 	snop  }
0x7: {  	_ = 	snop  }
__scs_overlays_trampoline_lowered:
0x8: {  	[smem:$0x3FAE] =	sst s0  }
0x9: {  	[smem:$0x3FAF] =	sst s1  }
0xa: {  	[smem:$0x3FB0] =	sst s2  }
0xb: {  	[smem:$0x3FB1] =	sst s3  }
0xc: {  	[smem:$0x3FB2] =	sst s4  }
0xd: {  	[smem:$0x3FB3] =	sst s5  }
0xe: {  	[smem:$0x3FB4] =	sst s6  }
0xf: {  	[smem:$0x3FB5] =	sst s7  }
0x10: {  	[smem:$0x3FB6] =	sst s8  }
0x11: {  	[smem:$0x3FB7] =	sst s9;
	s0 =	simm.s32 @!p0 $0x0  }
0x12: {  	s1 =	sld [smem:$0x3F9D];
	s0 =	simm.s32 @p0 $0x1  }
0x13: {  	[smem:$0x3FB8] =	sst s0;
	s0 =	simm.s32 @!p1 $0x0  }
0x14: {  	s2 =	sld [smem:$0x3F9C];
	s0 =	simm.s32 @p1 $0x1  }
0x15: {  	[smem:$0x3FB9] =	sst s0;
	s0 =	simm.s32 @!p2 $0x0  }
0x16: {  	s3 =	sld [smem:$0x3FDB];
	s0 =	simm.s32 @p2 $0x1  }
0x17: {  	s4 =	simm.s32 $0x1BF5;
	[smem:$0x3FBB] =	sst s0  }
0x18: {  	s0 =	sld [smem:$0x3F9E];
	_ =	swait.ge [sflag:s4], $0x0  }
0x19: {  	s7 =	sld [smem:$0x3F9F]  }
0x1a: {  	s8 =	sadd.s32 $0xFFFFE003, lr  }
0x1b: {  	s9 =	sadd.s32 $0xFFFFFEF7, lr;
	s5 =	simm.s32 $0xFFFFFFFF;
	p2 =	slt.u32 s8, $0xFFFFF086  }
0x1c: {  	p1 =	slt.u32 s9, $0xF7A;
	s5 =	simm.s32 @!p2 $0x0  }
0x1d: {  	s5 =	simm.s32 @p1 $0x1;
	p0 =	seq.s32 s7, s2  }
0x1e: {  	s7 =	smul.u32 @!p0 $0xF7A, s2;
	p2 =	seq.s32 @!p0 s5, $0x0  }
0x1f: {  	s9 =	smul.u32 $0xF7A, s1;
	s8 =	simm.s32 @!p0 $0x1BF5;
	p2 =	por !p2, p0  }
0x20: {  	[sflag:s8] =	ssyncset.s32 @!p0 $0xFFFFF086;
	s6 =	sadd.s32 @!p0 s3, s7;
	s7 =	simm.s32 @!p0 $0x108  }
0x21: {  	s3 =	sadd.s32 s3, s9;
	s6 =	sadd.s32 @!p0 $0x88, s6;
	s7 =	simm.s32 @p2 $0x1082  }
0x22: {  	[simem:s7], [sflag:s8] =	dma.local @!p0 [hbm:s6], $0xF7A  }
0x23: {  	s9 =	sor.u32 $0xD0000000, s2;
	s6 =	simm.s32 $0x108;
	_ =	swait.ge @!p0 [sflag:s8], $0x0  }
0x24: {  	s3 =	sadd.s32 $0x88, s3;
	s6 =	simm.s32 @!p1 $0x1082;
	[sflag:s4] =	ssyncset.s32 $0xFFFFF086  }
0x25: {  	[simem:s6], [sflag:s4] =	dma.local [hbm:s3], $0xF7A  }
0x26: {  	[smem:$0x3F9F] =	sst s1;
	(tag) =	ssettag s2;
	_ =	strace s9  }
0x27: {  	s1 =	sld [smem:$0x3FAF]  }
0x28: {  	s2 =	sld [smem:$0x3FB0]  }
0x29: {  	s4 =	sld [smem:$0x3FB2]  }
0x2a: {  	p0 =	seq.s32 s5, $0x0;
	s5 =	sld [smem:$0x3FB3]  }
0x2b: {  	s6 =	sld [smem:$0x3FB4]  }
0x2c: {  	s7 =	sld [smem:$0x3FB5]  }
0x2d: {  	s3 =	simm.s32 $0x108;
	s8 =	sld [smem:$0x3FB6]  }
0x2e: {  	s3 =	simm.s32 @!p0 $0x1082;
	s9 =	sld [smem:$0x3FB7]  }
0x2f: {  	lr =	sadd.s32 s0, s3;
	s0 =	sld [smem:$0x3FAE]  }
0x30: {  	s3 =	sld [smem:$0x3FB1]  }
0x31: {  	[smem:$0x3FBA] =	sst s10  }
0x32: {  	s10 =	sld [smem:$0x3FB8];
	_ =	sdelay $0x3  }
0x33: {  	p0 =	seq.s32 s10, $0x1;
	s10 =	sld [smem:$0x3FBA];
	_ =	sdelay $0x3  }
0x34: {  	[smem:$0x3FBA] =	sst s10  }
0x35: {  	s10 =	sld [smem:$0x3FB9];
	_ =	sdelay $0x3  }
0x36: {  	p1 =	seq.s32 s10, $0x1;
	s10 =	sld [smem:$0x3FBA];
	_ =	sdelay $0x3  }
0x37: {  	[smem:$0x3FBA] =	sst s10  }
0x38: {  	s10 =	sld [smem:$0x3FBB]  }
0x39: {  	_ = 	snop;
	(pc) =	sbr.ind lr, $3  }
0x3a: {  	_ = 	snop  }
0x3b: {  	_ = 	snop  }
0x3c: {  	p2 =	seq.s32 s10, $0x1;
	s10 =	sld [smem:$0x3FBA]  }
0x3d: {  	_ =	shalt  }
0x3e: {  	_ =	shalt  }
0x3f: {  	_ =	shalt  }
0x40: {  	_ =	shalt  }
0x41: {  	_ =	shalt  }
0x42: {  	_ =	shalt  }
0x43: {  	_ =	shalt  }
0x44: {  	_ =	shalt  }
0x45: {  	_ =	shalt  }
0x46: {  	_ =	shalt  }
0x47: {  	_ =	shalt  }
0x48: {  	_ =	shalt  }
0x49: {  	_ =	shalt  }
0x4a: {  	_ =	shalt  }
0x4b: {  	_ =	shalt  }
0x4c: {  	_ =	shalt  }
0x4d: {  	_ =	shalt  }
0x4e: {  	_ =	shalt  }
0x4f: {  	_ =	shalt  }
0x50: {  	_ =	shalt  }
0x51: {  	_ =	shalt  }
0x52: {  	_ =	shalt  }
0x53: {  	_ =	shalt  }
0x54: {  	_ =	shalt  }
0x55: {  	_ =	shalt  }
0x56: {  	_ =	shalt  }
0x57: {  	_ =	shalt  }
0x58: {  	_ =	shalt  }
0x59: {  	_ =	shalt  }
0x5a: {  	_ =	shalt  }
0x5b: {  	_ =	shalt  }
0x5c: {  	_ =	shalt  }
0x5d: {  	_ =	shalt  }
0x5e: {  	_ =	shalt  }
0x5f: {  	_ =	shalt  }
0x60: {  	_ =	shalt  }
0x61: {  	_ =	shalt  }
0x62: {  	_ =	shalt  }
0x63: {  	_ =	shalt  }
0x64: {  	_ =	shalt  }
0x65: {  	_ =	shalt  }
0x66: {  	_ =	shalt  }
0x67: {  	_ =	shalt  }
0x68: {  	_ =	shalt  }
0x69: {  	_ =	shalt  }
0x6a: {  	_ =	shalt  }
0x6b: {  	_ =	shalt  }
0x6c: {  	_ =	shalt  }
0x6d: {  	_ =	shalt  }
0x6e: {  	_ =	shalt  }
0x6f: {  	_ =	shalt  }
0x70: {  	_ =	shalt  }
0x71: {  	_ =	shalt  }
0x72: {  	_ =	shalt  }
0x73: {  	_ =	shalt  }
0x74: {  	_ =	shalt  }
0x75: {  	_ =	shalt  }
0x76: {  	_ =	shalt  }
0x77: {  	_ =	shalt  }
0x78: {  	_ =	shalt  }
0x79: {  	_ =	shalt  }
0x7a: {  	_ =	shalt  }
0x7b: {  	_ =	shalt  }
0x7c: {  	_ =	shalt  }
0x7d: {  	_ =	shalt  }
0x7e: {  	_ =	shalt  }
0x7f: {  	_ =	shalt  }
0x80: {  	_ =	shalt  }
0x81: {  	_ =	shalt  }
0x82: {  	_ =	shalt  }
0x83: {  	_ =	shalt  }
0x84: {  	_ =	shalt  }
0x85: {  	_ =	shalt  }
0x86: {  	_ =	shalt  }
0x87: {  	_ =	shalt  }
.Lfunc_end0:
.L_simem_size_0:
called_computation.4_lowered:
.L_overlay_start_0:
0x88: {  	s2 =	sld [smem:$0x3FD9]  }
0x89: {  	s3 =	sld [smem:$0x3FFE];
	_ =	sdelay $0x1  }
0x8a: {  	s1 =	srdreg.scid  }
0x8b: {  	s0 =	sand.u32 $0x1, s1  }
0x8c: {  	s17 =	sshll.u32 s0, $0xA;
	s2 =	sadd.s32 s3, s2  }
0x8d: {  	s2 =	sadd.s32 s2, s17  }
0x8e: {  	[smem:$0x3FC6] =	sst s2  }
0x8f: {  	_ = 	snop  }
0x90: {  	s2 =	sld [smem:$0x3FD0];
	(tm) =	ssettm $0x1  }
0x91: {  	s18 =	sld [smem:$0x3FFB];
	_ =	sdelay $0x3  }
0x92: {  	_ =	strace s18  }
0x93: {  	s3 =	sld [smem:$0x3FFC];
	_ =	sdelay $0x3  }
0x94: {  	_ =	strace s3  }
0x95: {  	s3 =	sld [smem:$0x3FFD];
	_ =	sdelay $0x3  }
0x96: {  	_ =	strace s3  }
0x97: {  	_ =	strace $0x8FFFFFFF  }
0x98: {  	s19 =	sld [smem:$0x3FDB];
	_ =	sdelay $0x1  }
0x99: {  	s4 =	simm.s32 $_scs_section_size  }
0x9a: {  	s5 =	simm.s32 $_size__tile_overlayer_lowered;
	s6 =	simm.s32 $_tile_overlayer_lowered  }
0x9b: {  	s22 =	simm.s32 $0x1BFF;
	s21 =	sshll.u32 s6, $0x1;
	s3 =	sadd.s32 s4, s19  }
0x9c: {  	s7 =	simm.s32 $0x0;
	s20 =	sshll.u32 s5, $0x1;
	s5 =	sadd.s32 s21, s3  }
0x9d: {  	[timem:s7], [sflag:s22] =	dma.local [hbm:s5], s20  }
0x9e: {  	_ =	swait.ge [sflag:s22], s20  }
0x9f: {  	s4 =	ssub.s32 $0x0, s20;
	[sflag:s22] =	ssyncset.done $0x0  }
0xa0: {  	[sflag:s22] =	ssyncadd.s32 s4;
	_ =	sdelay $0x1  }
0xa1: {  	s23 =	simm.s32 $0x1B8B  }
0xa2: {  	_ =	swait.ge [sflag:s23], $0x1  }
0xa3: {  	[sflag:s23] =	ssyncset.done $0x0  }
0xa4: {  	s25 =	simm.s32 $0x1B8E;
	s24 =	sld [smem:$0x3FFE];
	[sflag:s23] =	ssyncadd.s32 $0xFFFFFFFF  }
0xa5: {  	s26 =	simm.s32 $execute0_lowered;
	[smem:$0x3FD2] =	sst s25  }
0xa6: {  	s5 =	sshll.u32 s26, $0x1;
	_ =	strace $0x80000049;
	[dreg:$0x1] =	wrdreg $0xFFFFFFFF  }
0xa7: {  	s28 =	simm.s32 $_size_execute0_lowered;
	s3 =	sadd.s32 s3, s5;
	[dreg:$0x0] =	wrdreg $0x0  }
0xa8: {  	s5 =	sshll.u32 s28, $0x1;
	[dreg:$0x2] =	wrdreg s3  }
0xa9: {  	[dreg:$0x3] =	wrdreg s5  }
0xaa: {  	[dreg:$0x4] =	wrdreg $0xC0  }
0xab: {  	_ =	task [dreg:s7], $0x5FFFF  }
0xac: {  	[dreg:$0x1] =	wrdreg $0xFFFFFFFF  }
0xad: {  	[dreg:$0x0] =	wrdreg $0x60  }
0xae: {  	[dreg:$0x2] =	wrdreg s2  }
0xaf: {  	[dreg:$0x3] =	wrdreg s24  }
0xb0: {  	[dreg:$0x4] =	wrdreg $0x9  }
0xb1: {  	_ =	task.clear_ibuf [dreg:s7], $0x5FFFF;
	_ =	strace $0x90000049  }
0xb2: {  	s29 =	simm.s32 $0x9;
	_ =	strace $0x8000004B  }
0xb3: {  	_ =	swait.ge [sflag:s29], $0x1  }
0xb4: {  	[sflag:s29] =	ssyncadd.s32 $0xFFFFFFFF  }
0xb5: {  	_ =	strace $0x9000004B  }
0xb6: {  	_ =	sfence  }
0xb7: {  	s30 =	sld [smem:$0x0];
	_ =	sdelay $0x2  }
0xb8: {  	s31 =	sshll.u32 s1, $0xD;
	s1 =	sshrl.u32 s1, $0x2  }
0xb9: {  	s3 =	sand.u32 $0x4000, s31;
	s1 =	sadd.s32 s1, s30  }
0xba: {  	s0 =	sor.u32 s3, s0;
	s1 =	sshll.u32 s1, $0x11  }
0xbb: {  	s0 =	sor.u32 s1, s0  }
0xbc: {  	s0 =	sadd.s32 $0x8F2B, s0  }
0xbd: {  	[sflag:s0] =	ssyncadd.remote.s32 $0x1  }
0xbe: {  	_ =	sfence.sel $0xFFFF  }
0xbf: {  	[dreg:$0x0] =	wrdreg $0xFFFFFFFF;
	(pc) =	sbr.abs _section_cstart, $3  }
0xc0: {  	[dreg:$0x1] =	wrdreg $0xFFFFFFFF  }
0xc1: {  	_ =	task.clear_ibuf [dreg:s7], $0x2FFFF;
	_ =	strace $0x9FFFFFFF  }
0xc2: {  	(tm) =	ssettm $0x7FFFFFFF  }
0xc3: {  	_ =	shalt  }
tec
execute0_lowered:
.L_overlay_start_1:
0x0: {  	(tag) =	ssettag $0x1  }
0x1: {  	s1 =	srdreg.scid;
	s2 =	rddreg [dreg:$0x0]  }
0x2: {  	s0 =	stileid.u32;
	s5 =	rddreg [dreg:$0x1];
	s6 =	simm.s32 $0x1  }
0x3: {  	s9 =	simm.s32 $0x1;
	s10 =	simm.s32 $0x3;
	s1 =	sshll.u32 s1, $0xE  }
0x4: {  	s13 =	simm.s32 $0x0;
	s3 =	sshll.u32 s0, $0xF;
	s4 =	sand.u32 $0x4000, s1  }
0x5: {  	s12 =	simm.s32 $0x0;
	s1 =	rddreg [dreg:$0x2];
	s3 =	sor.u32 s3, s4  }
0x6: {  	_ =	strace $0x8000004A;
	s4 =	sadd.s32 $0x80000, s5;
	s8 =	ssub.s32 $0x100000, s3  }
.Ltmp0:
0x7: {  	s5 =	sadd.s32 $0xC0000, s5;
	s7 =	sand.u32 $0x7C000, s8;
	(pc) =	sbr.rel .LBB2_1-.Ltmp0, $4  }
0x8: {  	[sflag:s6] =	ssyncpa.u1 $0x0;
	s11 =	smov.u32 s3;
	p0 =	sne.s32 s7, $0x0  }
0x9: {  	s8 =	sshrl.u32 s8, $0x13;
	s7 =	simm.s32 $0x2;
	s9 =	simm.s32 @!p0 $0x0  }
0xa: {  	[sflag:s7] =	ssyncpa.u1 $0x0;
	p0 =	por $0x0, $0x0;
	s8 =	sadd.s32 s9, s8  }
0xb: {  	vm0 =	vmmov $0xffff;
	[sflag:s10] =	ssyncpa.u1 $0x0;
	s10 =	simm.s32 $0x0;
	s9 =	sadd.s32 $0x1, s8  }
.LBB2_4:
0xc: {  	vm1 =	veq.s32 v4, $0x80000000;
	v56 =	vand.u32 $0x7, v4;
	v6 =	vand.u32 $0x7FFFF, v6  }
0xd: {  	v2 =	vor.u32 v2, v5;
	v59 =	vshrl.u32 v1, $0x3;
	v60 =	vand.u32 $0x7, v1  }
0xe: {  	v4 =	vsel vm1, $0xFFFFFFFF, v56;
	v6 =	vsel vm1, $0xFFFFFFFF, v6;
	v2 =	vor.u32 v3, v2  }
0xf: {  	vm1 =	veq.s32 v1, $0x80000000;
	v5 =	vand.u32 $0x7FFFF, v59;
	v7 =	vshrl.u32 v4, $0x3  }
0x10: {  	v57 =	vshll.u32 v6, $0x3;
	v4 =	vshll.u32 v4, $0x7;
	v1 =	vsel vm1, $0xFFFFFFFF, v60  }
0x11: {  	v5 =	vsel vm1, $0xFFFFFFFF, v5;
	v6 =	vand.u32 $0x7F, v6;
	v7 =	vmul.u32 $0x258000, v7  }
0x12: {  	v58 =	vand.u32 $0xFFFFFC00, v57;
	v4 =	vand.u32 $0x380, v4;
	v61 =	vshrl.u32 v1, $0x3  }
0x13: {  	v62 =	vshll.u32 v5, $0x3;
	v3 =	vadd.s32 v7, v58;
	v7 =	vmul.u32 $0x258000, v61  }
0x14: {  	v1 =	vshll.u32 v1, $0x7;
	v3 =	vor.u32 v4, v3;
	v4 =	vand.u32 $0xFFFFFC00, v62  }
0x15: {  	v1 =	vand.u32 $0x380, v1;
	v3 =	vor.u32 v6, v3;
	v4 =	vadd.s32 v7, v4  }
0x16: {  	[tilespmem:s16], [sflag:$0x1] =	stream.indirect_vreg.gather [hbm4b:s2+s10], $0x1, v0, vm0, $0x4038;
	v63 =	vand.u32 $0x7F, v5;
	v1 =	vor.u32 v1, v4;
	[tilespmem:$0x10000] =	vst v63  }
0x17: {  	s15 =	sadd.s32 $0x10, s15;
	(ifvalue) =	ssetifvalue $0x7FFFFFFF;
	v0 =	vor.u32 v63, v1  }
0x18: {  	[tilespmem:s15], [sflag:$0x1] =	stream.indirect_vreg.gather [hbm4b:s2+s10], $0x1, v2, vm0, $0x4038;
	[tilespmem:$0x10000] =	vst v63  }
0x19: {  	s15 =	sadd.s32 $0x10, s15;
	(ifvalue) =	ssetifvalue $0x7FFFFFFF  }
0x1a: {  	[tilespmem:s15], [sflag:$0x1] =	stream.indirect_vreg.gather [hbm4b:s2+s10], $0x1, v3, vm0, $0x4038;
	[tilespmem:$0x10000] =	vst v63  }
0x1b: {  	s15 =	sadd.s32 $0x10, s15;
	(ifvalue) =	ssetifvalue $0x7FFFFFFF  }
0x1c: {  	[tilespmem:s15], [sflag:$0x1] =	stream.indirect_vreg.gather [hbm4b:s2+s10], $0x1, v0, vm0, $0x4038;
	[tilespmem:$0x10000] =	vst v63  }
0x1d: {  	_ =	swait.ge [sflag:s6], $0x4000  }
0x1e: {  	s30 =	sshrl.u32 s13, $0x3;
	[sflag:s6] =	ssyncset.done $0x0  }
0x1f: {  	s31 =	sand.u32 $0x7, s13;
	s15 =	sadd.s32 s5, s30;
	[sflag:s6] =	ssyncadd.s32 $0xFFFFC000  }
0x20: {  	[hbm4b:s15+s31] =	stream.linear.scatter [tilespmem:s14], [sflag:$0x3], $0x4000, $0x38;
	[tilespmem:$0x10000] =	vst v63  }
.LBB2_5:
0x21: {  	s15 =	sadd.s32 $0x80000, s11  }
0x22: {  	p2 =	sgt.s32 s15, $0xFFFFF  }
0x23: {  	s15 =	smov.u32 @p2 s3;
	p2 =	sne.s32 s12, s9  }
.Ltmp1:
0x24: {  	p1 =	slt.u32 s12, $0x2;
	(pc) =	sbr.rel @!p2 .LBB2_6-.Ltmp1, $4  }
0x25: {  	s14 =	simm.s32 @!p1 $0x3  }
0x26: {  	s16 =	sadd.s32 $0x1, s12;
	_ =	swait.ge @!p1 [sflag:s14], $0x4000  }
0x27: {  	s13 =	smov.u32 s11;
	p0 =	por !p0, !p0;
	[sflag:s14] =	ssyncset.done @!p1 $0x0  }
0x28: {  	s12 =	smov.u32 s16;
	s11 =	smov.u32 s15;
	[sflag:s14] =	ssyncadd.s32 @!p1 $0xFFFFC000  }
.LBB2_1:
0x29: {  	p1 =	sge.u32 s12, s8  }
0x2a: {  	s14 =	sxor.u32 @!p1 $0xFFFFFFFF, s12  }
0x2b: {  	s31 =	sadd.s32 $0xFFFFFFFF, s12;
	s15 =	sshrl.u32 @!p1 s11, $0x3;
	s14 =	sshll.u32 @!p1 s14, $0xE  }
0x2c: {  	s16 =	sand.u32 @!p1 $0x7, s11;
	s15 =	sadd.s32 @!p1 s4, s15;
	s14 =	sand.u32 @!p1 $0x4000, s14  }
0x2d: {  	[tilespmem:s14], [sflag:$0x2] =	stream.linear.gather @!p1 [hbm4b:s15+s16], $0x4000, $0x38;
	[tilespmem:$0x10000] =	vst v63  }
0x2e: {  	p1 =	sge.u32 s31, s8  }
.Ltmp2:
0x2f: {  	_ = 	snop;
	(pc) =	sbr.rel @p1 .LBB2_5-.Ltmp2, $1  }
0x30: {  	_ =	sdelay $0x3  }
0x31: {  	s14 =	simm.s32 $0x1  }
0x32: {  	_ =	swait.ge [sflag:s7], $0x4000;
	s14 =	simm.s32 @!p0 $0x0  }
0x33: {  	[sflag:s7] =	ssyncset.done $0x0;
	s14 =	sshll.u32 s14, $0xE  }
0x34: {  	[sflag:s7] =	ssyncadd.s32 $0xFFFFC000;
	(ifvalue) =	ssetifvalue $0x7FFFFFFF;
	v0 =	vld.msk [tilespmem:s14+$0x0 ss:$0x1], $0xffff  }
0x35: {  	s15 =	sadd.s32 $0x10, s14  }
0x36: {  	v1 =	vld.msk [tilespmem:s15+$0x0 ss:$0x1], $0xffff;
	_ =	sdelay $0x2  }
0x37: {  	v2 =	vshrl.u32 v0, $0x3  }
0x38: {  	vm1 =	veq.s32 v0, $0x80000000;
	v0 =	vand.u32 $0x7, v0;
	v2 =	vand.u32 $0x7FFFF, v2  }
0x39: {  	v0 =	vsel vm1, $0xFFFFFFFF, v0;
	v6 =	vshrl.u32 v1, $0x3;
	v2 =	vsel vm1, $0xFFFFFFFF, v2  }
0x3a: {  	v3 =	vshrl.u32 v0, $0x3;
	v0 =	vshll.u32 v0, $0x7;
	vm1 =	veq.s32 v1, $0x80000000  }
0x3b: {  	s15 =	sadd.s32 $0x10, s15;
	v1 =	vand.u32 $0x7, v1;
	v4 =	vshll.u32 v2, $0x3;
	v3 =	vmul.u32 $0x258000, v3  }
0x3c: {  	v0 =	vand.u32 $0x380, v0;
	v7 =	vand.u32 $0x7F, v2;
	v5 =	vand.u32 $0xFFFFFC00, v4;
	v4 =	vld.msk [tilespmem:s15+$0x0 ss:$0x1], $0xffff  }
0x3d: {  	v1 =	vsel vm1, $0xFFFFFFFF, v1;
	v2 =	vadd.s32 v3, v5;
	v3 =	vand.u32 $0x7FFFF, v6  }
0x3e: {  	v3 =	vsel vm1, $0xFFFFFFFF, v3;
	v0 =	vor.u32 v0, v2;
	v2 =	vshrl.u32 v1, $0x3  }
0x3f: {  	s16 =	sshll.u32 s12, $0xE;
	s18 =	simm.s32 $0x30;
	v1 =	vshll.u32 v1, $0x7;
	v5 =	vshll.u32 v3, $0x3;
	v8 =	vmul.u32 $0x258000, v2  }
0x40: {  	s31 =	sand.u32 $0x4000, s16;
	s17 =	sadd.s32 $0x10, s15;
	s15 =	sor.u32 $0x8000, s14;
	v2 =	vand.u32 $0x380, v1;
	v0 =	vor.u32 v7, v0;
	v5 =	vand.u32 $0xFFFFFC00, v5  }
0x41: {  	s14 =	sor.u32 $0x8000, s31;
	s16 =	smov.u32 s15;
	v1 =	vld.msk [tilespmem:s17+$0x0 ss:$0x1], $0xffff;
	v3 =	vand.u32 $0x7F, v3;
	(ifvalue) =	ssetifvalue $0x7FFFFFFF;
	v6 =	vshrl.u32 v4, $0x3;
	v5 =	vadd.s32 v8, v5  }
.LBB2_3:
0x42: {  	s18 =	sadd.s32 $0x10, s18  }
0x43: {  	vm1 =	veq.s32 v4, $0x80000000;
	v4 =	vand.u32 $0x7, v4;
	v6 =	vand.u32 $0x7FFFF, v6;
	s15 =	sadd.s32 $0x10, s15;
	p1 =	slt.u32 s18, $0x3FF0  }
.Ltmp3:
0x44: {  	v5 =	vor.u32 v2, v5;
	v4 =	vsel vm1, $0xFFFFFFFF, v4;
	v7 =	vsel vm1, $0xFFFFFFFF, v6;
	(pc) =	sbr.rel @p1 .LBB2_3-.Ltmp3, $4  }
0x45: {  	v2 =	vshrl.u32 v4, $0x3;
	v6 =	vshll.u32 v7, $0x3;
	v4 =	vshll.u32 v4, $0x7;
	[tilespmem:s16], [sflag:$0x1] =	stream.indirect_vreg.gather [hbm4b:s2+s10], $0x1, v0, vm0, $0x4038;
	[tilespmem:$0x10000] =	vst v63  }
0x46: {  	v0 =	vor.u32 v3, v5;
	s16 =	smov.u32 s15;
	v8 =	vmul.u32 $0x258000, v2;
	v2 =	vand.u32 $0x380, v4  }
0x47: {  	s17 =	sadd.s32 $0x10, s17;
	v9 =	vand.u32 $0xFFFFFC00, v6  }
0x48: {  	v3 =	vand.u32 $0x7F, v7;
	v6 =	vshrl.u32 v1, $0x3;
	v5 =	vadd.s32 v8, v9;
	(ifvalue) =	ssetifvalue $0x7FFFFFFF;
	v4 =	vmovc v1;
	v1 =	vld.msk [tilespmem:s17+$0x0 ss:$0x1], $0xffff  }
.Ltmp4:
0x49: {  	_ = 	snop;
	(pc) =	sbr.rel .LBB2_4-.Ltmp4, $1  }
0x4a: {  	_ =	sdelay $0x3  }
.LBB2_6:
0x4b: {  	_ =	sfence.sel $0x180000  }
0x4c: {  	s2 =	simm.s32 $0x2;
	[bflag:$0x0] =	sbarrier.arrive $0xFFFF  }
0x4d: {  	s30 =	simm.s32 $0x3;
	[sflag:s2] =	ssyncpa.u1 $0x1  }
0x4e: {  	s31 =	simm.s32 $0x1;
	[sflag:s30] =	ssyncpa.u1 $0x1  }
0x4f: {  	[sflag:s31] =	ssyncpa.u1 $0x1  }
0x50: {  	p0 =	sne.s32 s0, $0x0;
	_ =	strace $0x9000004A  }
0x51: {  	s0 =	sadd.s32 @!p0 $0x100000, s1;
	[bflag:$0x2] =	sbarrier.arrive $0xFFFF  }
0x52: {  	[sflag:s0] =	ssyncadd.tile.s32 @!p0 $0x1;
	_ =	shalt  }
.Lfunc_end2:
_tile_overlayer_lowered:
.L_overlay_start_2:
0x53: {  	(tag) =	ssettag $0x2  }
0x54: {  	s0 =	rddreg [dreg:$0x0];
	s2 =	stileid.u32  }
0x55: {  	s1 =	rddreg [dreg:$0x1];
	p0 =	sne.s32 s2, $0x0  }
0x56: {  	s3 =	rddreg [dreg:$0x2];
	[bflag:$0x3] =	sbarrier.arrive $0xFFFF;
	s2 =	simm.s32 @!p0 $0x1C01  }
0x57: {  	[timem:s3], [sflag:s2] =	dma.local @!p0 [hbm:s0], s1  }
0x58: {  	s0 =	simm.s32 @!p0 $0x1  }
0x59: {  	_ =	swait.ge @!p0 [sflag:s0], s1  }
0x5a: {  	s1 =	ssub.s32 @!p0 $0x0, s1;
	[sflag:s0] =	ssyncset.done @!p0 $0x0  }
0x5b: {  	[sflag:s0] =	ssyncadd.s32 @!p0 s1  }
0x5c: {  	[bflag:$0x3] =	sbarrier.arrive $0xFFFF  }
0x5d: {  	_ =	shalt  }

// kernel: scatter_offload_async_start.1
scs
__scs_entry_jumppad:
0x0: {  	(pc) =	sbr.rel $0x88, $3  }
0x1: {  	(tag) =	ssettag $0x0;
	lr =	simm.s32 $0x1  }
0x2: {  	[smem:$0x3F9F] =	sst lr;
	_ =	strace $0xD0000000  }
0x3: {  	_ = 	snop  }
0x4: {  	_ = 	snop  }
0x5: {  	_ = 	snop  }
0x6: {  	_ = 	snop  }
0x7: {  	_ = 	snop  }
__scs_overlays_trampoline_lowered:
0x8: {  	[smem:$0x3FAE] =	sst s0  }
0x9: {  	[smem:$0x3FAF] =	sst s1  }
0xa: {  	[smem:$0x3FB0] =	sst s2  }
0xb: {  	[smem:$0x3FB1] =	sst s3  }
0xc: {  	[smem:$0x3FB2] =	sst s4  }
0xd: {  	[smem:$0x3FB3] =	sst s5  }
0xe: {  	[smem:$0x3FB4] =	sst s6  }
0xf: {  	[smem:$0x3FB5] =	sst s7  }
0x10: {  	[smem:$0x3FB6] =	sst s8  }
0x11: {  	[smem:$0x3FB7] =	sst s9;
	s0 =	simm.s32 @!p0 $0x0  }
0x12: {  	s1 =	sld [smem:$0x3F9D];
	s0 =	simm.s32 @p0 $0x1  }
0x13: {  	[smem:$0x3FB8] =	sst s0;
	s0 =	simm.s32 @!p1 $0x0  }
0x14: {  	s2 =	sld [smem:$0x3F9C];
	s0 =	simm.s32 @p1 $0x1  }
0x15: {  	[smem:$0x3FB9] =	sst s0;
	s0 =	simm.s32 @!p2 $0x0  }
0x16: {  	s3 =	sld [smem:$0x3FDB];
	s0 =	simm.s32 @p2 $0x1  }
0x17: {  	s4 =	simm.s32 $0x1BF5;
	[smem:$0x3FBB] =	sst s0  }
0x18: {  	s0 =	sld [smem:$0x3F9E];
	_ =	swait.ge [sflag:s4], $0x0  }
0x19: {  	s7 =	sld [smem:$0x3F9F]  }
0x1a: {  	s8 =	sadd.s32 $0xFFFFE003, lr  }
0x1b: {  	s9 =	sadd.s32 $0xFFFFFEF7, lr;
	s5 =	simm.s32 $0xFFFFFFFF;
	p2 =	slt.u32 s8, $0xFFFFF086  }
0x1c: {  	p1 =	slt.u32 s9, $0xF7A;
	s5 =	simm.s32 @!p2 $0x0  }
0x1d: {  	s5 =	simm.s32 @p1 $0x1;
	p0 =	seq.s32 s7, s2  }
0x1e: {  	s7 =	smul.u32 @!p0 $0xF7A, s2;
	p2 =	seq.s32 @!p0 s5, $0x0  }
0x1f: {  	s9 =	smul.u32 $0xF7A, s1;
	s8 =	simm.s32 @!p0 $0x1BF5;
	p2 =	por !p2, p0  }
0x20: {  	[sflag:s8] =	ssyncset.s32 @!p0 $0xFFFFF086;
	s6 =	sadd.s32 @!p0 s3, s7;
	s7 =	simm.s32 @!p0 $0x108  }
0x21: {  	s3 =	sadd.s32 s3, s9;
	s6 =	sadd.s32 @!p0 $0x88, s6;
	s7 =	simm.s32 @p2 $0x1082  }
0x22: {  	[simem:s7], [sflag:s8] =	dma.local @!p0 [hbm:s6], $0xF7A  }
0x23: {  	s9 =	sor.u32 $0xD0000000, s2;
	s6 =	simm.s32 $0x108;
	_ =	swait.ge @!p0 [sflag:s8], $0x0  }
0x24: {  	s3 =	sadd.s32 $0x88, s3;
	s6 =	simm.s32 @!p1 $0x1082;
	[sflag:s4] =	ssyncset.s32 $0xFFFFF086  }
0x25: {  	[simem:s6], [sflag:s4] =	dma.local [hbm:s3], $0xF7A  }
0x26: {  	[smem:$0x3F9F] =	sst s1;
	(tag) =	ssettag s2;
	_ =	strace s9  }
0x27: {  	s1 =	sld [smem:$0x3FAF]  }
0x28: {  	s2 =	sld [smem:$0x3FB0]  }
0x29: {  	s4 =	sld [smem:$0x3FB2]  }
0x2a: {  	p0 =	seq.s32 s5, $0x0;
	s5 =	sld [smem:$0x3FB3]  }
0x2b: {  	s6 =	sld [smem:$0x3FB4]  }
0x2c: {  	s7 =	sld [smem:$0x3FB5]  }
0x2d: {  	s3 =	simm.s32 $0x108;
	s8 =	sld [smem:$0x3FB6]  }
0x2e: {  	s3 =	simm.s32 @!p0 $0x1082;
	s9 =	sld [smem:$0x3FB7]  }
0x2f: {  	lr =	sadd.s32 s0, s3;
	s0 =	sld [smem:$0x3FAE]  }
0x30: {  	s3 =	sld [smem:$0x3FB1]  }
0x31: {  	[smem:$0x3FBA] =	sst s10  }
0x32: {  	s10 =	sld [smem:$0x3FB8];
	_ =	sdelay $0x3  }
0x33: {  	p0 =	seq.s32 s10, $0x1;
	s10 =	sld [smem:$0x3FBA];
	_ =	sdelay $0x3  }
0x34: {  	[smem:$0x3FBA] =	sst s10  }
0x35: {  	s10 =	sld [smem:$0x3FB9];
	_ =	sdelay $0x3  }
0x36: {  	p1 =	seq.s32 s10, $0x1;
	s10 =	sld [smem:$0x3FBA];
	_ =	sdelay $0x3  }
0x37: {  	[smem:$0x3FBA] =	sst s10  }
0x38: {  	s10 =	sld [smem:$0x3FBB]  }
0x39: {  	_ = 	snop;
	(pc) =	sbr.ind lr, $3  }
0x3a: {  	_ = 	snop  }
0x3b: {  	_ = 	snop  }
0x3c: {  	p2 =	seq.s32 s10, $0x1;
	s10 =	sld [smem:$0x3FBA]  }
0x3d: {  	_ =	shalt  }
0x3e: {  	_ =	shalt  }
0x3f: {  	_ =	shalt  }
0x40: {  	_ =	shalt  }
0x41: {  	_ =	shalt  }
0x42: {  	_ =	shalt  }
0x43: {  	_ =	shalt  }
0x44: {  	_ =	shalt  }
0x45: {  	_ =	shalt  }
0x46: {  	_ =	shalt  }
0x47: {  	_ =	shalt  }
0x48: {  	_ =	shalt  }
0x49: {  	_ =	shalt  }
0x4a: {  	_ =	shalt  }
0x4b: {  	_ =	shalt  }
0x4c: {  	_ =	shalt  }
0x4d: {  	_ =	shalt  }
0x4e: {  	_ =	shalt  }
0x4f: {  	_ =	shalt  }
0x50: {  	_ =	shalt  }
0x51: {  	_ =	shalt  }
0x52: {  	_ =	shalt  }
0x53: {  	_ =	shalt  }
0x54: {  	_ =	shalt  }
0x55: {  	_ =	shalt  }
0x56: {  	_ =	shalt  }
0x57: {  	_ =	shalt  }
0x58: {  	_ =	shalt  }
0x59: {  	_ =	shalt  }
0x5a: {  	_ =	shalt  }
0x5b: {  	_ =	shalt  }
0x5c: {  	_ =	shalt  }
0x5d: {  	_ =	shalt  }
0x5e: {  	_ =	shalt  }
0x5f: {  	_ =	shalt  }
0x60: {  	_ =	shalt  }
0x61: {  	_ =	shalt  }
0x62: {  	_ =	shalt  }
0x63: {  	_ =	shalt  }
0x64: {  	_ =	shalt  }
0x65: {  	_ =	shalt  }
0x66: {  	_ =	shalt  }
0x67: {  	_ =	shalt  }
0x68: {  	_ =	shalt  }
0x69: {  	_ =	shalt  }
0x6a: {  	_ =	shalt  }
0x6b: {  	_ =	shalt  }
0x6c: {  	_ =	shalt  }
0x6d: {  	_ =	shalt  }
0x6e: {  	_ =	shalt  }
0x6f: {  	_ =	shalt  }
0x70: {  	_ =	shalt  }
0x71: {  	_ =	shalt  }
0x72: {  	_ =	shalt  }
0x73: {  	_ =	shalt  }
0x74: {  	_ =	shalt  }
0x75: {  	_ =	shalt  }
0x76: {  	_ =	shalt  }
0x77: {  	_ =	shalt  }
0x78: {  	_ =	shalt  }
0x79: {  	_ =	shalt  }
0x7a: {  	_ =	shalt  }
0x7b: {  	_ =	shalt  }
0x7c: {  	_ =	shalt  }
0x7d: {  	_ =	shalt  }
0x7e: {  	_ =	shalt  }
0x7f: {  	_ =	shalt  }
0x80: {  	_ =	shalt  }
0x81: {  	_ =	shalt  }
0x82: {  	_ =	shalt  }
0x83: {  	_ =	shalt  }
0x84: {  	_ =	shalt  }
0x85: {  	_ =	shalt  }
0x86: {  	_ =	shalt  }
0x87: {  	_ =	shalt  }
.Lfunc_end0:
.L_simem_size_0:
called_computation.1_lowered:
.L_overlay_start_0:
0x88: {  	s0 =	sld [smem:$0x3FD9]  }
0x89: {  	s1 =	sld [smem:$0x3FFE];
	_ =	sdelay $0x3  }
0x8a: {  	s0 =	sadd.s32 s1, s0  }
0x8b: {  	[smem:$0x3FC6] =	sst s0  }
0x8c: {  	_ = 	snop  }
0x8d: {  	s14 =	sld [smem:$0x3FD0];
	(tm) =	ssettm $0x1  }
0x8e: {  	s15 =	sld [smem:$0x3FFB];
	_ =	sdelay $0x3  }
0x8f: {  	_ =	strace s15  }
0x90: {  	s0 =	sld [smem:$0x3FFC];
	_ =	sdelay $0x3  }
0x91: {  	_ =	strace s0  }
0x92: {  	s0 =	sld [smem:$0x3FFD];
	_ =	sdelay $0x3  }
0x93: {  	_ =	strace s0  }
0x94: {  	_ =	strace $0x8FFFFFFF  }
0x95: {  	s16 =	sld [smem:$0x3FDB];
	_ =	sdelay $0x1  }
0x96: {  	s2 =	simm.s32 $_scs_section_size  }
0x97: {  	s3 =	simm.s32 $_size__tile_overlayer_lowered;
	s4 =	simm.s32 $_tile_overlayer_lowered  }
0x98: {  	s5 =	simm.s32 $0x1BFF;
	s17 =	sshll.u32 s4, $0x1;
	s2 =	sadd.s32 s2, s16  }
0x99: {  	s18 =	simm.s32 $0x0;
	s3 =	sshll.u32 s3, $0x1;
	s4 =	sadd.s32 s17, s2  }
0x9a: {  	[timem:s18], [sflag:s5] =	dma.local [hbm:s4], s3  }
0x9b: {  	_ =	swait.ge [sflag:s5], s3  }
0x9c: {  	s3 =	ssub.s32 $0x0, s3;
	[sflag:s5] =	ssyncset.done $0x0  }
0x9d: {  	[sflag:s5] =	ssyncadd.s32 s3;
	_ =	sdelay $0x1  }
0x9e: {  	s19 =	simm.s32 $0x1B8B  }
0x9f: {  	_ =	swait.ge [sflag:s19], $0x1  }
0xa0: {  	[sflag:s19] =	ssyncset.done $0x0  }
0xa1: {  	s21 =	simm.s32 $0x1B8E;
	s20 =	sld [smem:$0x3FFE];
	[sflag:s19] =	ssyncadd.s32 $0xFFFFFFFF  }
0xa2: {  	s22 =	simm.s32 $execute0_lowered;
	[smem:$0x3FD2] =	sst s21  }
0xa3: {  	s4 =	sshll.u32 s22, $0x1;
	_ =	strace $0x8000005E;
	[dreg:$0x1] =	wrdreg $0xFFFFFFFF  }
0xa4: {  	s23 =	simm.s32 $_size_execute0_lowered;
	s4 =	sadd.s32 s2, s4;
	[dreg:$0x0] =	wrdreg $0x0  }
0xa5: {  	s5 =	sshll.u32 s23, $0x1;
	[dreg:$0x2] =	wrdreg s4  }
0xa6: {  	[dreg:$0x3] =	wrdreg s5  }
0xa7: {  	[dreg:$0x4] =	wrdreg $0xC0  }
0xa8: {  	s24 =	simm.s32 $execute1_lowered;
	_ =	task [dreg:s18], $0x5FFFF  }
0xa9: {  	s4 =	sshll.u32 s24, $0x1;
	[dreg:$0x1] =	wrdreg $0xFFFFFFFF  }
0xaa: {  	s2 =	sadd.s32 s2, s4;
	[dreg:$0x0] =	wrdreg $0x60  }
0xab: {  	[dreg:$0x2] =	wrdreg s2  }
0xac: {  	[dreg:$0x3] =	wrdreg s14  }
0xad: {  	[dreg:$0x4] =	wrdreg s20  }
0xae: {  	[dreg:$0x5] =	wrdreg $0xB  }
0xaf: {  	_ =	task.clear_ibuf [dreg:s18], $0x6FFFF;
	_ =	strace $0x9000005E  }
0xb0: {  	s25 =	simm.s32 $0xB;
	_ =	strace $0x80000060  }
0xb1: {  	_ =	swait.ge [sflag:s25], $0x1  }
0xb2: {  	[sflag:s25] =	ssyncadd.s32 $0xFFFFFFFF  }
0xb3: {  	_ =	strace $0x90000060  }
0xb4: {  	_ =	strace $0x80000061;
	[dreg:$0x1] =	wrdreg $0xFFFFFFFF  }
0xb5: {  	[dreg:$0x0] =	wrdreg $0x2030  }
0xb6: {  	[dreg:$0x2] =	wrdreg s20  }
0xb7: {  	[dreg:$0x3] =	wrdreg $0xC  }
0xb8: {  	_ =	task.clear_ibuf [dreg:s18], $0x4FFFF;
	_ =	strace $0x90000061  }
0xb9: {  	s26 =	simm.s32 $0xC;
	_ =	strace $0x80000063  }
0xba: {  	_ =	swait.ge [sflag:s26], $0x1  }
0xbb: {  	[sflag:s26] =	ssyncadd.s32 $0xFFFFFFFF  }
0xbc: {  	_ =	strace $0x90000063  }
0xbd: {  	_ =	sfence  }
0xbe: {  	s28 =	sld [smem:$0x0];
	_ =	sdelay $0x1  }
0xbf: {  	s29 =	srdreg.scid  }
0xc0: {  	s30 =	sshll.u32 s29, $0xD;
	s31 =	sshrl.u32 s29, $0x2  }
0xc1: {  	s3 =	sand.u32 $0x4000, s30;
	s2 =	sand.u32 $0x1, s29;
	s1 =	sadd.s32 s31, s28  }
0xc2: {  	s2 =	sor.u32 s3, s2;
	s1 =	sshll.u32 s1, $0x11  }
0xc3: {  	s1 =	sor.u32 s1, s2  }
0xc4: {  	s1 =	sadd.s32 $0x8F2B, s1  }
0xc5: {  	[sflag:s1] =	ssyncadd.remote.s32 $0x1  }
0xc6: {  	_ =	sfence.sel $0xFFFF  }
0xc7: {  	[dreg:$0x0] =	wrdreg $0xFFFFFFFF;
	(pc) =	sbr.abs _section_cstart, $3  }
0xc8: {  	[dreg:$0x1] =	wrdreg $0xFFFFFFFF  }
0xc9: {  	_ =	task.clear_ibuf [dreg:s18], $0x2FFFF;
	_ =	strace $0x9FFFFFFF  }
0xca: {  	(tm) =	ssettm $0x7FFFFFFF  }
0xcb: {  	_ =	shalt  }
tec
execute0_lowered:
.L_overlay_start_1:
0x0: {  	(tag) =	ssettag $0x1  }
0x1: {  	s4 =	rddreg [dreg:$0x0]  }
0x2: {  	s2 =	rddreg [dreg:$0x1];
	s6 =	stileid.u32  }
0x3: {  	s5 =	rddreg [dreg:$0x2];
	s3 =	smul.u32 $0x3C00, s6  }
0x4: {  	s0 =	rddreg [dreg:$0x3];
	[bflag:$0x3] =	sbarrier.arrive $0xFFFF;
	s1 =	simm.s32 $_size_execute1_lowered  }
0x5: {  	s1 =	sshll.u32 s1, $0x1;
	p0 =	sne.s32 s6, $0x0;
	s28 =	ssub.s32 $0x258000, s3  }
0x6: {  	s7 =	simm.s32 @!p0 $0x1C3F;
	s8 =	simm.s32 @!p0 $0x4060;
	s9 =	smulhi.u32 $0x444445, s28  }
0x7: {  	[timem:s8], [sflag:s7] =	dma.local @!p0 [hbm:s4], s1  }
0x8: {  	s29 =	sshrl.u32 s9, $0x8  }
0x9: {  	s30 =	smul.u32 $0x3C000, s29  }
.Ltmp0:
0xa: {  	s31 =	simm.s32 $0x2;
	s10 =	simm.s32 $0x0;
	(pc) =	sbr.rel .LBB2_1-.Ltmp0, $4  }
0xb: {  	s6 =	simm.s32 $0x1;
	s5 =	sadd.s32 $0xAB000, s5;
	p1 =	sne.s32 s28, s30  }
0xc: {  	s4 =	simm.s32 $0x1;
	_ =	strace $0x8000005F;
	s6 =	simm.s32 @!p1 $0x0  }
0xd: {  	s8 =	smov.u32 s3;
	[sflag:s4] =	ssyncpa.u1 $0x0;
	s6 =	sadd.s32 s6, s29  }
0xe: {  	[sflag:s31] =	ssyncpa.u1 $0x0;
	s9 =	simm.s32 $0x0;
	s7 =	sadd.s32 $0x1, s6  }
.LBB2_4:
0xf: {  	[tilespmem:s11+$0xB0] =	vst v0  }
0x10: {  	[tilespmem:s11+$0xC0] =	vst v1  }
0x11: {  	[tilespmem:s11+$0xD0] =	vst v2  }
0x12: {  	[tilespmem:s11+$0xE0] =	vst v3;
	s13 =	sshrl.u32 s10, $0x3  }
0x13: {  	[tilespmem:s11+$0xFFFFFF00] =	vst v4;
	s31 =	sand.u32 $0x7, s10;
	s30 =	sadd.s32 s5, s13  }
0x14: {  	[hbm4b:s30+s31] =	stream.linear.scatter [tilespmem:s12], [sflag:$0x2], $0x3C00, $0x38;
	[tilespmem:$0xF000] =	vst v63  }
.LBB2_5:
0x15: {  	s12 =	sadd.s32 $0x3C000, s8  }
0x16: {  	p2 =	sgt.s32 s12, $0x257FFF  }
0x17: {  	s12 =	smov.u32 @p2 s3;
	p2 =	sne.s32 s9, s7  }
.Ltmp1:
0x18: {  	p1 =	slt.u32 s9, $0x2;
	(pc) =	sbr.rel @!p2 .LBB2_6-.Ltmp1, $4  }
0x19: {  	s11 =	simm.s32 @!p1 $0x2  }
0x1a: {  	_ =	swait.ge @!p1 [sflag:s11], $0x3C00  }
0x1b: {  	s13 =	sadd.s32 $0x1, s9;
	s10 =	smov.u32 s8;
	[sflag:s11] =	ssyncset.done @!p1 $0x0  }
0x1c: {  	s9 =	smov.u32 s13;
	s8 =	smov.u32 s12;
	[sflag:s11] =	ssyncadd.s32 @!p1 $0xFFFFC400  }
.LBB2_1:
0x1d: {  	p1 =	sge.u32 s9, s6  }
0x1e: {  	s11 =	sxor.u32 @!p1 $0xFFFFFFFF, s9  }
0x1f: {  	s11 =	sand.u32 @!p1 $0x1, s11  }
0x20: {  	s11 =	smul.u32 @!p1 $0xF000, s11  }
0x21: {  	s31 =	sadd.s32 $0xFFFFFFFF, s9;
	s12 =	sshrl.u32 @!p1 s8, $0x3  }
0x22: {  	s13 =	sand.u32 @!p1 $0x7, s8;
	s12 =	sadd.s32 @!p1 s2, s12;
	s11 =	sshrl.u32 @!p1 s11, $0x2  }
0x23: {  	[tilespmem:s11], [sflag:$0x1] =	stream.linear.gather @!p1 [hbm4b:s12+s13], $0x3C00, $0x38;
	[tilespmem:$0xF000] =	vst v63  }
0x24: {  	p1 =	sge.u32 s31, s6  }
.Ltmp2:
0x25: {  	_ = 	snop;
	(pc) =	sbr.rel @p1 .LBB2_5-.Ltmp2, $1  }
0x26: {  	_ =	sdelay $0x3  }
0x27: {  	s11 =	sand.u32 $0x1, s9  }
0x28: {  	_ =	swait.ge [sflag:s4], $0x3C00;
	s12 =	simm.s32 $0x3C00;
	p1 =	seq.s32 s11, $0x1  }
0x29: {  	[sflag:s4] =	ssyncset.done $0x0;
	s12 =	simm.s32 @!p1 $0x0  }
0x2a: {  	[sflag:s4] =	ssyncadd.s32 $0xFFFFC400;
	s14 =	sor.u32 $0x100, s12  }
0x2b: {  	v0 =	vld [tilespmem:s14+$0xF0]  }
0x2c: {  	v1 =	vld [tilespmem:s14+$0xFFFFFF10]  }
0x2d: {  	v2 =	vld [tilespmem:s14+$0xFFFFFF20]  }
0x2e: {  	v3 =	vld [tilespmem:s14+$0xFFFFFF30]  }
0x2f: {  	s11 =	sadd.s32 $0x7900, s12;
	v4 =	vld [tilespmem:s14+$0xFFFFFF40]  }
0x30: {  	v5 =	vld [tilespmem:s14+$0xFFFFFF50];
	[tilespmem:s11+$0xF0] =	vst v0  }
0x31: {  	[tilespmem:s11+$0xFFFFFF10] =	vst v1;
	v0 =	vld [tilespmem:s14+$0xFFFFFF60]  }
0x32: {  	[tilespmem:s11+$0xFFFFFF20] =	vst v2;
	v1 =	vld [tilespmem:s14+$0xFFFFFF70]  }
0x33: {  	[tilespmem:s11+$0xFFFFFF30] =	vst v3;
	v2 =	vld [tilespmem:s14+$0xFFFFFF80]  }
0x34: {  	[tilespmem:s11+$0xFFFFFF40] =	vst v4;
	v3 =	vld [tilespmem:s14+$0xFFFFFF90]  }
0x35: {  	[tilespmem:s11+$0xFFFFFF50] =	vst v5;
	v4 =	vld [tilespmem:s14+$0xFFFFFFA0]  }
0x36: {  	v5 =	vld [tilespmem:s14+$0xA0];
	[tilespmem:s11+$0xFFFFFF60] =	vst v0  }
0x37: {  	v0 =	vld [tilespmem:s14+$0xFFFFFFB0];
	[tilespmem:s11+$0xFFFFFF70] =	vst v1  }
0x38: {  	v1 =	vld [tilespmem:s14+$0xFFFFFFC0];
	[tilespmem:s11+$0xFFFFFF80] =	vst v2  }
0x39: {  	v2 =	vld [tilespmem:s14+$0xFFFFFFD0];
	[tilespmem:s11+$0xFFFFFF90] =	vst v3  }
0x3a: {  	v3 =	vld [tilespmem:s14+$0xFFFFFFE0];
	[tilespmem:s11+$0xFFFFFFA0] =	vst v4  }
0x3b: {  	v4 =	vld [tilespmem:s14+$0xFFFFFFF0];
	[tilespmem:s11+$0xA0] =	vst v5  }
0x3c: {  	[tilespmem:s11+$0xFFFFFFB0] =	vst v0;
	v0 =	vld [tilespmem:s14+$0x0]  }
0x3d: {  	[tilespmem:s11+$0xFFFFFFC0] =	vst v1;
	v1 =	vld [tilespmem:s14+$0x10]  }
0x3e: {  	[tilespmem:s11+$0xFFFFFFD0] =	vst v2;
	v2 =	vld [tilespmem:s14+$0x20]  }
0x3f: {  	[tilespmem:s11+$0xFFFFFFE0] =	vst v3;
	v3 =	vld [tilespmem:s14+$0x30]  }
0x40: {  	[tilespmem:s11+$0xFFFFFFF0] =	vst v4;
	v4 =	vld [tilespmem:s14+$0x40]  }
0x41: {  	[tilespmem:s11+$0x0] =	vst v0;
	v0 =	vld [tilespmem:s14+$0x50]  }
0x42: {  	[tilespmem:s11+$0x10] =	vst v1;
	v1 =	vld [tilespmem:s14+$0x60]  }
0x43: {  	[tilespmem:s11+$0x20] =	vst v2;
	v2 =	vld [tilespmem:s14+$0x70]  }
0x44: {  	[tilespmem:s11+$0x30] =	vst v3;
	v3 =	vld [tilespmem:s14+$0x80]  }
0x45: {  	[tilespmem:s11+$0x40] =	vst v4;
	v4 =	vld [tilespmem:s14+$0x90]  }
0x46: {  	[tilespmem:s11+$0x50] =	vst v0;
	v0 =	vld [tilespmem:s14+$0xB0]  }
0x47: {  	[tilespmem:s11+$0x60] =	vst v1;
	v1 =	vld [tilespmem:s14+$0xC0]  }
0x48: {  	[tilespmem:s11+$0x70] =	vst v2;
	v2 =	vld [tilespmem:s14+$0xD0]  }
0x49: {  	[tilespmem:s11+$0x80] =	vst v3;
	v3 =	vld [tilespmem:s14+$0xE0]  }
0x4a: {  	s13 =	simm.s32 $0x0;
	s12 =	sadd.s32 $0x7800, s12;
	[tilespmem:s11+$0x90] =	vst v4;
	v4 =	vld [tilespmem:s14+$0xFFFFFF00];
	s14 =	sadd.s32 $0x200, s14  }
.LBB2_3:
0x4b: {  	v5 =	vld [tilespmem:s14+$0xF0];
	s13 =	sadd.s32 $0x200, s13;
	[tilespmem:s11+$0xB0] =	vst v0  }
0x4c: {  	v0 =	vld [tilespmem:s14+$0xFFFFFF10];
	p1 =	slt.u32 s13, $0x3A00;
	[tilespmem:s11+$0xC0] =	vst v1  }
0x4d: {  	v1 =	vld [tilespmem:s14+$0xFFFFFF20];
	[tilespmem:s11+$0xD0] =	vst v2  }
0x4e: {  	v2 =	vld [tilespmem:s14+$0xFFFFFF30];
	[tilespmem:s11+$0xE0] =	vst v3  }
0x4f: {  	v3 =	vld [tilespmem:s14+$0xFFFFFF40];
	[tilespmem:s11+$0xFFFFFF00] =	vst v4;
	s11 =	sadd.s32 $0x200, s11  }
0x50: {  	v4 =	vld [tilespmem:s14+$0xFFFFFF50];
	[tilespmem:s11+$0xF0] =	vst v5  }
0x51: {  	[tilespmem:s11+$0xFFFFFF10] =	vst v0;
	v0 =	vld [tilespmem:s14+$0xFFFFFF60]  }
0x52: {  	[tilespmem:s11+$0xFFFFFF20] =	vst v1;
	v1 =	vld [tilespmem:s14+$0xFFFFFF70]  }
0x53: {  	[tilespmem:s11+$0xFFFFFF30] =	vst v2;
	v2 =	vld [tilespmem:s14+$0xFFFFFF80]  }
0x54: {  	[tilespmem:s11+$0xFFFFFF40] =	vst v3;
	v3 =	vld [tilespmem:s14+$0xFFFFFF90]  }
0x55: {  	[tilespmem:s11+$0xFFFFFF50] =	vst v4;
	v4 =	vld [tilespmem:s14+$0xFFFFFFA0]  }
0x56: {  	[tilespmem:s11+$0xFFFFFF60] =	vst v0;
	v0 =	vld [tilespmem:s14+$0xFFFFFFB0]  }
0x57: {  	[tilespmem:s11+$0xFFFFFF70] =	vst v1;
	v1 =	vld [tilespmem:s14+$0xFFFFFFC0]  }
0x58: {  	[tilespmem:s11+$0xFFFFFF80] =	vst v2;
	v2 =	vld [tilespmem:s14+$0xFFFFFFD0]  }
0x59: {  	[tilespmem:s11+$0xFFFFFF90] =	vst v3;
	v3 =	vld [tilespmem:s14+$0xFFFFFFE0]  }
0x5a: {  	[tilespmem:s11+$0xFFFFFFA0] =	vst v4;
	v4 =	vld [tilespmem:s14+$0xFFFFFFF0]  }
0x5b: {  	[tilespmem:s11+$0xFFFFFFB0] =	vst v0;
	v0 =	vld [tilespmem:s14+$0x0]  }
0x5c: {  	[tilespmem:s11+$0xFFFFFFC0] =	vst v1;
	v1 =	vld [tilespmem:s14+$0x10]  }
0x5d: {  	[tilespmem:s11+$0xFFFFFFD0] =	vst v2;
	v2 =	vld [tilespmem:s14+$0x20]  }
0x5e: {  	[tilespmem:s11+$0xFFFFFFE0] =	vst v3;
	v3 =	vld [tilespmem:s14+$0x30]  }
0x5f: {  	[tilespmem:s11+$0xFFFFFFF0] =	vst v4;
	v4 =	vld [tilespmem:s14+$0x40]  }
0x60: {  	[tilespmem:s11+$0x0] =	vst v0;
	v0 =	vld [tilespmem:s14+$0x50]  }
0x61: {  	[tilespmem:s11+$0x10] =	vst v1;
	v1 =	vld [tilespmem:s14+$0x60]  }
0x62: {  	[tilespmem:s11+$0x20] =	vst v2;
	v2 =	vld [tilespmem:s14+$0x70]  }
0x63: {  	[tilespmem:s11+$0x30] =	vst v3;
	v3 =	vld [tilespmem:s14+$0x80]  }
0x64: {  	[tilespmem:s11+$0x40] =	vst v4;
	v4 =	vld [tilespmem:s14+$0x90]  }
0x65: {  	[tilespmem:s11+$0x50] =	vst v0;
	v5 =	vld [tilespmem:s14+$0xA0]  }
.Ltmp3:
0x66: {  	[tilespmem:s11+$0x60] =	vst v1;
	v0 =	vld [tilespmem:s14+$0xB0];
	(pc) =	sbr.rel @p1 .LBB2_3-.Ltmp3, $4  }
0x67: {  	[tilespmem:s11+$0x70] =	vst v2;
	v1 =	vld [tilespmem:s14+$0xC0]  }
0x68: {  	[tilespmem:s11+$0x80] =	vst v3;
	v2 =	vld [tilespmem:s14+$0xD0]  }
0x69: {  	[tilespmem:s11+$0x90] =	vst v4;
	v3 =	vld [tilespmem:s14+$0xE0]  }
0x6a: {  	v4 =	vld [tilespmem:s14+$0xFFFFFF00];
	[tilespmem:s11+$0xA0] =	vst v5;
	s14 =	sadd.s32 $0x200, s14  }
.Ltmp4:
0x6b: {  	_ = 	snop;
	(pc) =	sbr.rel .LBB2_4-.Ltmp4, $1  }
0x6c: {  	_ =	sdelay $0x3  }
.LBB2_6:
0x6d: {  	_ =	sfence.sel $0x180000  }
0x6e: {  	s2 =	simm.s32 $0x1;
	[bflag:$0x0] =	sbarrier.arrive $0xFFFF  }
0x6f: {  	s31 =	simm.s32 $0x2;
	[sflag:s2] =	ssyncpa.u1 $0x1  }
0x70: {  	[sflag:s31] =	ssyncpa.u1 $0x1  }
0x71: {  	_ =	strace $0x9000005F  }
0x72: {  	s0 =	sadd.s32 @!p0 $0x100000, s0;
	[bflag:$0x2] =	sbarrier.arrive $0xFFFF  }
0x73: {  	[sflag:s0] =	ssyncadd.tile.s32 @!p0 $0x1;
	s0 =	simm.s32 @!p0 $0x3F  }
0x74: {  	_ =	swait.ge @!p0 [sflag:s0], s1  }
0x75: {  	s1 =	ssub.s32 @!p0 $0x0, s1;
	[sflag:s0] =	ssyncset.done @!p0 $0x0  }
0x76: {  	[sflag:s0] =	ssyncadd.s32 @!p0 s1  }
0x77: {  	[bflag:$0x3] =	sbarrier.arrive $0xFFFF  }
0x78: {  	_ =	shalt  }
.Lfunc_end2:
execute1_lowered:
.L_overlay_start_2:
0x79: {  	(tag) =	ssettag $0x2  }
0x7a: {  	s2 =	rddreg [dreg:$0x0];
	_ =	strace $0x80000062;
	s3 =	simm.s32 $0x1  }
0x7b: {  	v1 =	vimm.s32 $0xFFFFFFFF;
	[sflag:s3] =	ssyncpa.u1 $0x0  }
0x7c: {  	[tilespmem:$0x10] =	vst v1  }
0x7d: {  	v0 =	vimm.f32 $0.0e+00;
	[tilespmem:$0x20] =	vst v1  }
0x7e: {  	[tilespmem:$0x30] =	vst v0  }
0x7f: {  	[tilespmem:$0x40] =	vst v0  }
0x80: {  	s0 =	simm.s32 $0x2;
	s4 =	stileid.u32;
	[tilespmem:$0x50] =	vst v0  }
0x81: {  	s6 =	simm.s32 $0x7;
	s8 =	simm.s32 $0x8;
	s31 =	simm.s32 $0x9;
	[tilespmem:$0x60] =	vst v1  }
0x82: {  	s14 =	simm.s32 $0x0;
	s15 =	simm.s32 $0xFFFFE000;
	s16 =	simm.s32 $0xFF;
	[tilespmem:$0x70] =	vst v1  }
0x83: {  	p0 =	por $0x0, $0x0;
	s17 =	simm.s32 $0xFFFFC100;
	s18 =	simm.s32 $0xFFFFFFFE;
	[tilespmem:$0x80] =	vst v1  }
0x84: {  	s19 =	simm.s32 $0xF;
	s20 =	simm.s32 $0x30;
	s23 =	simm.s32 $0x0;
	v1 =	vimm.s32 $0x0;
	[tilespmem:$0xB0] =	vst v0  }
.Ltmp5:
0x85: {  	s21 =	simm.s32 $0x0;
	s1 =	sadd.s32 $0xAB000, s2;
	[tilespmem:$0x90] =	vst v1;
	(pc) =	sbr.rel .LBB3_1-.Ltmp5, $4  }
0x86: {  	s5 =	sadd.s32 $0x40000, s2;
	s7 =	sshll.u32 s4, $0x10;
	[tilespmem:$0xA0] =	vst v1;
	[sflag:s0] =	ssyncpa.u1 $0x0  }
0x87: {  	s9 =	sshll.u32 s4, $0x1;
	s12 =	sshllo.u32 s4, $0x1;
	[sflag:s6] =	ssyncpa.u1 $0x0  }
0x88: {  	vm0 =	vmmov $0xffff;
	v2 =	vlaneseq.u32;
	s10 =	sadd.s32 $0x10000, s7;
	s11 =	sor.u32 $0x81, s9;
	[sflag:s8] =	ssyncpa.u1 $0x0  }
0x89: {  	vm1 =	vmxor vm1, vm1;
	vm2 =	vmmov $0x1;
	vm3 =	vcmask $0x3F3C;
	s13 =	sor.u32 $0x80, s9;
	s22 =	smov.u32 s7;
	[sflag:s31] =	ssyncpa.u1 $0x0  }
.LBB3_10:
0x8a: {  	p1 =	slt.u32 s21, $0x3  }
0x8b: {  	s0 =	simm.s32 @!p1 $0x2  }
0x8c: {  	_ =	swait.ge @!p1 [sflag:s0], $0x2000  }
0x8d: {  	[sflag:s0] =	ssyncset.done @!p1 $0x0  }
0x8e: {  	[sflag:s0] =	ssyncadd.s32 @!p1 $0xFFFFE000;
	s0 =	simm.s32 @!p1 $0x9  }
0x8f: {  	_ =	swait.ge @!p1 [sflag:s0], $0x10  }
0x90: {  	s21 =	sadd.s32 $0x1, s21;
	[sflag:s0] =	ssyncset.done @!p1 $0x0  }
0x91: {  	[sflag:s0] =	ssyncadd.s32 @!p1 $0xFFFFFFF0;
	p1 =	sne.s32 s21, $0xB  }
.Ltmp6:
0x92: {  	_ = 	snop;
	(pc) =	sbr.rel @!p1 .LBB3_11-.Ltmp6, $4  }
0x93: {  	s23 =	sadd.s32 $0x2000, s22;
	s24 =	smov.u32 s7  }
0x94: {  	s15 =	sadd.s32 $0x2000, s15;
	s16 =	sadd.s32 $0x1, s16;
	p2 =	slt.s32 s23, s10  }
0x95: {  	p0 =	por !p0, !p0;
	s17 =	sadd.s32 $0x2000, s17;
	s24 =	smov.u32 @p2 s23  }
0x96: {  	s18 =	sadd.s32 $0x1, s18;
	s23 =	smov.u32 s22;
	s22 =	smov.u32 s24  }
.LBB3_1:
0x97: {  	p1 =	sgt.u32 s21, $0x7  }
0x98: {  	s0 =	smul.u32 @!p1 $0xAB, s21;
	_ =	sdelay $0x1  }
0x99: {  	s0 =	sshrl.u32 @!p1 s0, $0x9  }
0x9a: {  	s0 =	sand.u32 @!p1 $0x7F, s0  }
0x9b: {  	s0 =	smul.u32 @!p1 $0x3, s0;
	_ =	sdelay $0x1  }
0x9c: {  	s0 =	ssub.s32 @!p1 s21, s0  }
0x9d: {  	s0 =	sand.u32 @!p1 $0xFF, s0  }
0x9e: {  	s24 =	sshrl.u32 @!p1 s22, $0x3;
	s0 =	sshll.u32 @!p1 s0, $0xD  }
0x9f: {  	s25 =	sand.u32 @!p1 $0x7, s22;
	s24 =	sadd.s32 @!p1 s2, s24;
	s0 =	sor.u32 @!p1 $0x100, s0  }
0xa0: {  	[tilespmem:s0], [sflag:$0x7] =	stream.linear.gather @!p1 [hbm4b:s24+s25], $0x2000, $0x38;
	[tilespmem:$0x12120] =	vst v63  }
0xa1: {  	s0 =	sadd.s32 $0xFFFFFFFF, s21  }
0xa2: {  	p1 =	sgt.u32 s0, $0x7  }
.Ltmp7:
0xa3: {  	_ = 	snop;
	(pc) =	sbr.rel @p1 .LBB3_5-.Ltmp7, $1  }
0xa4: {  	_ =	sdelay $0x3  }
0xa5: {  	s24 =	smul.u32 $0xAB, s0;
	_ =	sdelay $0x1  }
0xa6: {  	s24 =	sshrl.u32 s24, $0x9  }
0xa7: {  	s24 =	sand.u32 $0x7F, s24  }
0xa8: {  	s24 =	smul.u32 $0x3, s24;
	_ =	sdelay $0x1  }
0xa9: {  	s24 =	ssub.s32 s0, s24  }
0xaa: {  	s24 =	sand.u32 $0xFF, s24  }
0xab: {  	_ =	swait.ge [sflag:s6], $0x2000;
	s24 =	sshll.u32 s24, $0xD  }
0xac: {  	[sflag:s6] =	ssyncset.done $0x0;
	s24 =	sor.u32 $0x100, s24  }
0xad: {  	[sflag:s6] =	ssyncadd.s32 $0xFFFFE000;
	(ifvalue) =	ssetifvalue $0xFFFFFFFF;
	v3 =	vld.msk [tilespmem:s24+$0x0 ss:$0x1], $0xffff;
	_ =	sdelay $0x1  }
0xae: {  	s28 =	sand.u32 $0xFF, s16  }
0xaf: {  	p1 =	sne.s32 s21, $0x1;
	s25 =	smulhi.u32 $0x55555556, s28  }
0xb0: {  	v4 =	vimm.s32 @!p1 $0x0  }
0xb1: {  	s25 =	smul.u32 $0x18000, s25;
	v4 =	vperm.xlane @!p1 v3, v4  }
0xb2: {  	s26 =	sshll.u32 s21, $0x4;
	s24 =	sshll.u32 s28, $0xF;
	vm4 =	vlt.u32 v3, $0x258000  }
0xb3: {  	s29 =	sand.u32 $0x10, s26;
	s24 =	ssub.s32 s24, s25;
	v3 =	vnsel vm4, $0xFFFFFFFE, v3;
	vm4 =	vlt.u32 @!p1 v4, $0x258000  }
0xb4: {  	s24 =	sshra.s32 s24, $0x2;
	[tilespmem:s29+$0x60] =	vst v3;
	v3 =	vnsel @!p1 vm4, $0xFFFFFFFE, v4  }
0xb5: {  	s28 =	sadd.s32 $0x20F0, s24;
	[tilespmem:$0x80] =	vst @!p1 v3  }
0xb6: {  	v3 =	vld.msk [tilespmem:s28+$0x0 ss:$0x1], $0xffff;
	_ =	sdelay $0x4  }
0xb7: {  	(xrf1) =	vunique.msk.u32 $0xffff, v3;
	_ =	sdelay $0xd  }
0xb8: {  	v4 =	vimm.s32 $0xFFFFFFFF;
	v5, _, _ =	vpop (xrf1)  }
0xb9: {  	vm5 =	vne.s32 v3, v4;
	vm4 =	veq.s32 v5, v2  }
0xba: {  	vm6 =	vlt.u32 v3, $0x258000;
	vm4 =	vmand vm5, vm4  }
0xbb: {  	vm4 =	vmand vm6, vm4  }
0xbc: {  	v4 =	vnsel vm4, $0xFFFFFFFF, v3;
	_ =	sdelay $0x2  }
0xbd: {  	s30 =	sand.u32 $0x2000, s15  }
0xbe: {  	s31 =	sshll.u32 s0, $0xD;
	s24 =	sor.u32 $0x80F0, s30;
	(ifvalue) =	ssetifvalue $0xFFFFFFFF  }
0xbf: {  	v3 =	vperm.xlane v3, v1;
	[tilespmem:s24], [sflag:$0x8] =	stream.indirect_vreg.gather [hbm4b:s1+s14], $0x1, v4, vm0, $0x4038;
	v4 =	vnsel vm6, $0xFFFFFFFE, v4;
	[tilespmem:$0x12120] =	vst v63  }
0xc0: {  	s26 =	simm.s32 $0x0;
	s25 =	sand.u32 $0x2000, s31;
	s0 =	sadd.s32 $0xFFFFFFF0, s28;
	[tilespmem:s28+$0x0] =	vst v4  }
.LBB3_3:
0xc1: {  	v4 =	vld.msk [tilespmem:s0+$0x0 ss:$0x1], $0xffff;
	s26 =	sadd.s32 $0x10, s26;
	v5 =	vmov v3;
	s28 =	smov.u32 s0  }
0xc2: {  	p1 =	slt.u32 s26, $0x1FF0;
	_ =	sdelay $0x4  }
0xc3: {  	v3 =	vperm.xlane v4, v1;
	(xrf1) =	vunique.msk.u32 $0xffff, v4;
	_ =	sdelay $0xd  }
0xc4: {  	v6, _, _ =	vpop (xrf1)  }
0xc5: {  	vm5 =	vne.s32 v4, v5;
	vm4 =	veq.s32 v6, v2  }
0xc6: {  	vm6 =	vlt.u32 v4, $0x258000;
	vm4 =	vmand vm5, vm4  }
0xc7: {  	vm4 =	vmand vm6, vm4  }
0xc8: {  	v4 =	vnsel vm4, $0xFFFFFFFF, v4  }
.Ltmp8:
0xc9: {  	v5 =	vnsel vm6, $0xFFFFFFFE, v4;
	(pc) =	sbr.rel @p1 .LBB3_3-.Ltmp8, $3  }
0xca: {  	_ =	sdelay $0x1  }
0xcb: {  	s0 =	sadd.s32 $0xFFFFFFF0, s0;
	s24 =	sadd.s32 $0xFFFFFFF0, s24;
	(ifvalue) =	ssetifvalue $0xFFFFFFFF  }
0xcc: {  	[tilespmem:s24], [sflag:$0x8] =	stream.indirect_vreg.gather [hbm4b:s1+s14], $0x1, v4, vm0, $0x4038;
	[tilespmem:s28+$0x0] =	vst v5  }
0xcd: {  	s0 =	sshrl.u32 s23, $0x3  }
0xce: {  	s31 =	sadd.s32 $0xA100, s25;
	s0 =	sadd.s32 s5, s0  }
0xcf: {  	[tilespmem:s31], [sflag:$0x8] =	stream.linear.gather [hbm:s0], $0x2000, $0x38;
	[tilespmem:$0x12120] =	vst v63  }
.LBB3_5:
0xd0: {  	p1 =	sgt.u32 s21, $0xA  }
.Ltmp9:
0xd1: {  	_ = 	snop;
	(pc) =	sbr.rel @p1 .LBB3_7-.Ltmp9, $1  }
0xd2: {  	_ =	sdelay $0x3  }
0xd3: {  	s0 =	sshll.u32 s3, s21  }
0xd4: {  	s0 =	sand.u32 $0x403, s0  }
0xd5: {  	p1 =	sne.s32 s0, $0x0  }
.Ltmp10:
0xd6: {  	_ = 	snop;
	(pc) =	sbr.rel @p1 .LBB3_10-.Ltmp10, $1  }
0xd7: {  	_ =	sdelay $0x3  }
.LBB3_7:
0xd8: {  	s0 =	sadd.s32 $0xFFFFFFFE, s21  }
0xd9: {  	s23 =	smulhi.u32 $0xAAAAAAAB, s0;
	_ =	sdelay $0x1  }
0xda: {  	s23 =	sshrl.u32 s23, $0x1  }
0xdb: {  	s23 =	smul.u32 $0x3, s23;
	_ =	sdelay $0x1  }
0xdc: {  	_ =	swait.ge [sflag:s8], $0x4000;
	s0 =	ssub.s32 s0, s23  }
0xdd: {  	p1 =	sne.s32 s21, $0x9;
	[sflag:s8] =	ssyncset.done $0x0;
	s0 =	sshll.u32 s0, $0xD  }
0xde: {  	[sflag:s8] =	ssyncadd.s32 $0xFFFFC000;
	s23 =	sadd.s32 @!p1 $0x20FF, s0  }
0xdf: {  	[spmem:s11] =	stream.linear.scatter @!p1 [tilespmem:s23], [sflag:$0x1], $0x1, $0x38;
	[tilespmem:$0x12120] =	vst v63  }
0xe0: {  	s23 =	simm.s32 @!p1 $0x1  }
0xe1: {  	_ =	swait.ge @!p1 [sflag:s23], $0x1  }
0xe2: {  	s24 =	sshll.u32 s21, $0x4;
	[sflag:s23] =	ssyncset.done @!p1 $0x0  }
0xe3: {  	[sflag:s23] =	ssyncadd.s32 @!p1 $0xFFFFFFFF;
	s23 =	sand.u32 $0x10, s24  }
0xe4: {  	v4 =	vld [tilespmem:s23+$0x10];
	s29 =	sxor.u32 $0x10, s23  }
0xe5: {  	v5 =	vld [tilespmem:s29+$0x60]  }
0xe6: {  	v3 =	vld [tilespmem:$0x80];
	_ =	sdelay $0x2  }
0xe7: {  	(v2sf) =	vpush v4, $0x0  }
0xe8: {  	(v2sf) =	vpush v5, $0x0  }
0xe9: {  	(v2sf) =	vpush v3, $0x0;
	_ =	sdelay $0xc  }
0xea: {  	s24 =	spop (v2sf)  }
0xeb: {  	s26 =	spop (v2sf)  }
0xec: {  	s25 =	spop (v2sf)  }
0xed: {  	p2 =	seq.s32 s24, s26;
	p3 =	seq.s32 s25, s24  }
0xee: {  	p3 =	por p2, p3  }
0xef: {  	v4 =	vpsel p3, $0xFFFFFFFF, v4  }
0xf0: {  	s24 =	sand.u32 $0x1, s21;
	[tilespmem:s23+$0x10] =	vst.msk $0x1, v4  }
0xf1: {  	s26 =	sshll.u32 s24, $0xD;
	v4 =	vld [tilespmem:$0x30]  }
0xf2: {  	v5 =	vld [tilespmem:s26+$0xA100]  }
0xf3: {  	v6 =	vld [tilespmem:s23+$0x40];
	_ =	sdelay $0x3  }
0xf4: {  	vm4 =	vmmov vm1;
	v5 =	vadd.f32 v5, v4  }
0xf5: {  	vm5 =	vmmov vm2;
	vm4 =	vmmov @p2 vm2;
	s24 =	sshll.u32 s24, $0x4;
	v4 =	vadd.f32 v6, v4  }
0xf6: {  	vm5 =	vmmov @p3 vm1;
	s24 =	sor.u32 $0x12100, s24;
	[tilespmem:s26+$0xA100] =	vst.msk vm4, v5  }
0xf7: {  	[tilespmem:s24+$0x0] =	vst.msk vm5, v4  }
0xf8: {  	v4 =	vld [tilespmem:s26+$0x80F0];
	_ =	sdelay $0x3  }
0xf9: {  	v5 =	vimm.f32 $0.0e+00  }
0xfa: {  	v4 =	vshift.insert v4, v5, s19  }
0xfb: {  	s28 =	sor.u32 $0x40, s29  }
0xfc: {  	[tilespmem:s28+$0x0] =	vst.msk $0x1, v4  }
0xfd: {  	[tilespmem:s26+$0x80FF] =	vst.msk $0x1, v5  }
0xfe: {  	v4 =	vld [tilespmem:s0+$0x20F0];
	_ =	sdelay $0x1  }
0xff: {  	s0 =	smulhi.u32 $0xAAAAAAAB, s18;
	_ =	sdelay $0x1  }
0x100: {  	s28 =	simm.s32 $0x1;
	s0 =	sshrl.u32 s0, $0x1  }
0x101: {  	s28 =	simm.s32 @!p0 $0x0;
	s0 =	smul.u32 $0xFFFE8000, s0;
	v4 =	vshift.insert v4, v1, s19  }
0x102: {  	s30 =	sshll.u32 s28, $0xD  }
0x103: {  	s28 =	sadd.s32 $0xA100, s30;
	s0 =	sshra.s32 s0, $0x2;
	[tilespmem:s29+$0x10] =	vst.msk $0x1, v4  }
0x104: {  	s0 =	sadd.s32 s0, s17;
	v6 =	vld [tilespmem:s28+$0x0]  }
0x105: {  	v7 =	vld [tilespmem:s0+$0x0];
	_ =	sdelay $0x3  }
0x106: {  	v5 =	vadd.f32 v6, v5  }
0x107: {  	vm4 =	vne.s32 v7, $0xFFFFFFFF  }
0x108: {  	(xrf2) =	vadd.seg.scan.f32 vm4, v5;
	_ =	sdelay $0x3  }
0x109: {  	s29 =	sadd.s32 $0x6100, s30;
	v5 =	vperm.xlane v4, v1  }
0x10a: {  	v6 =	vld [tilespmem:s29+$0x0]  }
0x10b: {  	vm5 =	veq.s32 v7, v3;
	vm6 =	veq.s32 v7, v5  }
0x10c: {  	vm7 =	vgt.u32 v7, $0xFFFFFFFD;
	vm6 =	vmor vm6, vm5  }
0x10d: {  	vm6 =	vmor vm6, vm7  }
0x10e: {  	v9 =	vld [tilespmem:$0xA0];
	v7 =	vsel vm6, $0xFFFFFFFF, v7  }
0x10f: {  	v10 =	vld [tilespmem:$0x90];
	v6 =	vsel vm5, $0x0, v6;
	v8, _, _ =	vpop (xrf2)  }
0x110: {  	v6 =	vadd.f32 v8, v6  }
0x111: {  	s30 =	sadd.s32 $0xE100, s30  }
0x112: {  	vm4 =	vmand vm4, vm3;
	[tilespmem:s30+$0x0] =	vst v6;
	(ifvalue) =	ssetifvalue $0xFFFFFFFF  }
0x113: {  	vm6 =	veq.s32 v9, $0x1;
	[hbm4b:s1+s14] =	stream.indirect_vreg.scatter [tilespmem:s30], [sflag:$0x2], $0x1, v7, vm0, $0x4038;
	v7 =	vsel vm4, $0x0, v8;
	[tilespmem:$0x12120] =	vst v63  }
0x114: {  	s31 =	simm.s32 $0x0;
	s0 =	sadd.s32 $0x10, s0;
	vm4 =	vmor vm6, vm5;
	v6 =	vsel vm5, v8, v10;
	v7 =	vshift.insert v7, v0, s19  }
.LBB3_8:
0x115: {  	v8 =	vld [tilespmem:s0+$0x0];
	s28 =	sadd.s32 $0x10, s28  }
0x116: {  	s29 =	sadd.s32 $0x10, s29;
	v9 =	vld [tilespmem:s28+$0x0]  }
0x117: {  	s31 =	sadd.s32 $0x10, s31;
	v10 =	vld [tilespmem:s29+$0x0]  }
0x118: {  	p2 =	slt.u32 s31, $0x1FF0;
	_ =	sdelay $0x2  }
0x119: {  	v7 =	vadd.f32 v9, v7  }
0x11a: {  	vm5 =	vne.s32 v8, $0xFFFFFFFF  }
0x11b: {  	vm6 =	vmand vm5, vm3;
	(xrf2) =	vadd.seg.scan.f32 vm5, v7;
	_ =	sdelay $0x5  }
0x11c: {  	vm7 =	veq.s32 v8, v5;
	vm5 =	veq.s32 v8, v3  }
0x11d: {  	vm8 =	vgt.u32 v8, $0xFFFFFFFD;
	vm4 =	vmor vm4, vm5;
	vm7 =	vmor vm7, vm5  }
0x11e: {  	vm7 =	vmor vm7, vm8  }
0x11f: {  	v8 =	vsel vm7, $0xFFFFFFFF, v8  }
.Ltmp11:
0x120: {  	v7 =	vsel vm5, $0x0, v10;
	v9, _, _ =	vpop (xrf2);
	(pc) =	sbr.rel @p2 .LBB3_8-.Ltmp11, $4  }
0x121: {  	v6 =	vsel vm5, v9, v6;
	v10 =	vadd.f32 v9, v7;
	v7 =	vsel vm6, $0x0, v9  }
0x122: {  	s30 =	sadd.s32 $0x10, s30;
	v7 =	vshift.insert v7, v0, s19  }
0x123: {  	s0 =	sadd.s32 $0x10, s0;
	[tilespmem:s30+$0x0] =	vst v10;
	(ifvalue) =	ssetifvalue $0xFFFFFFFF  }
0x124: {  	[hbm4b:s1+s14] =	stream.indirect_vreg.scatter [tilespmem:s30], [sflag:$0x2], $0x1, v8, vm0, $0x4038;
	[tilespmem:$0x12120] =	vst v63  }
0x125: {  	v3 =	vld [tilespmem:s26+$0x100F0];
	_ =	sdelay $0x4  }
0x126: {  	v3 =	vshift.insert v3, v0, s19;
	_ =	sdelay $0x1  }
0x127: {  	[tilespmem:s20+$0x0] =	vst.msk $0x1, v3  }
0x128: {  	v3 =	vsel vm4, $0x1, v1;
	[tilespmem:$0x90] =	vst v6  }
0x129: {  	s0 =	sadd.s32 @!p1 $0x100FF, s26;
	[tilespmem:$0xA0] =	vst v3  }
0x12a: {  	[spmem:s12] =	stream.linear.scatter @!p1 [tilespmem:s0], [sflag:$0x1], $0x1, $0x38;
	[tilespmem:$0x12120] =	vst v63  }
0x12b: {  	s0 =	simm.s32 @!p1 $0x1  }
0x12c: {  	v3 =	vmctz.xlane @!p1 vm4;
	_ =	swait.ge @!p1 [sflag:s0], $0x1  }
0x12d: {  	(v2sf) =	vpush @!p1 v4, $0x0  }
0x12e: {  	(v2sf) =	vpush @!p1 v3, $0x0;
	_ =	sdelay $0xd  }
0x12f: {  	s26 =	spop @!p1 (v2sf)  }
0x130: {  	s28 =	spop @!p1 (v2sf)  }
0x131: {  	p2 =	sne.s32 @!p1 s25, s26;
	p3 =	slt.s32 @!p1 s28, $0xF  }
0x132: {  	[sflag:s0] =	ssyncset.done @!p1 $0x0;
	p2 =	por p2, p1;
	p3 =	por !p3, p1  }
0x133: {  	[sflag:s0] =	ssyncadd.s32 @!p1 $0xFFFFFFFF;
	v3 =	vimm.s32 @!p2 $0xFFFFFFFF;
	s28 =	simm.s32 @p3 $0xF  }
0x134: {  	[tilespmem:$0x80] =	vst @!p2 v3;
	s25 =	sadd.s32 @!p1 $0x90, s28  }
0x135: {  	[spmem:s9] =	stream.linear.scatter @!p1 [tilespmem:s25], [sflag:$0x1], $0x1, $0x38;
	[tilespmem:$0x12120] =	vst v63  }
0x136: {  	_ =	swait.ge @!p1 [sflag:s0], $0x1  }
0x137: {  	[sflag:s0] =	ssyncset.done @!p1 $0x0  }
0x138: {  	s25 =	simm.s32 @!p1 $0x80;
	[sflag:s0] =	ssyncadd.s32 @!p1 $0xFFFFFFFF  }
0x139: {  	[spmem:s13] =	stream.linear.scatter @!p1 [tilespmem:s25], [sflag:$0x1], $0x1, $0x38;
	[tilespmem:$0x12120] =	vst v63  }
0x13a: {  	_ =	swait.ge @!p1 [sflag:s0], $0x1  }
0x13b: {  	[sflag:s0] =	ssyncset.done @!p1 $0x0  }
0x13c: {  	[sflag:s0] =	ssyncadd.s32 @!p1 $0xFFFFFFFF;
	(ifvalue) =	ssetifvalue $0xFFFFFFFF;
	v3 =	vld [tilespmem:s23+$0x10];
	_ =	sdelay $0x3  }
.Ltmp12:
0x13d: {  	_ = 	snop;
	(pc) =	sbr.rel .LBB3_10-.Ltmp12, $3  }
0x13e: {  	_ =	sdelay $0x1  }
0x13f: {  	(ifvalue) =	ssetifvalue $0xFFFFFFFF  }
0x140: {  	[hbm4b:s1+s14] =	stream.indirect_vreg.scatter [tilespmem:s24], [sflag:$0x9], $0x1, v3, vm0, $0x4038;
	[tilespmem:$0x12120] =	vst v63  }
.LBB3_11:
0x141: {  	_ =	sfence.sel $0x180000  }
0x142: {  	s0 =	simm.s32 $0x7;
	[bflag:$0x0] =	sbarrier.arrive $0xFFFF  }
0x143: {  	s26 =	simm.s32 $0x8;
	[sflag:s0] =	ssyncpa.u1 $0x1  }
0x144: {  	s28 =	simm.s32 $0x9;
	[sflag:s26] =	ssyncpa.u1 $0x1  }
0x145: {  	[sflag:s28] =	ssyncpa.u1 $0x1  }
0x146: {  	_ =	sfence.stream.spmem  }
0x147: {  	s29 =	simm.s32 $0x3;
	[bflag:$0x0] =	sbarrier.arrive $0xFFFF  }
0x148: {  	s30 =	simm.s32 $0x4;
	[sflag:s29] =	ssyncpa.u1 $0x1  }
0x149: {  	s31 =	simm.s32 $0x3C;
	[sflag:s30] =	ssyncpa.u1 $0x1  }
0x14a: {  	p0 =	sne.s32 s4, $0x0;
	[sflag:s31] =	ssyncpa.u1 $0x1  }
0x14b: {  	s0 =	simm.s32 @p0 $0x1;
	_ =	sfence @p0  }
0x14c: {  	[sflag:s0] =	ssyncpa.u1 @p0 $0x1;
	s0 =	simm.s32 @p0 $0x2  }
0x14d: {  	[sflag:s0] =	ssyncpa.u1 @p0 $0x1  }
0x14e: {  	_ =	strace @p0 $0x90000062  }
0x14f: {  	[bflag:$0x2] =	sbarrier.arrive @p0 $0xFFFF  }
0x150: {  	_ =	shalt @p0  }
.LBB3_12:
0x151: {  	_ =	sfence.stream.spmem;
	s0 =	simm.s32 $0x5  }
0x152: {  	s2 =	simm.s32 $0x80;
	s3 =	simm.s32 $0xC0;
	[sflag:s0] =	ssyncpa.u1 $0x0  }
0x153: {  	[tilespmem:s3], [sflag:$0x5] =	stream.linear.gather [spmem:s2], $0x20, $0x38;
	[tilespmem:$0x12120] =	vst v63  }
0x154: {  	s2 =	simm.s32 $0x0;
	s3 =	simm.s32 $0xE0  }
0x155: {  	[tilespmem:s3], [sflag:$0x5] =	stream.linear.gather [spmem:s2], $0x20, $0x38;
	[tilespmem:$0x12120] =	vst v63  }
.Ltmp13:
0x156: {  	_ = 	snop;
	(pc) =	sbr.rel .LBB3_13-.Ltmp13, $4  }
0x157: {  	_ =	swait.ge [sflag:s0], $0x40  }
0x158: {  	[sflag:s0] =	ssyncset.done $0x0  }
0x159: {  	s31 =	simm.s32 $0x6;
	[sflag:s0] =	ssyncadd.s32 $0xFFFFFFC0  }
0x15a: {  	s4 =	simm.s32 $0x0;
	[sflag:s31] =	ssyncpa.u1 $0x0  }
.LBB3_18:
0x15b: {  	p0 =	sgt.u32 s5, $0x257FFF  }
0x15c: {  	s0 =	sshrl.u32 @!p0 s5, $0x3  }
0x15d: {  	s5 =	sand.u32 @!p0 $0x7, s5;
	s6 =	simm.s32 @!p0 $0xB0;
	s0 =	sadd.s32 @!p0 s1, s0  }
0x15e: {  	[tilespmem:s6], [sflag:$0x6] =	stream.linear.gather @!p0 [hbm4b:s0+s5], $0x1, $0x38;
	[tilespmem:$0x12120] =	vst v63  }
0x15f: {  	s0 =	simm.s32 @!p0 $0x6  }
0x160: {  	_ =	swait.ge @!p0 [sflag:s0], $0x1  }
0x161: {  	[sflag:s0] =	ssyncset.done @!p0 $0x0  }
0x162: {  	[sflag:s0] =	ssyncadd.s32 @!p0 $0xFFFFFFFF  }
0x163: {  	v2 =	vmov @!p0 s4;
	v1 =	vld.msk @!p0 [tilespmem:$0xB0], $0x1;
	_ =	sdelay $0x3  }
0x164: {  	s0 =	simm.s32 @!p0 $0xE0  }
0x165: {  	[tilespmem:v2+s0+$0x0], v1 =	vst.idx.ret.add.f32.msk @!p0 $0x1, v1  }
0x166: {  	[tilespmem:s2+$0xC0] =	vst.msk $0x1, v0  }
0x167: {  	v0 =	vld.msk [tilespmem:s4+$0xE0], $0x1;
	_ =	sdelay $0x4  }
0x168: {  	[tilespmem:s2+$0xE0] =	vst.msk $0x1, v0;
	s2 =	sadd.s32 $0x1, s2  }
.LBB3_20:
0x169: {  	s4 =	sadd.s32 $0x1, s4  }
0x16a: {  	p0 =	sne.s32 s4, $0x20  }
.Ltmp14:
0x16b: {  	_ = 	snop;
	(pc) =	sbr.rel @!p0 .LBB3_21-.Ltmp14, $1  }
0x16c: {  	_ =	sdelay $0x3  }
.LBB3_13:
0x16d: {  	v0 =	vld.msk [tilespmem:s4+$0xC0], $0x1;
	_ =	sdelay $0x4  }
0x16e: {  	(v2sf) =	vpush v0, $0x0;
	_ =	sdelay $0xe  }
0x16f: {  	s5 =	spop (v2sf)  }
0x170: {  	p0 =	seq.s32 s5, $0xFFFFFFFF  }
.Ltmp15:
0x171: {  	_ = 	snop;
	(pc) =	sbr.rel @p0 .LBB3_20-.Ltmp15, $1  }
0x172: {  	_ =	sdelay $0x3  }
0x173: {  	p0 =	slt.s32 s2, $0x1  }
.Ltmp16:
0x174: {  	_ = 	snop;
	(pc) =	sbr.rel @p0 .LBB3_18-.Ltmp16, $1  }
0x175: {  	_ =	sdelay $0x3  }
0x176: {  	s6 =	simm.s32 $0xC0;
	p0 =	por $0x0, $0x0  }
0x177: {  	v1 =	vld.msk @!p0 [tilespmem:s6+$0x0], $0x1;
	_ =	sdelay $0x4  }
0x178: {  	(v2sf) =	vpush @!p0 v1, $0x0;
	_ =	sdelay $0xd  }
0x179: {  	p2 =	sne.s32 s2, $0x1  }
.Ltmp17:
0x17a: {  	s0 =	spop @!p0 (v2sf);
	(pc) =	sbr.rel @!p2 .LBB3_17-.Ltmp17, $4  }
0x17b: {  	p1 =	seq.s32 @!p0 s5, s0  }
0x17c: {  	s0 =	simm.s32 $0x0;
	p1 =	por !p1, p0  }
0x17d: {  	s8 =	simm.s32 $0xFFFFFFFF;
	s0 =	simm.s32 @p1 $0xFFFFFFFF  }
0x17e: {  	s7 =	simm.s32 $0x1;
	s0 =	smov.u32 @p0 s8  }
.LBB3_16:
0x17f: {  	s8 =	smov.u32 s0;
	p0 =	sne.s32 s0, $0xFFFFFFFF  }
0x180: {  	s6 =	sadd.s32 $0x1, s6;
	s0 =	smov.u32 s7;
	s7 =	sadd.s32 $0x1, s7  }
0x181: {  	p1 =	sne.s32 s2, s7;
	v1 =	vld.msk @!p0 [tilespmem:s6+$0x0], $0x1;
	_ =	sdelay $0x4  }
0x182: {  	(v2sf) =	vpush @!p0 v1, $0x0;
	_ =	sdelay $0xe  }
.Ltmp18:
0x183: {  	s9 =	spop @!p0 (v2sf);
	(pc) =	sbr.rel @p1 .LBB3_16-.Ltmp18, $4  }
0x184: {  	p2 =	seq.s32 @!p0 s5, s9  }
0x185: {  	p2 =	por !p2, p0  }
0x186: {  	s0 =	simm.s32 @p2 $0xFFFFFFFF  }
0x187: {  	s0 =	smov.u32 @p0 s8  }
.LBB3_17:
0x188: {  	p0 =	sne.s32 s0, $0xFFFFFFFF  }
.Ltmp19:
0x189: {  	_ = 	snop;
	(pc) =	sbr.rel @!p0 .LBB3_18-.Ltmp19, $1  }
0x18a: {  	_ =	sdelay $0x3  }
0x18b: {  	v0 =	vld.msk [tilespmem:s4+$0xE0], $0x1;
	v1 =	vmov s0  }
.Ltmp20:
0x18c: {  	_ = 	snop;
	(pc) =	sbr.rel .LBB3_20-.Ltmp20, $2  }
0x18d: {  	_ =	sdelay $0x2  }
0x18e: {  	[tilespmem:v1+s3+$0x0], v0 =	vst.idx.ret.add.f32.msk $0x1, v0  }
.LBB3_21:
0x18f: {  	p0 =	slt.s32 s2, $0x1  }
.Ltmp21:
0x190: {  	_ = 	snop;
	(pc) =	sbr.rel @p0 .LBB3_25-.Ltmp21, $3  }
0x191: {  	_ =	sdelay $0x1  }
0x192: {  	s0 =	simm.s32 $0x6  }
0x193: {  	s3 =	simm.s32 $0x0;
	[sflag:s0] =	ssyncpa.u1 $0x1  }
0x194: {  	s0 =	simm.s32 $0xC0  }
0x195: {  	v0 =	vld.msk [tilespmem:s0+$0x0], $0x1;
	_ =	sdelay $0x4  }
0x196: {  	(v2sf) =	vpush v0, $0x0;
	_ =	sdelay $0xe  }
0x197: {  	s2 =	sadd.s32 $0xFFFFFFFF, s2;
	s4 =	spop (v2sf)  }
0x198: {  	p1 =	sne.s32 s2, $0x0;
	p0 =	sgt.u32 s4, $0x257FFF  }
.Ltmp22:
0x199: {  	s5 =	sshrl.u32 @!p0 s4, $0x3;
	(pc) =	sbr.rel @!p1 .LBB3_24-.Ltmp22, $4  }
0x19a: {  	s0 =	simm.s32 $0xE0;
	s4 =	sand.u32 @!p0 $0x7, s4;
	s5 =	sadd.s32 @!p0 s1, s5  }
0x19b: {  	[hbm4b:s5+s4] =	stream.linear.scatter @!p0 [tilespmem:s0], [sflag:$0x5], $0x1, $0x38;
	[tilespmem:$0x12120] =	vst v63  }
0x19c: {  	s5 =	simm.s32 $0x0  }
0x19d: {  	s4 =	simm.s32 $0xC1;
	s5 =	simm.s32 @!p0 $0x4  }
.LBB3_23:
0x19e: {  	v0 =	vld.msk [tilespmem:s4+$0x0], $0x1;
	s2 =	sadd.s32 $0xFFFFFFFF, s2;
	s3 =	sadd.s32 s3, s5  }
0x19f: {  	p0 =	sne.s32 s2, $0x0;
	_ =	sdelay $0x3  }
0x1a0: {  	(v2sf) =	vpush v0, $0x0;
	_ =	sdelay $0xe  }
.Ltmp23:
0x1a1: {  	s6 =	spop (v2sf);
	(pc) =	sbr.rel @p0 .LBB3_23-.Ltmp23, $4  }
0x1a2: {  	s5 =	simm.s32 $0x0;
	p1 =	sgt.u32 s6, $0x257FFF  }
0x1a3: {  	s0 =	sadd.s32 $0x1, s0;
	s5 =	simm.s32 @!p1 $0x4;
	s7 =	sshrl.u32 @!p1 s6, $0x3  }
0x1a4: {  	s4 =	sadd.s32 $0x1, s4;
	s6 =	sand.u32 @!p1 $0x7, s6;
	s7 =	sadd.s32 @!p1 s1, s7  }
0x1a5: {  	[hbm4b:s7+s6] =	stream.linear.scatter @!p1 [tilespmem:s0], [sflag:$0x5], $0x1, $0x38;
	[tilespmem:$0x12120] =	vst v63  }
.LBB3_24:
0x1a6: {  	s0 =	sadd.s32 s3, s5  }
0x1a7: {  	s3 =	sshrl.u32 s0, $0x2  }
.LBB3_25:
0x1a8: {  	s0 =	simm.s32 $0x5  }
0x1a9: {  	_ =	swait.ge [sflag:s0], s3  }
0x1aa: {  	s1 =	ssub.s32 $0x0, s3;
	[sflag:s0] =	ssyncset.done $0x0  }
0x1ab: {  	[sflag:s0] =	ssyncadd.s32 s1  }
0x1ac: {  	[sflag:s0] =	ssyncpa.u1 $0x1  }
0x1ad: {  	s29 =	simm.s32 $0x1;
	_ =	sfence  }
0x1ae: {  	s30 =	simm.s32 $0x2;
	[sflag:s29] =	ssyncpa.u1 $0x1  }
0x1af: {  	[sflag:s30] =	ssyncpa.u1 $0x1  }
0x1b0: {  	_ =	strace $0x90000062  }
0x1b1: {  	[bflag:$0x2] =	sbarrier.arrive $0xFFFF  }
0x1b2: {  	s31 =	rddreg [dreg:$0x1]  }
0x1b3: {  	s0 =	sadd.s32 $0x100000, s31  }
0x1b4: {  	[sflag:s0] =	ssyncadd.tile.s32 $0x1;
	_ =	shalt  }
.Lfunc_end3:
_tile_overlayer_lowered:
.L_overlay_start_3:
0x1b5: {  	(tag) =	ssettag $0x3  }
0x1b6: {  	s0 =	rddreg [dreg:$0x0];
	s2 =	stileid.u32  }
0x1b7: {  	s1 =	rddreg [dreg:$0x1];
	p0 =	sne.s32 s2, $0x0  }
0x1b8: {  	s3 =	rddreg [dreg:$0x2];
	[bflag:$0x3] =	sbarrier.arrive $0xFFFF;
	s2 =	simm.s32 @!p0 $0x1C01  }
0x1b9: {  	[timem:s3], [sflag:s2] =	dma.local @!p0 [hbm:s0], s1  }
0x1ba: {  	s0 =	simm.s32 @!p0 $0x1  }
0x1bb: {  	_ =	swait.ge @!p0 [sflag:s0], s1  }
0x1bc: {  	s1 =	ssub.s32 @!p0 $0x0, s1;
	[sflag:s0] =	ssyncset.done @!p0 $0x0  }
0x1bd: {  	[sflag:s0] =	ssyncadd.s32 @!p0 s1  }
0x1be: {  	[bflag:$0x3] =	sbarrier.arrive $0xFFFF  }
0x1bf: {  	_ =	shalt  }

// kernel: scatter_offload_async_start.2
scs
__scs_entry_jumppad:
0x0: {  	(pc) =	sbr.rel $0x88, $3  }
0x1: {  	(tag) =	ssettag $0x0;
	lr =	simm.s32 $0x1  }
0x2: {  	[smem:$0x3F9F] =	sst lr;
	_ =	strace $0xD0000000  }
0x3: {  	_ = 	snop  }
0x4: {  	_ = 	snop  }
0x5: {  	_ = 	snop  }
0x6: {  	_ = 	snop  }
0x7: {  	_ = 	snop  }
__scs_overlays_trampoline_lowered:
0x8: {  	[smem:$0x3FAE] =	sst s0  }
0x9: {  	[smem:$0x3FAF] =	sst s1  }
0xa: {  	[smem:$0x3FB0] =	sst s2  }
0xb: {  	[smem:$0x3FB1] =	sst s3  }
0xc: {  	[smem:$0x3FB2] =	sst s4  }
0xd: {  	[smem:$0x3FB3] =	sst s5  }
0xe: {  	[smem:$0x3FB4] =	sst s6  }
0xf: {  	[smem:$0x3FB5] =	sst s7  }
0x10: {  	[smem:$0x3FB6] =	sst s8  }
0x11: {  	[smem:$0x3FB7] =	sst s9;
	s0 =	simm.s32 @!p0 $0x0  }
0x12: {  	s1 =	sld [smem:$0x3F9D];
	s0 =	simm.s32 @p0 $0x1  }
0x13: {  	[smem:$0x3FB8] =	sst s0;
	s0 =	simm.s32 @!p1 $0x0  }
0x14: {  	s2 =	sld [smem:$0x3F9C];
	s0 =	simm.s32 @p1 $0x1  }
0x15: {  	[smem:$0x3FB9] =	sst s0;
	s0 =	simm.s32 @!p2 $0x0  }
0x16: {  	s3 =	sld [smem:$0x3FDB];
	s0 =	simm.s32 @p2 $0x1  }
0x17: {  	s4 =	simm.s32 $0x1BF5;
	[smem:$0x3FBB] =	sst s0  }
0x18: {  	s0 =	sld [smem:$0x3F9E];
	_ =	swait.ge [sflag:s4], $0x0  }
0x19: {  	s7 =	sld [smem:$0x3F9F]  }
0x1a: {  	s8 =	sadd.s32 $0xFFFFE003, lr  }
0x1b: {  	s9 =	sadd.s32 $0xFFFFFEF7, lr;
	s5 =	simm.s32 $0xFFFFFFFF;
	p2 =	slt.u32 s8, $0xFFFFF086  }
0x1c: {  	p1 =	slt.u32 s9, $0xF7A;
	s5 =	simm.s32 @!p2 $0x0  }
0x1d: {  	s5 =	simm.s32 @p1 $0x1;
	p0 =	seq.s32 s7, s2  }
0x1e: {  	s7 =	smul.u32 @!p0 $0xF7A, s2;
	p2 =	seq.s32 @!p0 s5, $0x0  }
0x1f: {  	s9 =	smul.u32 $0xF7A, s1;
	s8 =	simm.s32 @!p0 $0x1BF5;
	p2 =	por !p2, p0  }
0x20: {  	[sflag:s8] =	ssyncset.s32 @!p0 $0xFFFFF086;
	s6 =	sadd.s32 @!p0 s3, s7;
	s7 =	simm.s32 @!p0 $0x108  }
0x21: {  	s3 =	sadd.s32 s3, s9;
	s6 =	sadd.s32 @!p0 $0x88, s6;
	s7 =	simm.s32 @p2 $0x1082  }
0x22: {  	[simem:s7], [sflag:s8] =	dma.local @!p0 [hbm:s6], $0xF7A  }
0x23: {  	s9 =	sor.u32 $0xD0000000, s2;
	s6 =	simm.s32 $0x108;
	_ =	swait.ge @!p0 [sflag:s8], $0x0  }
0x24: {  	s3 =	sadd.s32 $0x88, s3;
	s6 =	simm.s32 @!p1 $0x1082;
	[sflag:s4] =	ssyncset.s32 $0xFFFFF086  }
0x25: {  	[simem:s6], [sflag:s4] =	dma.local [hbm:s3], $0xF7A  }
0x26: {  	[smem:$0x3F9F] =	sst s1;
	(tag) =	ssettag s2;
	_ =	strace s9  }
0x27: {  	s1 =	sld [smem:$0x3FAF]  }
0x28: {  	s2 =	sld [smem:$0x3FB0]  }
0x29: {  	s4 =	sld [smem:$0x3FB2]  }
0x2a: {  	p0 =	seq.s32 s5, $0x0;
	s5 =	sld [smem:$0x3FB3]  }
0x2b: {  	s6 =	sld [smem:$0x3FB4]  }
0x2c: {  	s7 =	sld [smem:$0x3FB5]  }
0x2d: {  	s3 =	simm.s32 $0x108;
	s8 =	sld [smem:$0x3FB6]  }
0x2e: {  	s3 =	simm.s32 @!p0 $0x1082;
	s9 =	sld [smem:$0x3FB7]  }
0x2f: {  	lr =	sadd.s32 s0, s3;
	s0 =	sld [smem:$0x3FAE]  }
0x30: {  	s3 =	sld [smem:$0x3FB1]  }
0x31: {  	[smem:$0x3FBA] =	sst s10  }
0x32: {  	s10 =	sld [smem:$0x3FB8];
	_ =	sdelay $0x3  }
0x33: {  	p0 =	seq.s32 s10, $0x1;
	s10 =	sld [smem:$0x3FBA];
	_ =	sdelay $0x3  }
0x34: {  	[smem:$0x3FBA] =	sst s10  }
0x35: {  	s10 =	sld [smem:$0x3FB9];
	_ =	sdelay $0x3  }
0x36: {  	p1 =	seq.s32 s10, $0x1;
	s10 =	sld [smem:$0x3FBA];
	_ =	sdelay $0x3  }
0x37: {  	[smem:$0x3FBA] =	sst s10  }
0x38: {  	s10 =	sld [smem:$0x3FBB]  }
0x39: {  	_ = 	snop;
	(pc) =	sbr.ind lr, $3  }
0x3a: {  	_ = 	snop  }
0x3b: {  	_ = 	snop  }
0x3c: {  	p2 =	seq.s32 s10, $0x1;
	s10 =	sld [smem:$0x3FBA]  }
0x3d: {  	_ =	shalt  }
0x3e: {  	_ =	shalt  }
0x3f: {  	_ =	shalt  }
0x40: {  	_ =	shalt  }
0x41: {  	_ =	shalt  }
0x42: {  	_ =	shalt  }
0x43: {  	_ =	shalt  }
0x44: {  	_ =	shalt  }
0x45: {  	_ =	shalt  }
0x46: {  	_ =	shalt  }
0x47: {  	_ =	shalt  }
0x48: {  	_ =	shalt  }
0x49: {  	_ =	shalt  }
0x4a: {  	_ =	shalt  }
0x4b: {  	_ =	shalt  }
0x4c: {  	_ =	shalt  }
0x4d: {  	_ =	shalt  }
0x4e: {  	_ =	shalt  }
0x4f: {  	_ =	shalt  }
0x50: {  	_ =	shalt  }
0x51: {  	_ =	shalt  }
0x52: {  	_ =	shalt  }
0x53: {  	_ =	shalt  }
0x54: {  	_ =	shalt  }
0x55: {  	_ =	shalt  }
0x56: {  	_ =	shalt  }
0x57: {  	_ =	shalt  }
0x58: {  	_ =	shalt  }
0x59: {  	_ =	shalt  }
0x5a: {  	_ =	shalt  }
0x5b: {  	_ =	shalt  }
0x5c: {  	_ =	shalt  }
0x5d: {  	_ =	shalt  }
0x5e: {  	_ =	shalt  }
0x5f: {  	_ =	shalt  }
0x60: {  	_ =	shalt  }
0x61: {  	_ =	shalt  }
0x62: {  	_ =	shalt  }
0x63: {  	_ =	shalt  }
0x64: {  	_ =	shalt  }
0x65: {  	_ =	shalt  }
0x66: {  	_ =	shalt  }
0x67: {  	_ =	shalt  }
0x68: {  	_ =	shalt  }
0x69: {  	_ =	shalt  }
0x6a: {  	_ =	shalt  }
0x6b: {  	_ =	shalt  }
0x6c: {  	_ =	shalt  }
0x6d: {  	_ =	shalt  }
0x6e: {  	_ =	shalt  }
0x6f: {  	_ =	shalt  }
0x70: {  	_ =	shalt  }
0x71: {  	_ =	shalt  }
0x72: {  	_ =	shalt  }
0x73: {  	_ =	shalt  }
0x74: {  	_ =	shalt  }
0x75: {  	_ =	shalt  }
0x76: {  	_ =	shalt  }
0x77: {  	_ =	shalt  }
0x78: {  	_ =	shalt  }
0x79: {  	_ =	shalt  }
0x7a: {  	_ =	shalt  }
0x7b: {  	_ =	shalt  }
0x7c: {  	_ =	shalt  }
0x7d: {  	_ =	shalt  }
0x7e: {  	_ =	shalt  }
0x7f: {  	_ =	shalt  }
0x80: {  	_ =	shalt  }
0x81: {  	_ =	shalt  }
0x82: {  	_ =	shalt  }
0x83: {  	_ =	shalt  }
0x84: {  	_ =	shalt  }
0x85: {  	_ =	shalt  }
0x86: {  	_ =	shalt  }
0x87: {  	_ =	shalt  }
.Lfunc_end0:
.L_simem_size_0:
called_computation.2_lowered:
.L_overlay_start_0:
0x88: {  	s0 =	sld [smem:$0x3FD9]  }
0x89: {  	s1 =	sld [smem:$0x3FFE];
	_ =	sdelay $0x3  }
0x8a: {  	s0 =	sadd.s32 s1, s0  }
0x8b: {  	[smem:$0x3FC6] =	sst s0  }
0x8c: {  	_ = 	snop  }
0x8d: {  	s14 =	sld [smem:$0x3FD0];
	(tm) =	ssettm $0x1  }
0x8e: {  	s15 =	sld [smem:$0x3FFB];
	_ =	sdelay $0x3  }
0x8f: {  	_ =	strace s15  }
0x90: {  	s0 =	sld [smem:$0x3FFC];
	_ =	sdelay $0x3  }
0x91: {  	_ =	strace s0  }
0x92: {  	s0 =	sld [smem:$0x3FFD];
	_ =	sdelay $0x3  }
0x93: {  	_ =	strace s0  }
0x94: {  	_ =	strace $0x8FFFFFFF  }
0x95: {  	s16 =	sld [smem:$0x3FDB];
	_ =	sdelay $0x1  }
0x96: {  	s2 =	simm.s32 $_scs_section_size  }
0x97: {  	s3 =	simm.s32 $_size__tile_overlayer_lowered;
	s4 =	simm.s32 $_tile_overlayer_lowered  }
0x98: {  	s5 =	simm.s32 $0x1BFF;
	s17 =	sshll.u32 s4, $0x1;
	s2 =	sadd.s32 s2, s16  }
0x99: {  	s18 =	simm.s32 $0x0;
	s3 =	sshll.u32 s3, $0x1;
	s4 =	sadd.s32 s17, s2  }
0x9a: {  	[timem:s18], [sflag:s5] =	dma.local [hbm:s4], s3  }
0x9b: {  	_ =	swait.ge [sflag:s5], s3  }
0x9c: {  	s3 =	ssub.s32 $0x0, s3;
	[sflag:s5] =	ssyncset.done $0x0  }
0x9d: {  	[sflag:s5] =	ssyncadd.s32 s3;
	_ =	sdelay $0x1  }
0x9e: {  	s19 =	simm.s32 $0x1B8B  }
0x9f: {  	_ =	swait.ge [sflag:s19], $0x1  }
0xa0: {  	[sflag:s19] =	ssyncset.done $0x0  }
0xa1: {  	s21 =	simm.s32 $0x1B8E;
	s20 =	sld [smem:$0x3FFE];
	[sflag:s19] =	ssyncadd.s32 $0xFFFFFFFF  }
0xa2: {  	s22 =	simm.s32 $execute0_lowered;
	[smem:$0x3FD2] =	sst s21  }
0xa3: {  	s4 =	sshll.u32 s22, $0x1;
	_ =	strace $0x8000004C;
	[dreg:$0x1] =	wrdreg $0xFFFFFFFF  }
0xa4: {  	s23 =	simm.s32 $_size_execute0_lowered;
	s4 =	sadd.s32 s2, s4;
	[dreg:$0x0] =	wrdreg $0x0  }
0xa5: {  	s5 =	sshll.u32 s23, $0x1;
	[dreg:$0x2] =	wrdreg s4  }
0xa6: {  	[dreg:$0x3] =	wrdreg s5  }
0xa7: {  	[dreg:$0x4] =	wrdreg $0xC0  }
0xa8: {  	s24 =	simm.s32 $execute1_lowered;
	_ =	task [dreg:s18], $0x5FFFF  }
0xa9: {  	s4 =	sshll.u32 s24, $0x1;
	[dreg:$0x1] =	wrdreg $0xFFFFFFFF  }
0xaa: {  	s2 =	sadd.s32 s2, s4;
	[dreg:$0x0] =	wrdreg $0x60  }
0xab: {  	[dreg:$0x2] =	wrdreg s2  }
0xac: {  	[dreg:$0x3] =	wrdreg s14  }
0xad: {  	[dreg:$0x4] =	wrdreg s20  }
0xae: {  	[dreg:$0x5] =	wrdreg $0xB  }
0xaf: {  	_ =	task.clear_ibuf [dreg:s18], $0x6FFFF;
	_ =	strace $0x9000004C  }
0xb0: {  	s25 =	simm.s32 $0xB;
	_ =	strace $0x8000004E  }
0xb1: {  	_ =	swait.ge [sflag:s25], $0x1  }
0xb2: {  	[sflag:s25] =	ssyncadd.s32 $0xFFFFFFFF  }
0xb3: {  	_ =	strace $0x9000004E  }
0xb4: {  	_ =	strace $0x8000004F;
	[dreg:$0x1] =	wrdreg $0xFFFFFFFF  }
0xb5: {  	[dreg:$0x0] =	wrdreg $0x2030  }
0xb6: {  	[dreg:$0x2] =	wrdreg s20  }
0xb7: {  	[dreg:$0x3] =	wrdreg $0xC  }
0xb8: {  	_ =	task.clear_ibuf [dreg:s18], $0x4FFFF;
	_ =	strace $0x9000004F  }
0xb9: {  	s26 =	simm.s32 $0xC;
	_ =	strace $0x80000051  }
0xba: {  	_ =	swait.ge [sflag:s26], $0x1  }
0xbb: {  	[sflag:s26] =	ssyncadd.s32 $0xFFFFFFFF  }
0xbc: {  	_ =	strace $0x90000051  }
0xbd: {  	_ =	sfence  }
0xbe: {  	s28 =	sld [smem:$0x0];
	_ =	sdelay $0x1  }
0xbf: {  	s29 =	srdreg.scid  }
0xc0: {  	s30 =	sshll.u32 s29, $0xD;
	s31 =	sshrl.u32 s29, $0x2  }
0xc1: {  	s3 =	sand.u32 $0x4000, s30;
	s2 =	sand.u32 $0x1, s29;
	s1 =	sadd.s32 s31, s28  }
0xc2: {  	s2 =	sor.u32 s3, s2;
	s1 =	sshll.u32 s1, $0x11  }
0xc3: {  	s1 =	sor.u32 s1, s2  }
0xc4: {  	s1 =	sadd.s32 $0x8F2B, s1  }
0xc5: {  	[sflag:s1] =	ssyncadd.remote.s32 $0x1  }
0xc6: {  	_ =	sfence.sel $0xFFFF  }
0xc7: {  	[dreg:$0x0] =	wrdreg $0xFFFFFFFF;
	(pc) =	sbr.abs _section_cstart, $3  }
0xc8: {  	[dreg:$0x1] =	wrdreg $0xFFFFFFFF  }
0xc9: {  	_ =	task.clear_ibuf [dreg:s18], $0x2FFFF;
	_ =	strace $0x9FFFFFFF  }
0xca: {  	(tm) =	ssettm $0x7FFFFFFF  }
0xcb: {  	_ =	shalt  }
tec
execute0_lowered:
.L_overlay_start_1:
0x0: {  	(tag) =	ssettag $0x1  }
0x1: {  	s4 =	rddreg [dreg:$0x0]  }
0x2: {  	s2 =	rddreg [dreg:$0x1];
	s6 =	stileid.u32  }
0x3: {  	s5 =	rddreg [dreg:$0x2];
	s3 =	smul.u32 $0x3C00, s6  }
0x4: {  	s0 =	rddreg [dreg:$0x3];
	[bflag:$0x3] =	sbarrier.arrive $0xFFFF;
	s1 =	simm.s32 $_size_execute1_lowered  }
0x5: {  	s1 =	sshll.u32 s1, $0x1;
	p0 =	sne.s32 s6, $0x0;
	s28 =	ssub.s32 $0x258000, s3  }
0x6: {  	s7 =	simm.s32 @!p0 $0x1C3F;
	s8 =	simm.s32 @!p0 $0x4060;
	s9 =	smulhi.u32 $0x444445, s28  }
0x7: {  	[timem:s8], [sflag:s7] =	dma.local @!p0 [hbm:s4], s1  }
0x8: {  	s29 =	sshrl.u32 s9, $0x8  }
0x9: {  	s30 =	smul.u32 $0x3C000, s29  }
.Ltmp0:
0xa: {  	s31 =	simm.s32 $0x2;
	s10 =	simm.s32 $0x0;
	(pc) =	sbr.rel .LBB2_1-.Ltmp0, $4  }
0xb: {  	s6 =	simm.s32 $0x1;
	s5 =	sadd.s32 $0xE8000, s5;
	p1 =	sne.s32 s28, s30  }
0xc: {  	s4 =	simm.s32 $0x1;
	_ =	strace $0x8000004D;
	s6 =	simm.s32 @!p1 $0x0  }
0xd: {  	s8 =	smov.u32 s3;
	[sflag:s4] =	ssyncpa.u1 $0x0;
	s6 =	sadd.s32 s6, s29  }
0xe: {  	[sflag:s31] =	ssyncpa.u1 $0x0;
	s9 =	simm.s32 $0x0;
	s7 =	sadd.s32 $0x1, s6  }
.LBB2_4:
0xf: {  	[tilespmem:s11+$0xB0] =	vst v0  }
0x10: {  	[tilespmem:s11+$0xC0] =	vst v1  }
0x11: {  	[tilespmem:s11+$0xD0] =	vst v2  }
0x12: {  	[tilespmem:s11+$0xE0] =	vst v3;
	s13 =	sshrl.u32 s10, $0x3  }
0x13: {  	[tilespmem:s11+$0xFFFFFF00] =	vst v4;
	s31 =	sand.u32 $0x7, s10;
	s30 =	sadd.s32 s5, s13  }
0x14: {  	[hbm4b:s30+s31] =	stream.linear.scatter [tilespmem:s12], [sflag:$0x2], $0x3C00, $0x38;
	[tilespmem:$0xF000] =	vst v63  }
.LBB2_5:
0x15: {  	s12 =	sadd.s32 $0x3C000, s8  }
0x16: {  	p2 =	sgt.s32 s12, $0x257FFF  }
0x17: {  	s12 =	smov.u32 @p2 s3;
	p2 =	sne.s32 s9, s7  }
.Ltmp1:
0x18: {  	p1 =	slt.u32 s9, $0x2;
	(pc) =	sbr.rel @!p2 .LBB2_6-.Ltmp1, $4  }
0x19: {  	s11 =	simm.s32 @!p1 $0x2  }
0x1a: {  	_ =	swait.ge @!p1 [sflag:s11], $0x3C00  }
0x1b: {  	s13 =	sadd.s32 $0x1, s9;
	s10 =	smov.u32 s8;
	[sflag:s11] =	ssyncset.done @!p1 $0x0  }
0x1c: {  	s9 =	smov.u32 s13;
	s8 =	smov.u32 s12;
	[sflag:s11] =	ssyncadd.s32 @!p1 $0xFFFFC400  }
.LBB2_1:
0x1d: {  	p1 =	sge.u32 s9, s6  }
0x1e: {  	s11 =	sxor.u32 @!p1 $0xFFFFFFFF, s9  }
0x1f: {  	s11 =	sand.u32 @!p1 $0x1, s11  }
0x20: {  	s11 =	smul.u32 @!p1 $0xF000, s11  }
0x21: {  	s31 =	sadd.s32 $0xFFFFFFFF, s9;
	s12 =	sshrl.u32 @!p1 s8, $0x3  }
0x22: {  	s13 =	sand.u32 @!p1 $0x7, s8;
	s12 =	sadd.s32 @!p1 s2, s12;
	s11 =	sshrl.u32 @!p1 s11, $0x2  }
0x23: {  	[tilespmem:s11], [sflag:$0x1] =	stream.linear.gather @!p1 [hbm4b:s12+s13], $0x3C00, $0x38;
	[tilespmem:$0xF000] =	vst v63  }
0x24: {  	p1 =	sge.u32 s31, s6  }
.Ltmp2:
0x25: {  	_ = 	snop;
	(pc) =	sbr.rel @p1 .LBB2_5-.Ltmp2, $1  }
0x26: {  	_ =	sdelay $0x3  }
0x27: {  	s11 =	sand.u32 $0x1, s9  }
0x28: {  	_ =	swait.ge [sflag:s4], $0x3C00;
	s12 =	simm.s32 $0x3C00;
	p1 =	seq.s32 s11, $0x1  }
0x29: {  	[sflag:s4] =	ssyncset.done $0x0;
	s12 =	simm.s32 @!p1 $0x0  }
0x2a: {  	[sflag:s4] =	ssyncadd.s32 $0xFFFFC400;
	s14 =	sor.u32 $0x100, s12  }
0x2b: {  	v0 =	vld [tilespmem:s14+$0xF0]  }
0x2c: {  	v1 =	vld [tilespmem:s14+$0xFFFFFF10]  }
0x2d: {  	v2 =	vld [tilespmem:s14+$0xFFFFFF20]  }
0x2e: {  	v3 =	vld [tilespmem:s14+$0xFFFFFF30]  }
0x2f: {  	s11 =	sadd.s32 $0x7900, s12;
	v4 =	vld [tilespmem:s14+$0xFFFFFF40]  }
0x30: {  	v5 =	vld [tilespmem:s14+$0xFFFFFF50];
	[tilespmem:s11+$0xF0] =	vst v0  }
0x31: {  	[tilespmem:s11+$0xFFFFFF10] =	vst v1;
	v0 =	vld [tilespmem:s14+$0xFFFFFF60]  }
0x32: {  	[tilespmem:s11+$0xFFFFFF20] =	vst v2;
	v1 =	vld [tilespmem:s14+$0xFFFFFF70]  }
0x33: {  	[tilespmem:s11+$0xFFFFFF30] =	vst v3;
	v2 =	vld [tilespmem:s14+$0xFFFFFF80]  }
0x34: {  	[tilespmem:s11+$0xFFFFFF40] =	vst v4;
	v3 =	vld [tilespmem:s14+$0xFFFFFF90]  }
0x35: {  	[tilespmem:s11+$0xFFFFFF50] =	vst v5;
	v4 =	vld [tilespmem:s14+$0xFFFFFFA0]  }
0x36: {  	v5 =	vld [tilespmem:s14+$0xA0];
	[tilespmem:s11+$0xFFFFFF60] =	vst v0  }
0x37: {  	v0 =	vld [tilespmem:s14+$0xFFFFFFB0];
	[tilespmem:s11+$0xFFFFFF70] =	vst v1  }
0x38: {  	v1 =	vld [tilespmem:s14+$0xFFFFFFC0];
	[tilespmem:s11+$0xFFFFFF80] =	vst v2  }
0x39: {  	v2 =	vld [tilespmem:s14+$0xFFFFFFD0];
	[tilespmem:s11+$0xFFFFFF90] =	vst v3  }
0x3a: {  	v3 =	vld [tilespmem:s14+$0xFFFFFFE0];
	[tilespmem:s11+$0xFFFFFFA0] =	vst v4  }
0x3b: {  	v4 =	vld [tilespmem:s14+$0xFFFFFFF0];
	[tilespmem:s11+$0xA0] =	vst v5  }
0x3c: {  	[tilespmem:s11+$0xFFFFFFB0] =	vst v0;
	v0 =	vld [tilespmem:s14+$0x0]  }
0x3d: {  	[tilespmem:s11+$0xFFFFFFC0] =	vst v1;
	v1 =	vld [tilespmem:s14+$0x10]  }
0x3e: {  	[tilespmem:s11+$0xFFFFFFD0] =	vst v2;
	v2 =	vld [tilespmem:s14+$0x20]  }
0x3f: {  	[tilespmem:s11+$0xFFFFFFE0] =	vst v3;
	v3 =	vld [tilespmem:s14+$0x30]  }
0x40: {  	[tilespmem:s11+$0xFFFFFFF0] =	vst v4;
	v4 =	vld [tilespmem:s14+$0x40]  }
0x41: {  	[tilespmem:s11+$0x0] =	vst v0;
	v0 =	vld [tilespmem:s14+$0x50]  }
0x42: {  	[tilespmem:s11+$0x10] =	vst v1;
	v1 =	vld [tilespmem:s14+$0x60]  }
0x43: {  	[tilespmem:s11+$0x20] =	vst v2;
	v2 =	vld [tilespmem:s14+$0x70]  }
0x44: {  	[tilespmem:s11+$0x30] =	vst v3;
	v3 =	vld [tilespmem:s14+$0x80]  }
0x45: {  	[tilespmem:s11+$0x40] =	vst v4;
	v4 =	vld [tilespmem:s14+$0x90]  }
0x46: {  	[tilespmem:s11+$0x50] =	vst v0;
	v0 =	vld [tilespmem:s14+$0xB0]  }
0x47: {  	[tilespmem:s11+$0x60] =	vst v1;
	v1 =	vld [tilespmem:s14+$0xC0]  }
0x48: {  	[tilespmem:s11+$0x70] =	vst v2;
	v2 =	vld [tilespmem:s14+$0xD0]  }
0x49: {  	[tilespmem:s11+$0x80] =	vst v3;
	v3 =	vld [tilespmem:s14+$0xE0]  }
0x4a: {  	s13 =	simm.s32 $0x0;
	s12 =	sadd.s32 $0x7800, s12;
	[tilespmem:s11+$0x90] =	vst v4;
	v4 =	vld [tilespmem:s14+$0xFFFFFF00];
	s14 =	sadd.s32 $0x200, s14  }
.LBB2_3:
0x4b: {  	v5 =	vld [tilespmem:s14+$0xF0];
	s13 =	sadd.s32 $0x200, s13;
	[tilespmem:s11+$0xB0] =	vst v0  }
0x4c: {  	v0 =	vld [tilespmem:s14+$0xFFFFFF10];
	p1 =	slt.u32 s13, $0x3A00;
	[tilespmem:s11+$0xC0] =	vst v1  }
0x4d: {  	v1 =	vld [tilespmem:s14+$0xFFFFFF20];
	[tilespmem:s11+$0xD0] =	vst v2  }
0x4e: {  	v2 =	vld [tilespmem:s14+$0xFFFFFF30];
	[tilespmem:s11+$0xE0] =	vst v3  }
0x4f: {  	v3 =	vld [tilespmem:s14+$0xFFFFFF40];
	[tilespmem:s11+$0xFFFFFF00] =	vst v4;
	s11 =	sadd.s32 $0x200, s11  }
0x50: {  	v4 =	vld [tilespmem:s14+$0xFFFFFF50];
	[tilespmem:s11+$0xF0] =	vst v5  }
0x51: {  	[tilespmem:s11+$0xFFFFFF10] =	vst v0;
	v0 =	vld [tilespmem:s14+$0xFFFFFF60]  }
0x52: {  	[tilespmem:s11+$0xFFFFFF20] =	vst v1;
	v1 =	vld [tilespmem:s14+$0xFFFFFF70]  }
0x53: {  	[tilespmem:s11+$0xFFFFFF30] =	vst v2;
	v2 =	vld [tilespmem:s14+$0xFFFFFF80]  }
0x54: {  	[tilespmem:s11+$0xFFFFFF40] =	vst v3;
	v3 =	vld [tilespmem:s14+$0xFFFFFF90]  }
0x55: {  	[tilespmem:s11+$0xFFFFFF50] =	vst v4;
	v4 =	vld [tilespmem:s14+$0xFFFFFFA0]  }
0x56: {  	[tilespmem:s11+$0xFFFFFF60] =	vst v0;
	v0 =	vld [tilespmem:s14+$0xFFFFFFB0]  }
0x57: {  	[tilespmem:s11+$0xFFFFFF70] =	vst v1;
	v1 =	vld [tilespmem:s14+$0xFFFFFFC0]  }
0x58: {  	[tilespmem:s11+$0xFFFFFF80] =	vst v2;
	v2 =	vld [tilespmem:s14+$0xFFFFFFD0]  }
0x59: {  	[tilespmem:s11+$0xFFFFFF90] =	vst v3;
	v3 =	vld [tilespmem:s14+$0xFFFFFFE0]  }
0x5a: {  	[tilespmem:s11+$0xFFFFFFA0] =	vst v4;
	v4 =	vld [tilespmem:s14+$0xFFFFFFF0]  }
0x5b: {  	[tilespmem:s11+$0xFFFFFFB0] =	vst v0;
	v0 =	vld [tilespmem:s14+$0x0]  }
0x5c: {  	[tilespmem:s11+$0xFFFFFFC0] =	vst v1;
	v1 =	vld [tilespmem:s14+$0x10]  }
0x5d: {  	[tilespmem:s11+$0xFFFFFFD0] =	vst v2;
	v2 =	vld [tilespmem:s14+$0x20]  }
0x5e: {  	[tilespmem:s11+$0xFFFFFFE0] =	vst v3;
	v3 =	vld [tilespmem:s14+$0x30]  }
0x5f: {  	[tilespmem:s11+$0xFFFFFFF0] =	vst v4;
	v4 =	vld [tilespmem:s14+$0x40]  }
0x60: {  	[tilespmem:s11+$0x0] =	vst v0;
	v0 =	vld [tilespmem:s14+$0x50]  }
0x61: {  	[tilespmem:s11+$0x10] =	vst v1;
	v1 =	vld [tilespmem:s14+$0x60]  }
0x62: {  	[tilespmem:s11+$0x20] =	vst v2;
	v2 =	vld [tilespmem:s14+$0x70]  }
0x63: {  	[tilespmem:s11+$0x30] =	vst v3;
	v3 =	vld [tilespmem:s14+$0x80]  }
0x64: {  	[tilespmem:s11+$0x40] =	vst v4;
	v4 =	vld [tilespmem:s14+$0x90]  }
0x65: {  	[tilespmem:s11+$0x50] =	vst v0;
	v5 =	vld [tilespmem:s14+$0xA0]  }
.Ltmp3:
0x66: {  	[tilespmem:s11+$0x60] =	vst v1;
	v0 =	vld [tilespmem:s14+$0xB0];
	(pc) =	sbr.rel @p1 .LBB2_3-.Ltmp3, $4  }
0x67: {  	[tilespmem:s11+$0x70] =	vst v2;
	v1 =	vld [tilespmem:s14+$0xC0]  }
0x68: {  	[tilespmem:s11+$0x80] =	vst v3;
	v2 =	vld [tilespmem:s14+$0xD0]  }
0x69: {  	[tilespmem:s11+$0x90] =	vst v4;
	v3 =	vld [tilespmem:s14+$0xE0]  }
0x6a: {  	v4 =	vld [tilespmem:s14+$0xFFFFFF00];
	[tilespmem:s11+$0xA0] =	vst v5;
	s14 =	sadd.s32 $0x200, s14  }
.Ltmp4:
0x6b: {  	_ = 	snop;
	(pc) =	sbr.rel .LBB2_4-.Ltmp4, $1  }
0x6c: {  	_ =	sdelay $0x3  }
.LBB2_6:
0x6d: {  	_ =	sfence.sel $0x180000  }
0x6e: {  	s2 =	simm.s32 $0x1;
	[bflag:$0x0] =	sbarrier.arrive $0xFFFF  }
0x6f: {  	s31 =	simm.s32 $0x2;
	[sflag:s2] =	ssyncpa.u1 $0x1  }
0x70: {  	[sflag:s31] =	ssyncpa.u1 $0x1  }
0x71: {  	_ =	strace $0x9000004D  }
0x72: {  	s0 =	sadd.s32 @!p0 $0x100000, s0;
	[bflag:$0x2] =	sbarrier.arrive $0xFFFF  }
0x73: {  	[sflag:s0] =	ssyncadd.tile.s32 @!p0 $0x1;
	s0 =	simm.s32 @!p0 $0x3F  }
0x74: {  	_ =	swait.ge @!p0 [sflag:s0], s1  }
0x75: {  	s1 =	ssub.s32 @!p0 $0x0, s1;
	[sflag:s0] =	ssyncset.done @!p0 $0x0  }
0x76: {  	[sflag:s0] =	ssyncadd.s32 @!p0 s1  }
0x77: {  	[bflag:$0x3] =	sbarrier.arrive $0xFFFF  }
0x78: {  	_ =	shalt  }
.Lfunc_end2:
execute1_lowered:
.L_overlay_start_2:
0x79: {  	(tag) =	ssettag $0x2  }
0x7a: {  	s0 =	rddreg [dreg:$0x0];
	_ =	strace $0x80000050;
	s2 =	simm.s32 $0x1  }
0x7b: {  	v1 =	vimm.s32 $0xFFFFFFFF;
	[sflag:s2] =	ssyncpa.u1 $0x0  }
0x7c: {  	[tilespmem:$0x10] =	vst v1  }
0x7d: {  	v0 =	vimm.f32 $0.0e+00;
	[tilespmem:$0x20] =	vst v1  }
0x7e: {  	[tilespmem:$0x30] =	vst v0  }
0x7f: {  	[tilespmem:$0x40] =	vst v0  }
0x80: {  	s30 =	simm.s32 $0x2;
	s3 =	stileid.u32;
	s6 =	simm.s32 $0x7;
	[tilespmem:$0x50] =	vst v0  }
0x81: {  	s8 =	simm.s32 $0x8;
	s31 =	simm.s32 $0x9;
	s14 =	simm.s32 $0x0;
	[tilespmem:$0x60] =	vst v1  }
0x82: {  	s15 =	simm.s32 $0xFFFFE000;
	s16 =	simm.s32 $0xFF;
	p0 =	por $0x0, $0x0;
	[tilespmem:$0x70] =	vst v1  }
0x83: {  	s17 =	simm.s32 $0xFFFFC100;
	s18 =	simm.s32 $0xFFFFFFFE;
	s19 =	simm.s32 $0xF;
	[tilespmem:$0x80] =	vst v1  }
0x84: {  	s20 =	simm.s32 $0x30;
	s23 =	simm.s32 $0x0;
	s21 =	simm.s32 $0x0;
	v1 =	vimm.s32 $0x0;
	[tilespmem:$0xB0] =	vst v0  }
.Ltmp5:
0x85: {  	s1 =	sadd.s32 $0xE8000, s0;
	s4 =	sadd.s32 $0xA8000, s0;
	[tilespmem:$0x90] =	vst v1;
	(pc) =	sbr.rel .LBB3_1-.Ltmp5, $4  }
0x86: {  	s5 =	sadd.s32 $0xC8000, s0;
	s7 =	sshll.u32 s3, $0x10;
	[tilespmem:$0xA0] =	vst v1;
	[sflag:s30] =	ssyncpa.u1 $0x0  }
0x87: {  	s9 =	sshll.u32 s3, $0x1;
	s12 =	sshllo.u32 s3, $0x1;
	[sflag:s6] =	ssyncpa.u1 $0x0  }
0x88: {  	vm0 =	vmmov $0xffff;
	v2 =	vlaneseq.u32;
	s10 =	sadd.s32 $0x10000, s7;
	s11 =	sor.u32 $0x81, s9;
	[sflag:s8] =	ssyncpa.u1 $0x0  }
0x89: {  	vm1 =	vmxor vm1, vm1;
	vm2 =	vmmov $0x1;
	vm3 =	vcmask $0x3F3C;
	s13 =	sor.u32 $0x80, s9;
	s22 =	smov.u32 s7;
	[sflag:s31] =	ssyncpa.u1 $0x0  }
.LBB3_10:
0x8a: {  	p1 =	slt.u32 s21, $0x3  }
0x8b: {  	s0 =	simm.s32 @!p1 $0x2  }
0x8c: {  	_ =	swait.ge @!p1 [sflag:s0], $0x2000  }
0x8d: {  	[sflag:s0] =	ssyncset.done @!p1 $0x0  }
0x8e: {  	[sflag:s0] =	ssyncadd.s32 @!p1 $0xFFFFE000;
	s0 =	simm.s32 @!p1 $0x9  }
0x8f: {  	_ =	swait.ge @!p1 [sflag:s0], $0x10  }
0x90: {  	s21 =	sadd.s32 $0x1, s21;
	[sflag:s0] =	ssyncset.done @!p1 $0x0  }
0x91: {  	[sflag:s0] =	ssyncadd.s32 @!p1 $0xFFFFFFF0;
	p1 =	sne.s32 s21, $0xB  }
.Ltmp6:
0x92: {  	_ = 	snop;
	(pc) =	sbr.rel @!p1 .LBB3_11-.Ltmp6, $4  }
0x93: {  	s23 =	sadd.s32 $0x2000, s22;
	s24 =	smov.u32 s7  }
0x94: {  	s15 =	sadd.s32 $0x2000, s15;
	s16 =	sadd.s32 $0x1, s16;
	p2 =	slt.s32 s23, s10  }
0x95: {  	p0 =	por !p0, !p0;
	s17 =	sadd.s32 $0x2000, s17;
	s24 =	smov.u32 @p2 s23  }
0x96: {  	s18 =	sadd.s32 $0x1, s18;
	s23 =	smov.u32 s22;
	s22 =	smov.u32 s24  }
.LBB3_1:
0x97: {  	p1 =	sgt.u32 s21, $0x7  }
0x98: {  	s0 =	smul.u32 @!p1 $0xAB, s21;
	_ =	sdelay $0x1  }
0x99: {  	s0 =	sshrl.u32 @!p1 s0, $0x9  }
0x9a: {  	s0 =	sand.u32 @!p1 $0x7F, s0  }
0x9b: {  	s0 =	smul.u32 @!p1 $0x3, s0;
	_ =	sdelay $0x1  }
0x9c: {  	s0 =	ssub.s32 @!p1 s21, s0  }
0x9d: {  	s0 =	sand.u32 @!p1 $0xFF, s0  }
0x9e: {  	s24 =	sshrl.u32 @!p1 s22, $0x3;
	s0 =	sshll.u32 @!p1 s0, $0xD  }
0x9f: {  	s25 =	sand.u32 @!p1 $0x7, s22;
	s24 =	sadd.s32 @!p1 s4, s24;
	s0 =	sor.u32 @!p1 $0x100, s0  }
0xa0: {  	[tilespmem:s0], [sflag:$0x7] =	stream.linear.gather @!p1 [hbm4b:s24+s25], $0x2000, $0x38;
	[tilespmem:$0x12120] =	vst v63  }
0xa1: {  	s0 =	sadd.s32 $0xFFFFFFFF, s21  }
0xa2: {  	p1 =	sgt.u32 s0, $0x7  }
.Ltmp7:
0xa3: {  	_ = 	snop;
	(pc) =	sbr.rel @p1 .LBB3_5-.Ltmp7, $1  }
0xa4: {  	_ =	sdelay $0x3  }
0xa5: {  	s24 =	smul.u32 $0xAB, s0;
	_ =	sdelay $0x1  }
0xa6: {  	s24 =	sshrl.u32 s24, $0x9  }
0xa7: {  	s24 =	sand.u32 $0x7F, s24  }
0xa8: {  	s24 =	smul.u32 $0x3, s24;
	_ =	sdelay $0x1  }
0xa9: {  	s24 =	ssub.s32 s0, s24  }
0xaa: {  	s24 =	sand.u32 $0xFF, s24  }
0xab: {  	_ =	swait.ge [sflag:s6], $0x2000;
	s24 =	sshll.u32 s24, $0xD  }
0xac: {  	[sflag:s6] =	ssyncset.done $0x0;
	s24 =	sor.u32 $0x100, s24  }
0xad: {  	[sflag:s6] =	ssyncadd.s32 $0xFFFFE000;
	(ifvalue) =	ssetifvalue $0xFFFFFFFF;
	v3 =	vld.msk [tilespmem:s24+$0x0 ss:$0x1], $0xffff;
	_ =	sdelay $0x1  }
0xae: {  	s28 =	sand.u32 $0xFF, s16  }
0xaf: {  	p1 =	sne.s32 s21, $0x1;
	s25 =	smulhi.u32 $0x55555556, s28  }
0xb0: {  	v4 =	vimm.s32 @!p1 $0x0  }
0xb1: {  	s25 =	smul.u32 $0x18000, s25;
	v4 =	vperm.xlane @!p1 v3, v4  }
0xb2: {  	s26 =	sshll.u32 s21, $0x4;
	s24 =	sshll.u32 s28, $0xF;
	vm4 =	vlt.u32 v3, $0x258000  }
0xb3: {  	s29 =	sand.u32 $0x10, s26;
	s24 =	ssub.s32 s24, s25;
	v3 =	vnsel vm4, $0xFFFFFFFE, v3;
	vm4 =	vlt.u32 @!p1 v4, $0x258000  }
0xb4: {  	s24 =	sshra.s32 s24, $0x2;
	[tilespmem:s29+$0x60] =	vst v3;
	v3 =	vnsel @!p1 vm4, $0xFFFFFFFE, v4  }
0xb5: {  	s28 =	sadd.s32 $0x20F0, s24;
	[tilespmem:$0x80] =	vst @!p1 v3  }
0xb6: {  	v3 =	vld.msk [tilespmem:s28+$0x0 ss:$0x1], $0xffff;
	_ =	sdelay $0x4  }
0xb7: {  	(xrf1) =	vunique.msk.u32 $0xffff, v3;
	_ =	sdelay $0xd  }
0xb8: {  	v4 =	vimm.s32 $0xFFFFFFFF;
	v5, _, _ =	vpop (xrf1)  }
0xb9: {  	vm5 =	vne.s32 v3, v4;
	vm4 =	veq.s32 v5, v2  }
0xba: {  	vm6 =	vlt.u32 v3, $0x258000;
	vm4 =	vmand vm5, vm4  }
0xbb: {  	vm4 =	vmand vm6, vm4  }
0xbc: {  	v4 =	vnsel vm4, $0xFFFFFFFF, v3;
	_ =	sdelay $0x2  }
0xbd: {  	s30 =	sand.u32 $0x2000, s15  }
0xbe: {  	s31 =	sshll.u32 s0, $0xD;
	s24 =	sor.u32 $0x80F0, s30;
	(ifvalue) =	ssetifvalue $0xFFFFFFFF  }
0xbf: {  	v3 =	vperm.xlane v3, v1;
	[tilespmem:s24], [sflag:$0x8] =	stream.indirect_vreg.gather [hbm4b:s1+s14], $0x1, v4, vm0, $0x4038;
	v4 =	vnsel vm6, $0xFFFFFFFE, v4;
	[tilespmem:$0x12120] =	vst v63  }
0xc0: {  	s26 =	simm.s32 $0x0;
	s25 =	sand.u32 $0x2000, s31;
	s0 =	sadd.s32 $0xFFFFFFF0, s28;
	[tilespmem:s28+$0x0] =	vst v4  }
.LBB3_3:
0xc1: {  	v4 =	vld.msk [tilespmem:s0+$0x0 ss:$0x1], $0xffff;
	s26 =	sadd.s32 $0x10, s26;
	v5 =	vmov v3;
	s28 =	smov.u32 s0  }
0xc2: {  	p1 =	slt.u32 s26, $0x1FF0;
	_ =	sdelay $0x4  }
0xc3: {  	v3 =	vperm.xlane v4, v1;
	(xrf1) =	vunique.msk.u32 $0xffff, v4;
	_ =	sdelay $0xd  }
0xc4: {  	v6, _, _ =	vpop (xrf1)  }
0xc5: {  	vm5 =	vne.s32 v4, v5;
	vm4 =	veq.s32 v6, v2  }
0xc6: {  	vm6 =	vlt.u32 v4, $0x258000;
	vm4 =	vmand vm5, vm4  }
0xc7: {  	vm4 =	vmand vm6, vm4  }
0xc8: {  	v4 =	vnsel vm4, $0xFFFFFFFF, v4  }
.Ltmp8:
0xc9: {  	v5 =	vnsel vm6, $0xFFFFFFFE, v4;
	(pc) =	sbr.rel @p1 .LBB3_3-.Ltmp8, $3  }
0xca: {  	_ =	sdelay $0x1  }
0xcb: {  	s0 =	sadd.s32 $0xFFFFFFF0, s0;
	s24 =	sadd.s32 $0xFFFFFFF0, s24;
	(ifvalue) =	ssetifvalue $0xFFFFFFFF  }
0xcc: {  	[tilespmem:s24], [sflag:$0x8] =	stream.indirect_vreg.gather [hbm4b:s1+s14], $0x1, v4, vm0, $0x4038;
	[tilespmem:s28+$0x0] =	vst v5  }
0xcd: {  	s0 =	sshrl.u32 s23, $0x3  }
0xce: {  	s31 =	sadd.s32 $0xA100, s25;
	s0 =	sadd.s32 s5, s0  }
0xcf: {  	[tilespmem:s31], [sflag:$0x8] =	stream.linear.gather [hbm:s0], $0x2000, $0x38;
	[tilespmem:$0x12120] =	vst v63  }
.LBB3_5:
0xd0: {  	p1 =	sgt.u32 s21, $0xA  }
.Ltmp9:
0xd1: {  	_ = 	snop;
	(pc) =	sbr.rel @p1 .LBB3_7-.Ltmp9, $1  }
0xd2: {  	_ =	sdelay $0x3  }
0xd3: {  	s0 =	sshll.u32 s2, s21  }
0xd4: {  	s0 =	sand.u32 $0x403, s0  }
0xd5: {  	p1 =	sne.s32 s0, $0x0  }
.Ltmp10:
0xd6: {  	_ = 	snop;
	(pc) =	sbr.rel @p1 .LBB3_10-.Ltmp10, $1  }
0xd7: {  	_ =	sdelay $0x3  }
.LBB3_7:
0xd8: {  	s0 =	sadd.s32 $0xFFFFFFFE, s21  }
0xd9: {  	s23 =	smulhi.u32 $0xAAAAAAAB, s0;
	_ =	sdelay $0x1  }
0xda: {  	s23 =	sshrl.u32 s23, $0x1  }
0xdb: {  	s23 =	smul.u32 $0x3, s23;
	_ =	sdelay $0x1  }
0xdc: {  	_ =	swait.ge [sflag:s8], $0x4000;
	s0 =	ssub.s32 s0, s23  }
0xdd: {  	p1 =	sne.s32 s21, $0x9;
	[sflag:s8] =	ssyncset.done $0x0;
	s0 =	sshll.u32 s0, $0xD  }
0xde: {  	[sflag:s8] =	ssyncadd.s32 $0xFFFFC000;
	s23 =	sadd.s32 @!p1 $0x20FF, s0  }
0xdf: {  	[spmem:s11] =	stream.linear.scatter @!p1 [tilespmem:s23], [sflag:$0x1], $0x1, $0x38;
	[tilespmem:$0x12120] =	vst v63  }
0xe0: {  	s23 =	simm.s32 @!p1 $0x1  }
0xe1: {  	_ =	swait.ge @!p1 [sflag:s23], $0x1  }
0xe2: {  	s24 =	sshll.u32 s21, $0x4;
	[sflag:s23] =	ssyncset.done @!p1 $0x0  }
0xe3: {  	[sflag:s23] =	ssyncadd.s32 @!p1 $0xFFFFFFFF;
	s23 =	sand.u32 $0x10, s24  }
0xe4: {  	v4 =	vld [tilespmem:s23+$0x10];
	s29 =	sxor.u32 $0x10, s23  }
0xe5: {  	v5 =	vld [tilespmem:s29+$0x60]  }
0xe6: {  	v3 =	vld [tilespmem:$0x80];
	_ =	sdelay $0x2  }
0xe7: {  	(v2sf) =	vpush v4, $0x0  }
0xe8: {  	(v2sf) =	vpush v5, $0x0  }
0xe9: {  	(v2sf) =	vpush v3, $0x0;
	_ =	sdelay $0xc  }
0xea: {  	s24 =	spop (v2sf)  }
0xeb: {  	s26 =	spop (v2sf)  }
0xec: {  	s25 =	spop (v2sf)  }
0xed: {  	p2 =	seq.s32 s24, s26;
	p3 =	seq.s32 s25, s24  }
0xee: {  	p3 =	por p2, p3  }
0xef: {  	v4 =	vpsel p3, $0xFFFFFFFF, v4  }
0xf0: {  	s24 =	sand.u32 $0x1, s21;
	[tilespmem:s23+$0x10] =	vst.msk $0x1, v4  }
0xf1: {  	s26 =	sshll.u32 s24, $0xD;
	v4 =	vld [tilespmem:$0x30]  }
0xf2: {  	v5 =	vld [tilespmem:s26+$0xA100]  }
0xf3: {  	v6 =	vld [tilespmem:s23+$0x40];
	_ =	sdelay $0x3  }
0xf4: {  	vm4 =	vmmov vm1;
	v5 =	vadd.f32 v5, v4  }
0xf5: {  	vm5 =	vmmov vm2;
	vm4 =	vmmov @p2 vm2;
	s24 =	sshll.u32 s24, $0x4;
	v4 =	vadd.f32 v6, v4  }
0xf6: {  	vm5 =	vmmov @p3 vm1;
	s24 =	sor.u32 $0x12100, s24;
	[tilespmem:s26+$0xA100] =	vst.msk vm4, v5  }
0xf7: {  	[tilespmem:s24+$0x0] =	vst.msk vm5, v4  }
0xf8: {  	v4 =	vld [tilespmem:s26+$0x80F0];
	_ =	sdelay $0x3  }
0xf9: {  	v5 =	vimm.f32 $0.0e+00  }
0xfa: {  	v4 =	vshift.insert v4, v5, s19  }
0xfb: {  	s28 =	sor.u32 $0x40, s29  }
0xfc: {  	[tilespmem:s28+$0x0] =	vst.msk $0x1, v4  }
0xfd: {  	[tilespmem:s26+$0x80FF] =	vst.msk $0x1, v5  }
0xfe: {  	v4 =	vld [tilespmem:s0+$0x20F0];
	_ =	sdelay $0x1  }
0xff: {  	s0 =	smulhi.u32 $0xAAAAAAAB, s18;
	_ =	sdelay $0x1  }
0x100: {  	s28 =	simm.s32 $0x1;
	s0 =	sshrl.u32 s0, $0x1  }
0x101: {  	s28 =	simm.s32 @!p0 $0x0;
	s0 =	smul.u32 $0xFFFE8000, s0;
	v4 =	vshift.insert v4, v1, s19  }
0x102: {  	s30 =	sshll.u32 s28, $0xD  }
0x103: {  	s28 =	sadd.s32 $0xA100, s30;
	s0 =	sshra.s32 s0, $0x2;
	[tilespmem:s29+$0x10] =	vst.msk $0x1, v4  }
0x104: {  	s0 =	sadd.s32 s0, s17;
	v6 =	vld [tilespmem:s28+$0x0]  }
0x105: {  	v7 =	vld [tilespmem:s0+$0x0];
	_ =	sdelay $0x3  }
0x106: {  	v5 =	vadd.f32 v6, v5  }
0x107: {  	vm4 =	vne.s32 v7, $0xFFFFFFFF  }
0x108: {  	(xrf2) =	vadd.seg.scan.f32 vm4, v5;
	_ =	sdelay $0x3  }
0x109: {  	s29 =	sadd.s32 $0x6100, s30;
	v5 =	vperm.xlane v4, v1  }
0x10a: {  	v6 =	vld [tilespmem:s29+$0x0]  }
0x10b: {  	vm5 =	veq.s32 v7, v3;
	vm6 =	veq.s32 v7, v5  }
0x10c: {  	vm7 =	vgt.u32 v7, $0xFFFFFFFD;
	vm6 =	vmor vm6, vm5  }
0x10d: {  	vm6 =	vmor vm6, vm7  }
0x10e: {  	v9 =	vld [tilespmem:$0xA0];
	v7 =	vsel vm6, $0xFFFFFFFF, v7  }
0x10f: {  	v10 =	vld [tilespmem:$0x90];
	v6 =	vsel vm5, $0x0, v6;
	v8, _, _ =	vpop (xrf2)  }
0x110: {  	v6 =	vadd.f32 v8, v6  }
0x111: {  	s30 =	sadd.s32 $0xE100, s30  }
0x112: {  	vm4 =	vmand vm4, vm3;
	[tilespmem:s30+$0x0] =	vst v6;
	(ifvalue) =	ssetifvalue $0xFFFFFFFF  }
0x113: {  	vm6 =	veq.s32 v9, $0x1;
	[hbm4b:s1+s14] =	stream.indirect_vreg.scatter [tilespmem:s30], [sflag:$0x2], $0x1, v7, vm0, $0x4038;
	v7 =	vsel vm4, $0x0, v8;
	[tilespmem:$0x12120] =	vst v63  }
0x114: {  	s31 =	simm.s32 $0x0;
	s0 =	sadd.s32 $0x10, s0;
	vm4 =	vmor vm6, vm5;
	v6 =	vsel vm5, v8, v10;
	v7 =	vshift.insert v7, v0, s19  }
.LBB3_8:
0x115: {  	v8 =	vld [tilespmem:s0+$0x0];
	s28 =	sadd.s32 $0x10, s28  }
0x116: {  	s29 =	sadd.s32 $0x10, s29;
	v9 =	vld [tilespmem:s28+$0x0]  }
0x117: {  	s31 =	sadd.s32 $0x10, s31;
	v10 =	vld [tilespmem:s29+$0x0]  }
0x118: {  	p2 =	slt.u32 s31, $0x1FF0;
	_ =	sdelay $0x2  }
0x119: {  	v7 =	vadd.f32 v9, v7  }
0x11a: {  	vm5 =	vne.s32 v8, $0xFFFFFFFF  }
0x11b: {  	vm6 =	vmand vm5, vm3;
	(xrf2) =	vadd.seg.scan.f32 vm5, v7;
	_ =	sdelay $0x5  }
0x11c: {  	vm7 =	veq.s32 v8, v5;
	vm5 =	veq.s32 v8, v3  }
0x11d: {  	vm8 =	vgt.u32 v8, $0xFFFFFFFD;
	vm4 =	vmor vm4, vm5;
	vm7 =	vmor vm7, vm5  }
0x11e: {  	vm7 =	vmor vm7, vm8  }
0x11f: {  	v8 =	vsel vm7, $0xFFFFFFFF, v8  }
.Ltmp11:
0x120: {  	v7 =	vsel vm5, $0x0, v10;
	v9, _, _ =	vpop (xrf2);
	(pc) =	sbr.rel @p2 .LBB3_8-.Ltmp11, $4  }
0x121: {  	v6 =	vsel vm5, v9, v6;
	v10 =	vadd.f32 v9, v7;
	v7 =	vsel vm6, $0x0, v9  }
0x122: {  	s30 =	sadd.s32 $0x10, s30;
	v7 =	vshift.insert v7, v0, s19  }
0x123: {  	s0 =	sadd.s32 $0x10, s0;
	[tilespmem:s30+$0x0] =	vst v10;
	(ifvalue) =	ssetifvalue $0xFFFFFFFF  }
0x124: {  	[hbm4b:s1+s14] =	stream.indirect_vreg.scatter [tilespmem:s30], [sflag:$0x2], $0x1, v8, vm0, $0x4038;
	[tilespmem:$0x12120] =	vst v63  }
0x125: {  	v3 =	vld [tilespmem:s26+$0x100F0];
	_ =	sdelay $0x4  }
0x126: {  	v3 =	vshift.insert v3, v0, s19;
	_ =	sdelay $0x1  }
0x127: {  	[tilespmem:s20+$0x0] =	vst.msk $0x1, v3  }
0x128: {  	v3 =	vsel vm4, $0x1, v1;
	[tilespmem:$0x90] =	vst v6  }
0x129: {  	s0 =	sadd.s32 @!p1 $0x100FF, s26;
	[tilespmem:$0xA0] =	vst v3  }
0x12a: {  	[spmem:s12] =	stream.linear.scatter @!p1 [tilespmem:s0], [sflag:$0x1], $0x1, $0x38;
	[tilespmem:$0x12120] =	vst v63  }
0x12b: {  	s0 =	simm.s32 @!p1 $0x1  }
0x12c: {  	v3 =	vmctz.xlane @!p1 vm4;
	_ =	swait.ge @!p1 [sflag:s0], $0x1  }
0x12d: {  	(v2sf) =	vpush @!p1 v4, $0x0  }
0x12e: {  	(v2sf) =	vpush @!p1 v3, $0x0;
	_ =	sdelay $0xd  }
0x12f: {  	s26 =	spop @!p1 (v2sf)  }
0x130: {  	s28 =	spop @!p1 (v2sf)  }
0x131: {  	p2 =	sne.s32 @!p1 s25, s26;
	p3 =	slt.s32 @!p1 s28, $0xF  }
0x132: {  	[sflag:s0] =	ssyncset.done @!p1 $0x0;
	p2 =	por p2, p1;
	p3 =	por !p3, p1  }
0x133: {  	[sflag:s0] =	ssyncadd.s32 @!p1 $0xFFFFFFFF;
	v3 =	vimm.s32 @!p2 $0xFFFFFFFF;
	s28 =	simm.s32 @p3 $0xF  }
0x134: {  	[tilespmem:$0x80] =	vst @!p2 v3;
	s25 =	sadd.s32 @!p1 $0x90, s28  }
0x135: {  	[spmem:s9] =	stream.linear.scatter @!p1 [tilespmem:s25], [sflag:$0x1], $0x1, $0x38;
	[tilespmem:$0x12120] =	vst v63  }
0x136: {  	_ =	swait.ge @!p1 [sflag:s0], $0x1  }
0x137: {  	[sflag:s0] =	ssyncset.done @!p1 $0x0  }
0x138: {  	s25 =	simm.s32 @!p1 $0x80;
	[sflag:s0] =	ssyncadd.s32 @!p1 $0xFFFFFFFF  }
0x139: {  	[spmem:s13] =	stream.linear.scatter @!p1 [tilespmem:s25], [sflag:$0x1], $0x1, $0x38;
	[tilespmem:$0x12120] =	vst v63  }
0x13a: {  	_ =	swait.ge @!p1 [sflag:s0], $0x1  }
0x13b: {  	[sflag:s0] =	ssyncset.done @!p1 $0x0  }
0x13c: {  	[sflag:s0] =	ssyncadd.s32 @!p1 $0xFFFFFFFF;
	(ifvalue) =	ssetifvalue $0xFFFFFFFF;
	v3 =	vld [tilespmem:s23+$0x10];
	_ =	sdelay $0x3  }
.Ltmp12:
0x13d: {  	_ = 	snop;
	(pc) =	sbr.rel .LBB3_10-.Ltmp12, $3  }
0x13e: {  	_ =	sdelay $0x1  }
0x13f: {  	(ifvalue) =	ssetifvalue $0xFFFFFFFF  }
0x140: {  	[hbm4b:s1+s14] =	stream.indirect_vreg.scatter [tilespmem:s24], [sflag:$0x9], $0x1, v3, vm0, $0x4038;
	[tilespmem:$0x12120] =	vst v63  }
.LBB3_11:
0x141: {  	_ =	sfence.sel $0x180000  }
0x142: {  	s0 =	simm.s32 $0x7;
	[bflag:$0x0] =	sbarrier.arrive $0xFFFF  }
0x143: {  	s26 =	simm.s32 $0x8;
	[sflag:s0] =	ssyncpa.u1 $0x1  }
0x144: {  	s28 =	simm.s32 $0x9;
	[sflag:s26] =	ssyncpa.u1 $0x1  }
0x145: {  	[sflag:s28] =	ssyncpa.u1 $0x1  }
0x146: {  	_ =	sfence.stream.spmem  }
0x147: {  	s29 =	simm.s32 $0x3;
	[bflag:$0x0] =	sbarrier.arrive $0xFFFF  }
0x148: {  	s30 =	simm.s32 $0x4;
	[sflag:s29] =	ssyncpa.u1 $0x1  }
0x149: {  	s31 =	simm.s32 $0x3C;
	[sflag:s30] =	ssyncpa.u1 $0x1  }
0x14a: {  	p0 =	sne.s32 s3, $0x0;
	[sflag:s31] =	ssyncpa.u1 $0x1  }
0x14b: {  	s0 =	simm.s32 @p0 $0x1;
	_ =	sfence @p0  }
0x14c: {  	[sflag:s0] =	ssyncpa.u1 @p0 $0x1;
	s0 =	simm.s32 @p0 $0x2  }
0x14d: {  	[sflag:s0] =	ssyncpa.u1 @p0 $0x1  }
0x14e: {  	_ =	strace @p0 $0x90000050  }
0x14f: {  	[bflag:$0x2] =	sbarrier.arrive @p0 $0xFFFF  }
0x150: {  	_ =	shalt @p0  }
.LBB3_12:
0x151: {  	_ =	sfence.stream.spmem;
	s0 =	simm.s32 $0x5  }
0x152: {  	s2 =	simm.s32 $0x80;
	s3 =	simm.s32 $0xC0;
	[sflag:s0] =	ssyncpa.u1 $0x0  }
0x153: {  	[tilespmem:s3], [sflag:$0x5] =	stream.linear.gather [spmem:s2], $0x20, $0x38;
	[tilespmem:$0x12120] =	vst v63  }
0x154: {  	s2 =	simm.s32 $0x0;
	s3 =	simm.s32 $0xE0  }
0x155: {  	[tilespmem:s3], [sflag:$0x5] =	stream.linear.gather [spmem:s2], $0x20, $0x38;
	[tilespmem:$0x12120] =	vst v63  }
.Ltmp13:
0x156: {  	_ = 	snop;
	(pc) =	sbr.rel .LBB3_13-.Ltmp13, $4  }
0x157: {  	_ =	swait.ge [sflag:s0], $0x40  }
0x158: {  	[sflag:s0] =	ssyncset.done $0x0  }
0x159: {  	s31 =	simm.s32 $0x6;
	[sflag:s0] =	ssyncadd.s32 $0xFFFFFFC0  }
0x15a: {  	s4 =	simm.s32 $0x0;
	[sflag:s31] =	ssyncpa.u1 $0x0  }
.LBB3_18:
0x15b: {  	p0 =	sgt.u32 s5, $0x257FFF  }
0x15c: {  	s0 =	sshrl.u32 @!p0 s5, $0x3  }
0x15d: {  	s5 =	sand.u32 @!p0 $0x7, s5;
	s6 =	simm.s32 @!p0 $0xB0;
	s0 =	sadd.s32 @!p0 s1, s0  }
0x15e: {  	[tilespmem:s6], [sflag:$0x6] =	stream.linear.gather @!p0 [hbm4b:s0+s5], $0x1, $0x38;
	[tilespmem:$0x12120] =	vst v63  }
0x15f: {  	s0 =	simm.s32 @!p0 $0x6  }
0x160: {  	_ =	swait.ge @!p0 [sflag:s0], $0x1  }
0x161: {  	[sflag:s0] =	ssyncset.done @!p0 $0x0  }
0x162: {  	[sflag:s0] =	ssyncadd.s32 @!p0 $0xFFFFFFFF  }
0x163: {  	v2 =	vmov @!p0 s4;
	v1 =	vld.msk @!p0 [tilespmem:$0xB0], $0x1;
	_ =	sdelay $0x3  }
0x164: {  	s0 =	simm.s32 @!p0 $0xE0  }
0x165: {  	[tilespmem:v2+s0+$0x0], v1 =	vst.idx.ret.add.f32.msk @!p0 $0x1, v1  }
0x166: {  	[tilespmem:s2+$0xC0] =	vst.msk $0x1, v0  }
0x167: {  	v0 =	vld.msk [tilespmem:s4+$0xE0], $0x1;
	_ =	sdelay $0x4  }
0x168: {  	[tilespmem:s2+$0xE0] =	vst.msk $0x1, v0;
	s2 =	sadd.s32 $0x1, s2  }
.LBB3_20:
0x169: {  	s4 =	sadd.s32 $0x1, s4  }
0x16a: {  	p0 =	sne.s32 s4, $0x20  }
.Ltmp14:
0x16b: {  	_ = 	snop;
	(pc) =	sbr.rel @!p0 .LBB3_21-.Ltmp14, $1  }
0x16c: {  	_ =	sdelay $0x3  }
.LBB3_13:
0x16d: {  	v0 =	vld.msk [tilespmem:s4+$0xC0], $0x1;
	_ =	sdelay $0x4  }
0x16e: {  	(v2sf) =	vpush v0, $0x0;
	_ =	sdelay $0xe  }
0x16f: {  	s5 =	spop (v2sf)  }
0x170: {  	p0 =	seq.s32 s5, $0xFFFFFFFF  }
.Ltmp15:
0x171: {  	_ = 	snop;
	(pc) =	sbr.rel @p0 .LBB3_20-.Ltmp15, $1  }
0x172: {  	_ =	sdelay $0x3  }
0x173: {  	p0 =	slt.s32 s2, $0x1  }
.Ltmp16:
0x174: {  	_ = 	snop;
	(pc) =	sbr.rel @p0 .LBB3_18-.Ltmp16, $1  }
0x175: {  	_ =	sdelay $0x3  }
0x176: {  	s6 =	simm.s32 $0xC0;
	p0 =	por $0x0, $0x0  }
0x177: {  	v1 =	vld.msk @!p0 [tilespmem:s6+$0x0], $0x1;
	_ =	sdelay $0x4  }
0x178: {  	(v2sf) =	vpush @!p0 v1, $0x0;
	_ =	sdelay $0xd  }
0x179: {  	p2 =	sne.s32 s2, $0x1  }
.Ltmp17:
0x17a: {  	s0 =	spop @!p0 (v2sf);
	(pc) =	sbr.rel @!p2 .LBB3_17-.Ltmp17, $4  }
0x17b: {  	p1 =	seq.s32 @!p0 s5, s0  }
0x17c: {  	s0 =	simm.s32 $0x0;
	p1 =	por !p1, p0  }
0x17d: {  	s8 =	simm.s32 $0xFFFFFFFF;
	s0 =	simm.s32 @p1 $0xFFFFFFFF  }
0x17e: {  	s7 =	simm.s32 $0x1;
	s0 =	smov.u32 @p0 s8  }
.LBB3_16:
0x17f: {  	s8 =	smov.u32 s0;
	p0 =	sne.s32 s0, $0xFFFFFFFF  }
0x180: {  	s6 =	sadd.s32 $0x1, s6;
	s0 =	smov.u32 s7;
	s7 =	sadd.s32 $0x1, s7  }
0x181: {  	p1 =	sne.s32 s2, s7;
	v1 =	vld.msk @!p0 [tilespmem:s6+$0x0], $0x1;
	_ =	sdelay $0x4  }
0x182: {  	(v2sf) =	vpush @!p0 v1, $0x0;
	_ =	sdelay $0xe  }
.Ltmp18:
0x183: {  	s9 =	spop @!p0 (v2sf);
	(pc) =	sbr.rel @p1 .LBB3_16-.Ltmp18, $4  }
0x184: {  	p2 =	seq.s32 @!p0 s5, s9  }
0x185: {  	p2 =	por !p2, p0  }
0x186: {  	s0 =	simm.s32 @p2 $0xFFFFFFFF  }
0x187: {  	s0 =	smov.u32 @p0 s8  }
.LBB3_17:
0x188: {  	p0 =	sne.s32 s0, $0xFFFFFFFF  }
.Ltmp19:
0x189: {  	_ = 	snop;
	(pc) =	sbr.rel @!p0 .LBB3_18-.Ltmp19, $1  }
0x18a: {  	_ =	sdelay $0x3  }
0x18b: {  	v0 =	vld.msk [tilespmem:s4+$0xE0], $0x1;
	v1 =	vmov s0  }
.Ltmp20:
0x18c: {  	_ = 	snop;
	(pc) =	sbr.rel .LBB3_20-.Ltmp20, $2  }
0x18d: {  	_ =	sdelay $0x2  }
0x18e: {  	[tilespmem:v1+s3+$0x0], v0 =	vst.idx.ret.add.f32.msk $0x1, v0  }
.LBB3_21:
0x18f: {  	p0 =	slt.s32 s2, $0x1  }
.Ltmp21:
0x190: {  	_ = 	snop;
	(pc) =	sbr.rel @p0 .LBB3_25-.Ltmp21, $3  }
0x191: {  	_ =	sdelay $0x1  }
0x192: {  	s0 =	simm.s32 $0x6  }
0x193: {  	s3 =	simm.s32 $0x0;
	[sflag:s0] =	ssyncpa.u1 $0x1  }
0x194: {  	s0 =	simm.s32 $0xC0  }
0x195: {  	v0 =	vld.msk [tilespmem:s0+$0x0], $0x1;
	_ =	sdelay $0x4  }
0x196: {  	(v2sf) =	vpush v0, $0x0;
	_ =	sdelay $0xe  }
0x197: {  	s2 =	sadd.s32 $0xFFFFFFFF, s2;
	s4 =	spop (v2sf)  }
0x198: {  	p1 =	sne.s32 s2, $0x0;
	p0 =	sgt.u32 s4, $0x257FFF  }
.Ltmp22:
0x199: {  	s5 =	sshrl.u32 @!p0 s4, $0x3;
	(pc) =	sbr.rel @!p1 .LBB3_24-.Ltmp22, $4  }
0x19a: {  	s0 =	simm.s32 $0xE0;
	s4 =	sand.u32 @!p0 $0x7, s4;
	s5 =	sadd.s32 @!p0 s1, s5  }
0x19b: {  	[hbm4b:s5+s4] =	stream.linear.scatter @!p0 [tilespmem:s0], [sflag:$0x5], $0x1, $0x38;
	[tilespmem:$0x12120] =	vst v63  }
0x19c: {  	s5 =	simm.s32 $0x0  }
0x19d: {  	s4 =	simm.s32 $0xC1;
	s5 =	simm.s32 @!p0 $0x4  }
.LBB3_23:
0x19e: {  	v0 =	vld.msk [tilespmem:s4+$0x0], $0x1;
	s2 =	sadd.s32 $0xFFFFFFFF, s2;
	s3 =	sadd.s32 s3, s5  }
0x19f: {  	p0 =	sne.s32 s2, $0x0;
	_ =	sdelay $0x3  }
0x1a0: {  	(v2sf) =	vpush v0, $0x0;
	_ =	sdelay $0xe  }
.Ltmp23:
0x1a1: {  	s6 =	spop (v2sf);
	(pc) =	sbr.rel @p0 .LBB3_23-.Ltmp23, $4  }
0x1a2: {  	s5 =	simm.s32 $0x0;
	p1 =	sgt.u32 s6, $0x257FFF  }
0x1a3: {  	s0 =	sadd.s32 $0x1, s0;
	s5 =	simm.s32 @!p1 $0x4;
	s7 =	sshrl.u32 @!p1 s6, $0x3  }
0x1a4: {  	s4 =	sadd.s32 $0x1, s4;
	s6 =	sand.u32 @!p1 $0x7, s6;
	s7 =	sadd.s32 @!p1 s1, s7  }
0x1a5: {  	[hbm4b:s7+s6] =	stream.linear.scatter @!p1 [tilespmem:s0], [sflag:$0x5], $0x1, $0x38;
	[tilespmem:$0x12120] =	vst v63  }
.LBB3_24:
0x1a6: {  	s0 =	sadd.s32 s3, s5  }
0x1a7: {  	s3 =	sshrl.u32 s0, $0x2  }
.LBB3_25:
0x1a8: {  	s0 =	simm.s32 $0x5  }
0x1a9: {  	_ =	swait.ge [sflag:s0], s3  }
0x1aa: {  	s1 =	ssub.s32 $0x0, s3;
	[sflag:s0] =	ssyncset.done $0x0  }
0x1ab: {  	[sflag:s0] =	ssyncadd.s32 s1  }
0x1ac: {  	[sflag:s0] =	ssyncpa.u1 $0x1  }
0x1ad: {  	s29 =	simm.s32 $0x1;
	_ =	sfence  }
0x1ae: {  	s30 =	simm.s32 $0x2;
	[sflag:s29] =	ssyncpa.u1 $0x1  }
0x1af: {  	[sflag:s30] =	ssyncpa.u1 $0x1  }
0x1b0: {  	_ =	strace $0x90000050  }
0x1b1: {  	[bflag:$0x2] =	sbarrier.arrive $0xFFFF  }
0x1b2: {  	s31 =	rddreg [dreg:$0x1]  }
0x1b3: {  	s0 =	sadd.s32 $0x100000, s31  }
0x1b4: {  	[sflag:s0] =	ssyncadd.tile.s32 $0x1;
	_ =	shalt  }
.Lfunc_end3:
_tile_overlayer_lowered:
.L_overlay_start_3:
0x1b5: {  	(tag) =	ssettag $0x3  }
0x1b6: {  	s0 =	rddreg [dreg:$0x0];
	s2 =	stileid.u32  }
0x1b7: {  	s1 =	rddreg [dreg:$0x1];
	p0 =	sne.s32 s2, $0x0  }
0x1b8: {  	s3 =	rddreg [dreg:$0x2];
	[bflag:$0x3] =	sbarrier.arrive $0xFFFF;
	s2 =	simm.s32 @!p0 $0x1C01  }
0x1b9: {  	[timem:s3], [sflag:s2] =	dma.local @!p0 [hbm:s0], s1  }
0x1ba: {  	s0 =	simm.s32 @!p0 $0x1  }
0x1bb: {  	_ =	swait.ge @!p0 [sflag:s0], s1  }
0x1bc: {  	s1 =	ssub.s32 @!p0 $0x0, s1;
	[sflag:s0] =	ssyncset.done @!p0 $0x0  }
0x1bd: {  	[sflag:s0] =	ssyncadd.s32 @!p0 s1  }
0x1be: {  	[bflag:$0x3] =	sbarrier.arrive $0xFFFF  }
0x1bf: {  	_ =	shalt  }

// kernel: scatter_offload_async_start.3
scs
__scs_entry_jumppad:
0x0: {  	(pc) =	sbr.rel $0x88, $3  }
0x1: {  	(tag) =	ssettag $0x0;
	lr =	simm.s32 $0x1  }
0x2: {  	[smem:$0x3F9F] =	sst lr;
	_ =	strace $0xD0000000  }
0x3: {  	_ = 	snop  }
0x4: {  	_ = 	snop  }
0x5: {  	_ = 	snop  }
0x6: {  	_ = 	snop  }
0x7: {  	_ = 	snop  }
__scs_overlays_trampoline_lowered:
0x8: {  	[smem:$0x3FAE] =	sst s0  }
0x9: {  	[smem:$0x3FAF] =	sst s1  }
0xa: {  	[smem:$0x3FB0] =	sst s2  }
0xb: {  	[smem:$0x3FB1] =	sst s3  }
0xc: {  	[smem:$0x3FB2] =	sst s4  }
0xd: {  	[smem:$0x3FB3] =	sst s5  }
0xe: {  	[smem:$0x3FB4] =	sst s6  }
0xf: {  	[smem:$0x3FB5] =	sst s7  }
0x10: {  	[smem:$0x3FB6] =	sst s8  }
0x11: {  	[smem:$0x3FB7] =	sst s9;
	s0 =	simm.s32 @!p0 $0x0  }
0x12: {  	s1 =	sld [smem:$0x3F9D];
	s0 =	simm.s32 @p0 $0x1  }
0x13: {  	[smem:$0x3FB8] =	sst s0;
	s0 =	simm.s32 @!p1 $0x0  }
0x14: {  	s2 =	sld [smem:$0x3F9C];
	s0 =	simm.s32 @p1 $0x1  }
0x15: {  	[smem:$0x3FB9] =	sst s0;
	s0 =	simm.s32 @!p2 $0x0  }
0x16: {  	s3 =	sld [smem:$0x3FDB];
	s0 =	simm.s32 @p2 $0x1  }
0x17: {  	s4 =	simm.s32 $0x1BF5;
	[smem:$0x3FBB] =	sst s0  }
0x18: {  	s0 =	sld [smem:$0x3F9E];
	_ =	swait.ge [sflag:s4], $0x0  }
0x19: {  	s7 =	sld [smem:$0x3F9F]  }
0x1a: {  	s8 =	sadd.s32 $0xFFFFE003, lr  }
0x1b: {  	s9 =	sadd.s32 $0xFFFFFEF7, lr;
	s5 =	simm.s32 $0xFFFFFFFF;
	p2 =	slt.u32 s8, $0xFFFFF086  }
0x1c: {  	p1 =	slt.u32 s9, $0xF7A;
	s5 =	simm.s32 @!p2 $0x0  }
0x1d: {  	s5 =	simm.s32 @p1 $0x1;
	p0 =	seq.s32 s7, s2  }
0x1e: {  	s7 =	smul.u32 @!p0 $0xF7A, s2;
	p2 =	seq.s32 @!p0 s5, $0x0  }
0x1f: {  	s9 =	smul.u32 $0xF7A, s1;
	s8 =	simm.s32 @!p0 $0x1BF5;
	p2 =	por !p2, p0  }
0x20: {  	[sflag:s8] =	ssyncset.s32 @!p0 $0xFFFFF086;
	s6 =	sadd.s32 @!p0 s3, s7;
	s7 =	simm.s32 @!p0 $0x108  }
0x21: {  	s3 =	sadd.s32 s3, s9;
	s6 =	sadd.s32 @!p0 $0x88, s6;
	s7 =	simm.s32 @p2 $0x1082  }
0x22: {  	[simem:s7], [sflag:s8] =	dma.local @!p0 [hbm:s6], $0xF7A  }
0x23: {  	s9 =	sor.u32 $0xD0000000, s2;
	s6 =	simm.s32 $0x108;
	_ =	swait.ge @!p0 [sflag:s8], $0x0  }
0x24: {  	s3 =	sadd.s32 $0x88, s3;
	s6 =	simm.s32 @!p1 $0x1082;
	[sflag:s4] =	ssyncset.s32 $0xFFFFF086  }
0x25: {  	[simem:s6], [sflag:s4] =	dma.local [hbm:s3], $0xF7A  }
0x26: {  	[smem:$0x3F9F] =	sst s1;
	(tag) =	ssettag s2;
	_ =	strace s9  }
0x27: {  	s1 =	sld [smem:$0x3FAF]  }
0x28: {  	s2 =	sld [smem:$0x3FB0]  }
0x29: {  	s4 =	sld [smem:$0x3FB2]  }
0x2a: {  	p0 =	seq.s32 s5, $0x0;
	s5 =	sld [smem:$0x3FB3]  }
0x2b: {  	s6 =	sld [smem:$0x3FB4]  }
0x2c: {  	s7 =	sld [smem:$0x3FB5]  }
0x2d: {  	s3 =	simm.s32 $0x108;
	s8 =	sld [smem:$0x3FB6]  }
0x2e: {  	s3 =	simm.s32 @!p0 $0x1082;
	s9 =	sld [smem:$0x3FB7]  }
0x2f: {  	lr =	sadd.s32 s0, s3;
	s0 =	sld [smem:$0x3FAE]  }
0x30: {  	s3 =	sld [smem:$0x3FB1]  }
0x31: {  	[smem:$0x3FBA] =	sst s10  }
0x32: {  	s10 =	sld [smem:$0x3FB8];
	_ =	sdelay $0x3  }
0x33: {  	p0 =	seq.s32 s10, $0x1;
	s10 =	sld [smem:$0x3FBA];
	_ =	sdelay $0x3  }
0x34: {  	[smem:$0x3FBA] =	sst s10  }
0x35: {  	s10 =	sld [smem:$0x3FB9];
	_ =	sdelay $0x3  }
0x36: {  	p1 =	seq.s32 s10, $0x1;
	s10 =	sld [smem:$0x3FBA];
	_ =	sdelay $0x3  }
0x37: {  	[smem:$0x3FBA] =	sst s10  }
0x38: {  	s10 =	sld [smem:$0x3FBB]  }
0x39: {  	_ = 	snop;
	(pc) =	sbr.ind lr, $3  }
0x3a: {  	_ = 	snop  }
0x3b: {  	_ = 	snop  }
0x3c: {  	p2 =	seq.s32 s10, $0x1;
	s10 =	sld [smem:$0x3FBA]  }
0x3d: {  	_ =	shalt  }
0x3e: {  	_ =	shalt  }
0x3f: {  	_ =	shalt  }
0x40: {  	_ =	shalt  }
0x41: {  	_ =	shalt  }
0x42: {  	_ =	shalt  }
0x43: {  	_ =	shalt  }
0x44: {  	_ =	shalt  }
0x45: {  	_ =	shalt  }
0x46: {  	_ =	shalt  }
0x47: {  	_ =	shalt  }
0x48: {  	_ =	shalt  }
0x49: {  	_ =	shalt  }
0x4a: {  	_ =	shalt  }
0x4b: {  	_ =	shalt  }
0x4c: {  	_ =	shalt  }
0x4d: {  	_ =	shalt  }
0x4e: {  	_ =	shalt  }
0x4f: {  	_ =	shalt  }
0x50: {  	_ =	shalt  }
0x51: {  	_ =	shalt  }
0x52: {  	_ =	shalt  }
0x53: {  	_ =	shalt  }
0x54: {  	_ =	shalt  }
0x55: {  	_ =	shalt  }
0x56: {  	_ =	shalt  }
0x57: {  	_ =	shalt  }
0x58: {  	_ =	shalt  }
0x59: {  	_ =	shalt  }
0x5a: {  	_ =	shalt  }
0x5b: {  	_ =	shalt  }
0x5c: {  	_ =	shalt  }
0x5d: {  	_ =	shalt  }
0x5e: {  	_ =	shalt  }
0x5f: {  	_ =	shalt  }
0x60: {  	_ =	shalt  }
0x61: {  	_ =	shalt  }
0x62: {  	_ =	shalt  }
0x63: {  	_ =	shalt  }
0x64: {  	_ =	shalt  }
0x65: {  	_ =	shalt  }
0x66: {  	_ =	shalt  }
0x67: {  	_ =	shalt  }
0x68: {  	_ =	shalt  }
0x69: {  	_ =	shalt  }
0x6a: {  	_ =	shalt  }
0x6b: {  	_ =	shalt  }
0x6c: {  	_ =	shalt  }
0x6d: {  	_ =	shalt  }
0x6e: {  	_ =	shalt  }
0x6f: {  	_ =	shalt  }
0x70: {  	_ =	shalt  }
0x71: {  	_ =	shalt  }
0x72: {  	_ =	shalt  }
0x73: {  	_ =	shalt  }
0x74: {  	_ =	shalt  }
0x75: {  	_ =	shalt  }
0x76: {  	_ =	shalt  }
0x77: {  	_ =	shalt  }
0x78: {  	_ =	shalt  }
0x79: {  	_ =	shalt  }
0x7a: {  	_ =	shalt  }
0x7b: {  	_ =	shalt  }
0x7c: {  	_ =	shalt  }
0x7d: {  	_ =	shalt  }
0x7e: {  	_ =	shalt  }
0x7f: {  	_ =	shalt  }
0x80: {  	_ =	shalt  }
0x81: {  	_ =	shalt  }
0x82: {  	_ =	shalt  }
0x83: {  	_ =	shalt  }
0x84: {  	_ =	shalt  }
0x85: {  	_ =	shalt  }
0x86: {  	_ =	shalt  }
0x87: {  	_ =	shalt  }
.Lfunc_end0:
.L_simem_size_0:
called_computation.3_lowered:
.L_overlay_start_0:
0x88: {  	s0 =	sld [smem:$0x3FD9]  }
0x89: {  	s1 =	sld [smem:$0x3FFE];
	_ =	sdelay $0x3  }
0x8a: {  	s0 =	sadd.s32 s1, s0  }
0x8b: {  	[smem:$0x3FC6] =	sst s0  }
0x8c: {  	_ = 	snop  }
0x8d: {  	s14 =	sld [smem:$0x3FD0];
	(tm) =	ssettm $0x1  }
0x8e: {  	s15 =	sld [smem:$0x3FFB];
	_ =	sdelay $0x3  }
0x8f: {  	_ =	strace s15  }
0x90: {  	s0 =	sld [smem:$0x3FFC];
	_ =	sdelay $0x3  }
0x91: {  	_ =	strace s0  }
0x92: {  	s0 =	sld [smem:$0x3FFD];
	_ =	sdelay $0x3  }
0x93: {  	_ =	strace s0  }
0x94: {  	_ =	strace $0x8FFFFFFF  }
0x95: {  	s16 =	sld [smem:$0x3FDB];
	_ =	sdelay $0x1  }
0x96: {  	s2 =	simm.s32 $_scs_section_size  }
0x97: {  	s3 =	simm.s32 $_size__tile_overlayer_lowered;
	s4 =	simm.s32 $_tile_overlayer_lowered  }
0x98: {  	s5 =	simm.s32 $0x1BFF;
	s17 =	sshll.u32 s4, $0x1;
	s2 =	sadd.s32 s2, s16  }
0x99: {  	s18 =	simm.s32 $0x0;
	s3 =	sshll.u32 s3, $0x1;
	s4 =	sadd.s32 s17, s2  }
0x9a: {  	[timem:s18], [sflag:s5] =	dma.local [hbm:s4], s3  }
0x9b: {  	_ =	swait.ge [sflag:s5], s3  }
0x9c: {  	s3 =	ssub.s32 $0x0, s3;
	[sflag:s5] =	ssyncset.done $0x0  }
0x9d: {  	[sflag:s5] =	ssyncadd.s32 s3;
	_ =	sdelay $0x1  }
0x9e: {  	s19 =	simm.s32 $0x1B8B  }
0x9f: {  	_ =	swait.ge [sflag:s19], $0x1  }
0xa0: {  	[sflag:s19] =	ssyncset.done $0x0  }
0xa1: {  	s21 =	simm.s32 $0x1B8E;
	s20 =	sld [smem:$0x3FFE];
	[sflag:s19] =	ssyncadd.s32 $0xFFFFFFFF  }
0xa2: {  	s22 =	simm.s32 $execute0_lowered;
	[smem:$0x3FD2] =	sst s21  }
0xa3: {  	s4 =	sshll.u32 s22, $0x1;
	_ =	strace $0x80000052;
	[dreg:$0x1] =	wrdreg $0xFFFFFFFF  }
0xa4: {  	s23 =	simm.s32 $_size_execute0_lowered;
	s4 =	sadd.s32 s2, s4;
	[dreg:$0x0] =	wrdreg $0x0  }
0xa5: {  	s5 =	sshll.u32 s23, $0x1;
	[dreg:$0x2] =	wrdreg s4  }
0xa6: {  	[dreg:$0x3] =	wrdreg s5  }
0xa7: {  	[dreg:$0x4] =	wrdreg $0xC0  }
0xa8: {  	s24 =	simm.s32 $execute1_lowered;
	_ =	task [dreg:s18], $0x5FFFF  }
0xa9: {  	s4 =	sshll.u32 s24, $0x1;
	[dreg:$0x1] =	wrdreg $0xFFFFFFFF  }
0xaa: {  	s2 =	sadd.s32 s2, s4;
	[dreg:$0x0] =	wrdreg $0x60  }
0xab: {  	[dreg:$0x2] =	wrdreg s2  }
0xac: {  	[dreg:$0x3] =	wrdreg s14  }
0xad: {  	[dreg:$0x4] =	wrdreg s20  }
0xae: {  	[dreg:$0x5] =	wrdreg $0xD  }
0xaf: {  	_ =	task.clear_ibuf [dreg:s18], $0x6FFFF;
	_ =	strace $0x90000052  }
0xb0: {  	s25 =	simm.s32 $0xD;
	_ =	strace $0x80000054  }
0xb1: {  	_ =	swait.ge [sflag:s25], $0x1  }
0xb2: {  	[sflag:s25] =	ssyncadd.s32 $0xFFFFFFFF  }
0xb3: {  	_ =	strace $0x90000054  }
0xb4: {  	_ =	strace $0x80000055;
	[dreg:$0x1] =	wrdreg $0xFFFFFFFF  }
0xb5: {  	[dreg:$0x0] =	wrdreg $0x2030  }
0xb6: {  	[dreg:$0x2] =	wrdreg s20  }
0xb7: {  	[dreg:$0x3] =	wrdreg $0xE  }
0xb8: {  	_ =	task.clear_ibuf [dreg:s18], $0x4FFFF;
	_ =	strace $0x90000055  }
0xb9: {  	s26 =	simm.s32 $0xE;
	_ =	strace $0x80000057  }
0xba: {  	_ =	swait.ge [sflag:s26], $0x1  }
0xbb: {  	[sflag:s26] =	ssyncadd.s32 $0xFFFFFFFF  }
0xbc: {  	_ =	strace $0x90000057  }
0xbd: {  	_ =	sfence  }
0xbe: {  	s28 =	sld [smem:$0x0];
	_ =	sdelay $0x1  }
0xbf: {  	s29 =	srdreg.scid  }
0xc0: {  	s30 =	sshll.u32 s29, $0xD;
	s31 =	sshrl.u32 s29, $0x2  }
0xc1: {  	s3 =	sand.u32 $0x4000, s30;
	s2 =	sand.u32 $0x1, s29;
	s1 =	sadd.s32 s31, s28  }
0xc2: {  	s2 =	sor.u32 s3, s2;
	s1 =	sshll.u32 s1, $0x11  }
0xc3: {  	s1 =	sor.u32 s1, s2  }
0xc4: {  	s1 =	sadd.s32 $0x8F2B, s1  }
0xc5: {  	[sflag:s1] =	ssyncadd.remote.s32 $0x1  }
0xc6: {  	_ =	sfence.sel $0xFFFF  }
0xc7: {  	[dreg:$0x0] =	wrdreg $0xFFFFFFFF;
	(pc) =	sbr.abs _section_cstart, $3  }
0xc8: {  	[dreg:$0x1] =	wrdreg $0xFFFFFFFF  }
0xc9: {  	_ =	task.clear_ibuf [dreg:s18], $0x2FFFF;
	_ =	strace $0x9FFFFFFF  }
0xca: {  	(tm) =	ssettm $0x7FFFFFFF  }
0xcb: {  	_ =	shalt  }
tec
execute0_lowered:
.L_overlay_start_1:
0x0: {  	(tag) =	ssettag $0x1  }
0x1: {  	s4 =	rddreg [dreg:$0x0]  }
0x2: {  	s2 =	rddreg [dreg:$0x1];
	s6 =	stileid.u32  }
0x3: {  	s5 =	rddreg [dreg:$0x2];
	s3 =	smul.u32 $0x3C00, s6  }
0x4: {  	s0 =	rddreg [dreg:$0x3];
	[bflag:$0x3] =	sbarrier.arrive $0xFFFF;
	s1 =	simm.s32 $_size_execute1_lowered  }
0x5: {  	s1 =	sshll.u32 s1, $0x1;
	p0 =	sne.s32 s6, $0x0;
	s28 =	ssub.s32 $0x258000, s3  }
0x6: {  	s7 =	simm.s32 @!p0 $0x1C3F;
	s8 =	simm.s32 @!p0 $0x4060;
	s9 =	smulhi.u32 $0x444445, s28  }
0x7: {  	[timem:s8], [sflag:s7] =	dma.local @!p0 [hbm:s4], s1  }
0x8: {  	s29 =	sshrl.u32 s9, $0x8  }
0x9: {  	s30 =	smul.u32 $0x3C000, s29  }
.Ltmp0:
0xa: {  	s31 =	simm.s32 $0x2;
	s10 =	simm.s32 $0x0;
	(pc) =	sbr.rel .LBB2_1-.Ltmp0, $4  }
0xb: {  	s6 =	simm.s32 $0x1;
	s5 =	sadd.s32 $0x133000, s5;
	p1 =	sne.s32 s28, s30  }
0xc: {  	s4 =	simm.s32 $0x1;
	_ =	strace $0x80000053;
	s6 =	simm.s32 @!p1 $0x0  }
0xd: {  	s8 =	smov.u32 s3;
	[sflag:s4] =	ssyncpa.u1 $0x0;
	s6 =	sadd.s32 s6, s29  }
0xe: {  	[sflag:s31] =	ssyncpa.u1 $0x0;
	s9 =	simm.s32 $0x0;
	s7 =	sadd.s32 $0x1, s6  }
.LBB2_4:
0xf: {  	[tilespmem:s11+$0xB0] =	vst v0  }
0x10: {  	[tilespmem:s11+$0xC0] =	vst v1  }
0x11: {  	[tilespmem:s11+$0xD0] =	vst v2  }
0x12: {  	[tilespmem:s11+$0xE0] =	vst v3;
	s13 =	sshrl.u32 s10, $0x3  }
0x13: {  	[tilespmem:s11+$0xFFFFFF00] =	vst v4;
	s31 =	sand.u32 $0x7, s10;
	s30 =	sadd.s32 s5, s13  }
0x14: {  	[hbm4b:s30+s31] =	stream.linear.scatter [tilespmem:s12], [sflag:$0x2], $0x3C00, $0x38;
	[tilespmem:$0xF000] =	vst v63  }
.LBB2_5:
0x15: {  	s12 =	sadd.s32 $0x3C000, s8  }
0x16: {  	p2 =	sgt.s32 s12, $0x257FFF  }
0x17: {  	s12 =	smov.u32 @p2 s3;
	p2 =	sne.s32 s9, s7  }
.Ltmp1:
0x18: {  	p1 =	slt.u32 s9, $0x2;
	(pc) =	sbr.rel @!p2 .LBB2_6-.Ltmp1, $4  }
0x19: {  	s11 =	simm.s32 @!p1 $0x2  }
0x1a: {  	_ =	swait.ge @!p1 [sflag:s11], $0x3C00  }
0x1b: {  	s13 =	sadd.s32 $0x1, s9;
	s10 =	smov.u32 s8;
	[sflag:s11] =	ssyncset.done @!p1 $0x0  }
0x1c: {  	s9 =	smov.u32 s13;
	s8 =	smov.u32 s12;
	[sflag:s11] =	ssyncadd.s32 @!p1 $0xFFFFC400  }
.LBB2_1:
0x1d: {  	p1 =	sge.u32 s9, s6  }
0x1e: {  	s11 =	sxor.u32 @!p1 $0xFFFFFFFF, s9  }
0x1f: {  	s11 =	sand.u32 @!p1 $0x1, s11  }
0x20: {  	s11 =	smul.u32 @!p1 $0xF000, s11  }
0x21: {  	s31 =	sadd.s32 $0xFFFFFFFF, s9;
	s12 =	sshrl.u32 @!p1 s8, $0x3  }
0x22: {  	s13 =	sand.u32 @!p1 $0x7, s8;
	s12 =	sadd.s32 @!p1 s2, s12;
	s11 =	sshrl.u32 @!p1 s11, $0x2  }
0x23: {  	[tilespmem:s11], [sflag:$0x1] =	stream.linear.gather @!p1 [hbm4b:s12+s13], $0x3C00, $0x38;
	[tilespmem:$0xF000] =	vst v63  }
0x24: {  	p1 =	sge.u32 s31, s6  }
.Ltmp2:
0x25: {  	_ = 	snop;
	(pc) =	sbr.rel @p1 .LBB2_5-.Ltmp2, $1  }
0x26: {  	_ =	sdelay $0x3  }
0x27: {  	s11 =	sand.u32 $0x1, s9  }
0x28: {  	_ =	swait.ge [sflag:s4], $0x3C00;
	s12 =	simm.s32 $0x3C00;
	p1 =	seq.s32 s11, $0x1  }
0x29: {  	[sflag:s4] =	ssyncset.done $0x0;
	s12 =	simm.s32 @!p1 $0x0  }
0x2a: {  	[sflag:s4] =	ssyncadd.s32 $0xFFFFC400;
	s14 =	sor.u32 $0x100, s12  }
0x2b: {  	v0 =	vld [tilespmem:s14+$0xF0]  }
0x2c: {  	v1 =	vld [tilespmem:s14+$0xFFFFFF10]  }
0x2d: {  	v2 =	vld [tilespmem:s14+$0xFFFFFF20]  }
0x2e: {  	v3 =	vld [tilespmem:s14+$0xFFFFFF30]  }
0x2f: {  	s11 =	sadd.s32 $0x7900, s12;
	v4 =	vld [tilespmem:s14+$0xFFFFFF40]  }
0x30: {  	v5 =	vld [tilespmem:s14+$0xFFFFFF50];
	[tilespmem:s11+$0xF0] =	vst v0  }
0x31: {  	[tilespmem:s11+$0xFFFFFF10] =	vst v1;
	v0 =	vld [tilespmem:s14+$0xFFFFFF60]  }
0x32: {  	[tilespmem:s11+$0xFFFFFF20] =	vst v2;
	v1 =	vld [tilespmem:s14+$0xFFFFFF70]  }
0x33: {  	[tilespmem:s11+$0xFFFFFF30] =	vst v3;
	v2 =	vld [tilespmem:s14+$0xFFFFFF80]  }
0x34: {  	[tilespmem:s11+$0xFFFFFF40] =	vst v4;
	v3 =	vld [tilespmem:s14+$0xFFFFFF90]  }
0x35: {  	[tilespmem:s11+$0xFFFFFF50] =	vst v5;
	v4 =	vld [tilespmem:s14+$0xFFFFFFA0]  }
0x36: {  	v5 =	vld [tilespmem:s14+$0xA0];
	[tilespmem:s11+$0xFFFFFF60] =	vst v0  }
0x37: {  	v0 =	vld [tilespmem:s14+$0xFFFFFFB0];
	[tilespmem:s11+$0xFFFFFF70] =	vst v1  }
0x38: {  	v1 =	vld [tilespmem:s14+$0xFFFFFFC0];
	[tilespmem:s11+$0xFFFFFF80] =	vst v2  }
0x39: {  	v2 =	vld [tilespmem:s14+$0xFFFFFFD0];
	[tilespmem:s11+$0xFFFFFF90] =	vst v3  }
0x3a: {  	v3 =	vld [tilespmem:s14+$0xFFFFFFE0];
	[tilespmem:s11+$0xFFFFFFA0] =	vst v4  }
0x3b: {  	v4 =	vld [tilespmem:s14+$0xFFFFFFF0];
	[tilespmem:s11+$0xA0] =	vst v5  }
0x3c: {  	[tilespmem:s11+$0xFFFFFFB0] =	vst v0;
	v0 =	vld [tilespmem:s14+$0x0]  }
0x3d: {  	[tilespmem:s11+$0xFFFFFFC0] =	vst v1;
	v1 =	vld [tilespmem:s14+$0x10]  }
0x3e: {  	[tilespmem:s11+$0xFFFFFFD0] =	vst v2;
	v2 =	vld [tilespmem:s14+$0x20]  }
0x3f: {  	[tilespmem:s11+$0xFFFFFFE0] =	vst v3;
	v3 =	vld [tilespmem:s14+$0x30]  }
0x40: {  	[tilespmem:s11+$0xFFFFFFF0] =	vst v4;
	v4 =	vld [tilespmem:s14+$0x40]  }
0x41: {  	[tilespmem:s11+$0x0] =	vst v0;
	v0 =	vld [tilespmem:s14+$0x50]  }
0x42: {  	[tilespmem:s11+$0x10] =	vst v1;
	v1 =	vld [tilespmem:s14+$0x60]  }
0x43: {  	[tilespmem:s11+$0x20] =	vst v2;
	v2 =	vld [tilespmem:s14+$0x70]  }
0x44: {  	[tilespmem:s11+$0x30] =	vst v3;
	v3 =	vld [tilespmem:s14+$0x80]  }
0x45: {  	[tilespmem:s11+$0x40] =	vst v4;
	v4 =	vld [tilespmem:s14+$0x90]  }
0x46: {  	[tilespmem:s11+$0x50] =	vst v0;
	v0 =	vld [tilespmem:s14+$0xB0]  }
0x47: {  	[tilespmem:s11+$0x60] =	vst v1;
	v1 =	vld [tilespmem:s14+$0xC0]  }
0x48: {  	[tilespmem:s11+$0x70] =	vst v2;
	v2 =	vld [tilespmem:s14+$0xD0]  }
0x49: {  	[tilespmem:s11+$0x80] =	vst v3;
	v3 =	vld [tilespmem:s14+$0xE0]  }
0x4a: {  	s13 =	simm.s32 $0x0;
	s12 =	sadd.s32 $0x7800, s12;
	[tilespmem:s11+$0x90] =	vst v4;
	v4 =	vld [tilespmem:s14+$0xFFFFFF00];
	s14 =	sadd.s32 $0x200, s14  }
.LBB2_3:
0x4b: {  	v5 =	vld [tilespmem:s14+$0xF0];
	s13 =	sadd.s32 $0x200, s13;
	[tilespmem:s11+$0xB0] =	vst v0  }
0x4c: {  	v0 =	vld [tilespmem:s14+$0xFFFFFF10];
	p1 =	slt.u32 s13, $0x3A00;
	[tilespmem:s11+$0xC0] =	vst v1  }
0x4d: {  	v1 =	vld [tilespmem:s14+$0xFFFFFF20];
	[tilespmem:s11+$0xD0] =	vst v2  }
0x4e: {  	v2 =	vld [tilespmem:s14+$0xFFFFFF30];
	[tilespmem:s11+$0xE0] =	vst v3  }
0x4f: {  	v3 =	vld [tilespmem:s14+$0xFFFFFF40];
	[tilespmem:s11+$0xFFFFFF00] =	vst v4;
	s11 =	sadd.s32 $0x200, s11  }
0x50: {  	v4 =	vld [tilespmem:s14+$0xFFFFFF50];
	[tilespmem:s11+$0xF0] =	vst v5  }
0x51: {  	[tilespmem:s11+$0xFFFFFF10] =	vst v0;
	v0 =	vld [tilespmem:s14+$0xFFFFFF60]  }
0x52: {  	[tilespmem:s11+$0xFFFFFF20] =	vst v1;
	v1 =	vld [tilespmem:s14+$0xFFFFFF70]  }
0x53: {  	[tilespmem:s11+$0xFFFFFF30] =	vst v2;
	v2 =	vld [tilespmem:s14+$0xFFFFFF80]  }
0x54: {  	[tilespmem:s11+$0xFFFFFF40] =	vst v3;
	v3 =	vld [tilespmem:s14+$0xFFFFFF90]  }
0x55: {  	[tilespmem:s11+$0xFFFFFF50] =	vst v4;
	v4 =	vld [tilespmem:s14+$0xFFFFFFA0]  }
0x56: {  	[tilespmem:s11+$0xFFFFFF60] =	vst v0;
	v0 =	vld [tilespmem:s14+$0xFFFFFFB0]  }
0x57: {  	[tilespmem:s11+$0xFFFFFF70] =	vst v1;
	v1 =	vld [tilespmem:s14+$0xFFFFFFC0]  }
0x58: {  	[tilespmem:s11+$0xFFFFFF80] =	vst v2;
	v2 =	vld [tilespmem:s14+$0xFFFFFFD0]  }
0x59: {  	[tilespmem:s11+$0xFFFFFF90] =	vst v3;
	v3 =	vld [tilespmem:s14+$0xFFFFFFE0]  }
0x5a: {  	[tilespmem:s11+$0xFFFFFFA0] =	vst v4;
	v4 =	vld [tilespmem:s14+$0xFFFFFFF0]  }
0x5b: {  	[tilespmem:s11+$0xFFFFFFB0] =	vst v0;
	v0 =	vld [tilespmem:s14+$0x0]  }
0x5c: {  	[tilespmem:s11+$0xFFFFFFC0] =	vst v1;
	v1 =	vld [tilespmem:s14+$0x10]  }
0x5d: {  	[tilespmem:s11+$0xFFFFFFD0] =	vst v2;
	v2 =	vld [tilespmem:s14+$0x20]  }
0x5e: {  	[tilespmem:s11+$0xFFFFFFE0] =	vst v3;
	v3 =	vld [tilespmem:s14+$0x30]  }
0x5f: {  	[tilespmem:s11+$0xFFFFFFF0] =	vst v4;
	v4 =	vld [tilespmem:s14+$0x40]  }
0x60: {  	[tilespmem:s11+$0x0] =	vst v0;
	v0 =	vld [tilespmem:s14+$0x50]  }
0x61: {  	[tilespmem:s11+$0x10] =	vst v1;
	v1 =	vld [tilespmem:s14+$0x60]  }
0x62: {  	[tilespmem:s11+$0x20] =	vst v2;
	v2 =	vld [tilespmem:s14+$0x70]  }
0x63: {  	[tilespmem:s11+$0x30] =	vst v3;
	v3 =	vld [tilespmem:s14+$0x80]  }
0x64: {  	[tilespmem:s11+$0x40] =	vst v4;
	v4 =	vld [tilespmem:s14+$0x90]  }
0x65: {  	[tilespmem:s11+$0x50] =	vst v0;
	v5 =	vld [tilespmem:s14+$0xA0]  }
.Ltmp3:
0x66: {  	[tilespmem:s11+$0x60] =	vst v1;
	v0 =	vld [tilespmem:s14+$0xB0];
	(pc) =	sbr.rel @p1 .LBB2_3-.Ltmp3, $4  }
0x67: {  	[tilespmem:s11+$0x70] =	vst v2;
	v1 =	vld [tilespmem:s14+$0xC0]  }
0x68: {  	[tilespmem:s11+$0x80] =	vst v3;
	v2 =	vld [tilespmem:s14+$0xD0]  }
0x69: {  	[tilespmem:s11+$0x90] =	vst v4;
	v3 =	vld [tilespmem:s14+$0xE0]  }
0x6a: {  	v4 =	vld [tilespmem:s14+$0xFFFFFF00];
	[tilespmem:s11+$0xA0] =	vst v5;
	s14 =	sadd.s32 $0x200, s14  }
.Ltmp4:
0x6b: {  	_ = 	snop;
	(pc) =	sbr.rel .LBB2_4-.Ltmp4, $1  }
0x6c: {  	_ =	sdelay $0x3  }
.LBB2_6:
0x6d: {  	_ =	sfence.sel $0x180000  }
0x6e: {  	s2 =	simm.s32 $0x1;
	[bflag:$0x0] =	sbarrier.arrive $0xFFFF  }
0x6f: {  	s31 =	simm.s32 $0x2;
	[sflag:s2] =	ssyncpa.u1 $0x1  }
0x70: {  	[sflag:s31] =	ssyncpa.u1 $0x1  }
0x71: {  	_ =	strace $0x90000053  }
0x72: {  	s0 =	sadd.s32 @!p0 $0x100000, s0;
	[bflag:$0x2] =	sbarrier.arrive $0xFFFF  }
0x73: {  	[sflag:s0] =	ssyncadd.tile.s32 @!p0 $0x1;
	s0 =	simm.s32 @!p0 $0x3F  }
0x74: {  	_ =	swait.ge @!p0 [sflag:s0], s1  }
0x75: {  	s1 =	ssub.s32 @!p0 $0x0, s1;
	[sflag:s0] =	ssyncset.done @!p0 $0x0  }
0x76: {  	[sflag:s0] =	ssyncadd.s32 @!p0 s1  }
0x77: {  	[bflag:$0x3] =	sbarrier.arrive $0xFFFF  }
0x78: {  	_ =	shalt  }
.Lfunc_end2:
execute1_lowered:
.L_overlay_start_2:
0x79: {  	(tag) =	ssettag $0x2  }
0x7a: {  	s0 =	rddreg [dreg:$0x0];
	_ =	strace $0x80000056;
	s2 =	simm.s32 $0x1  }
0x7b: {  	v1 =	vimm.s32 $0xFFFFFFFF;
	[sflag:s2] =	ssyncpa.u1 $0x0  }
0x7c: {  	[tilespmem:$0x10] =	vst v1  }
0x7d: {  	v0 =	vimm.f32 $0.0e+00;
	[tilespmem:$0x20] =	vst v1  }
0x7e: {  	[tilespmem:$0x30] =	vst v0  }
0x7f: {  	[tilespmem:$0x40] =	vst v0  }
0x80: {  	s30 =	simm.s32 $0x2;
	s3 =	stileid.u32;
	s6 =	simm.s32 $0x7;
	[tilespmem:$0x50] =	vst v0  }
0x81: {  	s8 =	simm.s32 $0x8;
	s31 =	simm.s32 $0x9;
	s14 =	simm.s32 $0x0;
	[tilespmem:$0x60] =	vst v1  }
0x82: {  	s15 =	simm.s32 $0xFFFFE000;
	s16 =	simm.s32 $0xFF;
	p0 =	por $0x0, $0x0;
	[tilespmem:$0x70] =	vst v1  }
0x83: {  	s17 =	simm.s32 $0xFFFFC100;
	s18 =	simm.s32 $0xFFFFFFFE;
	s19 =	simm.s32 $0xF;
	[tilespmem:$0x80] =	vst v1  }
0x84: {  	s20 =	simm.s32 $0x30;
	s23 =	simm.s32 $0x0;
	s21 =	simm.s32 $0x0;
	v1 =	vimm.s32 $0x0;
	[tilespmem:$0xB0] =	vst v0  }
.Ltmp5:
0x85: {  	s1 =	sadd.s32 $0x133000, s0;
	s4 =	sadd.s32 $0x68000, s0;
	[tilespmem:$0x90] =	vst v1;
	(pc) =	sbr.rel .LBB3_1-.Ltmp5, $4  }
0x86: {  	s5 =	sadd.s32 $0x88000, s0;
	s7 =	sshll.u32 s3, $0x10;
	[tilespmem:$0xA0] =	vst v1;
	[sflag:s30] =	ssyncpa.u1 $0x0  }
0x87: {  	s9 =	sshll.u32 s3, $0x1;
	s12 =	sshllo.u32 s3, $0x1;
	[sflag:s6] =	ssyncpa.u1 $0x0  }
0x88: {  	vm0 =	vmmov $0xffff;
	v2 =	vlaneseq.u32;
	s10 =	sadd.s32 $0x10000, s7;
	s11 =	sor.u32 $0x81, s9;
	[sflag:s8] =	ssyncpa.u1 $0x0  }
0x89: {  	vm1 =	vmxor vm1, vm1;
	vm2 =	vmmov $0x1;
	vm3 =	vcmask $0x3F3C;
	s13 =	sor.u32 $0x80, s9;
	s22 =	smov.u32 s7;
	[sflag:s31] =	ssyncpa.u1 $0x0  }
.LBB3_10:
0x8a: {  	p1 =	slt.u32 s21, $0x3  }
0x8b: {  	s0 =	simm.s32 @!p1 $0x2  }
0x8c: {  	_ =	swait.ge @!p1 [sflag:s0], $0x2000  }
0x8d: {  	[sflag:s0] =	ssyncset.done @!p1 $0x0  }
0x8e: {  	[sflag:s0] =	ssyncadd.s32 @!p1 $0xFFFFE000;
	s0 =	simm.s32 @!p1 $0x9  }
0x8f: {  	_ =	swait.ge @!p1 [sflag:s0], $0x10  }
0x90: {  	s21 =	sadd.s32 $0x1, s21;
	[sflag:s0] =	ssyncset.done @!p1 $0x0  }
0x91: {  	[sflag:s0] =	ssyncadd.s32 @!p1 $0xFFFFFFF0;
	p1 =	sne.s32 s21, $0xB  }
.Ltmp6:
0x92: {  	_ = 	snop;
	(pc) =	sbr.rel @!p1 .LBB3_11-.Ltmp6, $4  }
0x93: {  	s23 =	sadd.s32 $0x2000, s22;
	s24 =	smov.u32 s7  }
0x94: {  	s15 =	sadd.s32 $0x2000, s15;
	s16 =	sadd.s32 $0x1, s16;
	p2 =	slt.s32 s23, s10  }
0x95: {  	p0 =	por !p0, !p0;
	s17 =	sadd.s32 $0x2000, s17;
	s24 =	smov.u32 @p2 s23  }
0x96: {  	s18 =	sadd.s32 $0x1, s18;
	s23 =	smov.u32 s22;
	s22 =	smov.u32 s24  }
.LBB3_1:
0x97: {  	p1 =	sgt.u32 s21, $0x7  }
0x98: {  	s0 =	smul.u32 @!p1 $0xAB, s21;
	_ =	sdelay $0x1  }
0x99: {  	s0 =	sshrl.u32 @!p1 s0, $0x9  }
0x9a: {  	s0 =	sand.u32 @!p1 $0x7F, s0  }
0x9b: {  	s0 =	smul.u32 @!p1 $0x3, s0;
	_ =	sdelay $0x1  }
0x9c: {  	s0 =	ssub.s32 @!p1 s21, s0  }
0x9d: {  	s0 =	sand.u32 @!p1 $0xFF, s0  }
0x9e: {  	s24 =	sshrl.u32 @!p1 s22, $0x3;
	s0 =	sshll.u32 @!p1 s0, $0xD  }
0x9f: {  	s25 =	sand.u32 @!p1 $0x7, s22;
	s24 =	sadd.s32 @!p1 s4, s24;
	s0 =	sor.u32 @!p1 $0x100, s0  }
0xa0: {  	[tilespmem:s0], [sflag:$0x7] =	stream.linear.gather @!p1 [hbm4b:s24+s25], $0x2000, $0x38;
	[tilespmem:$0x12120] =	vst v63  }
0xa1: {  	s0 =	sadd.s32 $0xFFFFFFFF, s21  }
0xa2: {  	p1 =	sgt.u32 s0, $0x7  }
.Ltmp7:
0xa3: {  	_ = 	snop;
	(pc) =	sbr.rel @p1 .LBB3_5-.Ltmp7, $1  }
0xa4: {  	_ =	sdelay $0x3  }
0xa5: {  	s24 =	smul.u32 $0xAB, s0;
	_ =	sdelay $0x1  }
0xa6: {  	s24 =	sshrl.u32 s24, $0x9  }
0xa7: {  	s24 =	sand.u32 $0x7F, s24  }
0xa8: {  	s24 =	smul.u32 $0x3, s24;
	_ =	sdelay $0x1  }
0xa9: {  	s24 =	ssub.s32 s0, s24  }
0xaa: {  	s24 =	sand.u32 $0xFF, s24  }
0xab: {  	_ =	swait.ge [sflag:s6], $0x2000;
	s24 =	sshll.u32 s24, $0xD  }
0xac: {  	[sflag:s6] =	ssyncset.done $0x0;
	s24 =	sor.u32 $0x100, s24  }
0xad: {  	[sflag:s6] =	ssyncadd.s32 $0xFFFFE000;
	(ifvalue) =	ssetifvalue $0xFFFFFFFF;
	v3 =	vld.msk [tilespmem:s24+$0x0 ss:$0x1], $0xffff;
	_ =	sdelay $0x1  }
0xae: {  	s28 =	sand.u32 $0xFF, s16  }
0xaf: {  	p1 =	sne.s32 s21, $0x1;
	s25 =	smulhi.u32 $0x55555556, s28  }
0xb0: {  	v4 =	vimm.s32 @!p1 $0x0  }
0xb1: {  	s25 =	smul.u32 $0x18000, s25;
	v4 =	vperm.xlane @!p1 v3, v4  }
0xb2: {  	s26 =	sshll.u32 s21, $0x4;
	s24 =	sshll.u32 s28, $0xF;
	vm4 =	vlt.u32 v3, $0x258000  }
0xb3: {  	s29 =	sand.u32 $0x10, s26;
	s24 =	ssub.s32 s24, s25;
	v3 =	vnsel vm4, $0xFFFFFFFE, v3;
	vm4 =	vlt.u32 @!p1 v4, $0x258000  }
0xb4: {  	s24 =	sshra.s32 s24, $0x2;
	[tilespmem:s29+$0x60] =	vst v3;
	v3 =	vnsel @!p1 vm4, $0xFFFFFFFE, v4  }
0xb5: {  	s28 =	sadd.s32 $0x20F0, s24;
	[tilespmem:$0x80] =	vst @!p1 v3  }
0xb6: {  	v3 =	vld.msk [tilespmem:s28+$0x0 ss:$0x1], $0xffff;
	_ =	sdelay $0x4  }
0xb7: {  	(xrf1) =	vunique.msk.u32 $0xffff, v3;
	_ =	sdelay $0xd  }
0xb8: {  	v4 =	vimm.s32 $0xFFFFFFFF;
	v5, _, _ =	vpop (xrf1)  }
0xb9: {  	vm5 =	vne.s32 v3, v4;
	vm4 =	veq.s32 v5, v2  }
0xba: {  	vm6 =	vlt.u32 v3, $0x258000;
	vm4 =	vmand vm5, vm4  }
0xbb: {  	vm4 =	vmand vm6, vm4  }
0xbc: {  	v4 =	vnsel vm4, $0xFFFFFFFF, v3;
	_ =	sdelay $0x2  }
0xbd: {  	s30 =	sand.u32 $0x2000, s15  }
0xbe: {  	s31 =	sshll.u32 s0, $0xD;
	s24 =	sor.u32 $0x80F0, s30;
	(ifvalue) =	ssetifvalue $0xFFFFFFFF  }
0xbf: {  	v3 =	vperm.xlane v3, v1;
	[tilespmem:s24], [sflag:$0x8] =	stream.indirect_vreg.gather [hbm4b:s1+s14], $0x1, v4, vm0, $0x4038;
	v4 =	vnsel vm6, $0xFFFFFFFE, v4;
	[tilespmem:$0x12120] =	vst v63  }
0xc0: {  	s26 =	simm.s32 $0x0;
	s25 =	sand.u32 $0x2000, s31;
	s0 =	sadd.s32 $0xFFFFFFF0, s28;
	[tilespmem:s28+$0x0] =	vst v4  }
.LBB3_3:
0xc1: {  	v4 =	vld.msk [tilespmem:s0+$0x0 ss:$0x1], $0xffff;
	s26 =	sadd.s32 $0x10, s26;
	v5 =	vmov v3;
	s28 =	smov.u32 s0  }
0xc2: {  	p1 =	slt.u32 s26, $0x1FF0;
	_ =	sdelay $0x4  }
0xc3: {  	v3 =	vperm.xlane v4, v1;
	(xrf1) =	vunique.msk.u32 $0xffff, v4;
	_ =	sdelay $0xd  }
0xc4: {  	v6, _, _ =	vpop (xrf1)  }
0xc5: {  	vm5 =	vne.s32 v4, v5;
	vm4 =	veq.s32 v6, v2  }
0xc6: {  	vm6 =	vlt.u32 v4, $0x258000;
	vm4 =	vmand vm5, vm4  }
0xc7: {  	vm4 =	vmand vm6, vm4  }
0xc8: {  	v4 =	vnsel vm4, $0xFFFFFFFF, v4  }
.Ltmp8:
0xc9: {  	v5 =	vnsel vm6, $0xFFFFFFFE, v4;
	(pc) =	sbr.rel @p1 .LBB3_3-.Ltmp8, $3  }
0xca: {  	_ =	sdelay $0x1  }
0xcb: {  	s0 =	sadd.s32 $0xFFFFFFF0, s0;
	s24 =	sadd.s32 $0xFFFFFFF0, s24;
	(ifvalue) =	ssetifvalue $0xFFFFFFFF  }
0xcc: {  	[tilespmem:s24], [sflag:$0x8] =	stream.indirect_vreg.gather [hbm4b:s1+s14], $0x1, v4, vm0, $0x4038;
	[tilespmem:s28+$0x0] =	vst v5  }
0xcd: {  	s0 =	sshrl.u32 s23, $0x3  }
0xce: {  	s31 =	sadd.s32 $0xA100, s25;
	s0 =	sadd.s32 s5, s0  }
0xcf: {  	[tilespmem:s31], [sflag:$0x8] =	stream.linear.gather [hbm:s0], $0x2000, $0x38;
	[tilespmem:$0x12120] =	vst v63  }
.LBB3_5:
0xd0: {  	p1 =	sgt.u32 s21, $0xA  }
.Ltmp9:
0xd1: {  	_ = 	snop;
	(pc) =	sbr.rel @p1 .LBB3_7-.Ltmp9, $1  }
0xd2: {  	_ =	sdelay $0x3  }
0xd3: {  	s0 =	sshll.u32 s2, s21  }
0xd4: {  	s0 =	sand.u32 $0x403, s0  }
0xd5: {  	p1 =	sne.s32 s0, $0x0  }
.Ltmp10:
0xd6: {  	_ = 	snop;
	(pc) =	sbr.rel @p1 .LBB3_10-.Ltmp10, $1  }
0xd7: {  	_ =	sdelay $0x3  }
.LBB3_7:
0xd8: {  	s0 =	sadd.s32 $0xFFFFFFFE, s21  }
0xd9: {  	s23 =	smulhi.u32 $0xAAAAAAAB, s0;
	_ =	sdelay $0x1  }
0xda: {  	s23 =	sshrl.u32 s23, $0x1  }
0xdb: {  	s23 =	smul.u32 $0x3, s23;
	_ =	sdelay $0x1  }
0xdc: {  	_ =	swait.ge [sflag:s8], $0x4000;
	s0 =	ssub.s32 s0, s23  }
0xdd: {  	p1 =	sne.s32 s21, $0x9;
	[sflag:s8] =	ssyncset.done $0x0;
	s0 =	sshll.u32 s0, $0xD  }
0xde: {  	[sflag:s8] =	ssyncadd.s32 $0xFFFFC000;
	s23 =	sadd.s32 @!p1 $0x20FF, s0  }
0xdf: {  	[spmem:s11] =	stream.linear.scatter @!p1 [tilespmem:s23], [sflag:$0x1], $0x1, $0x38;
	[tilespmem:$0x12120] =	vst v63  }
0xe0: {  	s23 =	simm.s32 @!p1 $0x1  }
0xe1: {  	_ =	swait.ge @!p1 [sflag:s23], $0x1  }
0xe2: {  	s24 =	sshll.u32 s21, $0x4;
	[sflag:s23] =	ssyncset.done @!p1 $0x0  }
0xe3: {  	[sflag:s23] =	ssyncadd.s32 @!p1 $0xFFFFFFFF;
	s23 =	sand.u32 $0x10, s24  }
0xe4: {  	v4 =	vld [tilespmem:s23+$0x10];
	s29 =	sxor.u32 $0x10, s23  }
0xe5: {  	v5 =	vld [tilespmem:s29+$0x60]  }
0xe6: {  	v3 =	vld [tilespmem:$0x80];
	_ =	sdelay $0x2  }
0xe7: {  	(v2sf) =	vpush v4, $0x0  }
0xe8: {  	(v2sf) =	vpush v5, $0x0  }
0xe9: {  	(v2sf) =	vpush v3, $0x0;
	_ =	sdelay $0xc  }
0xea: {  	s24 =	spop (v2sf)  }
0xeb: {  	s26 =	spop (v2sf)  }
0xec: {  	s25 =	spop (v2sf)  }
0xed: {  	p2 =	seq.s32 s24, s26;
	p3 =	seq.s32 s25, s24  }
0xee: {  	p3 =	por p2, p3  }
0xef: {  	v4 =	vpsel p3, $0xFFFFFFFF, v4  }
0xf0: {  	s24 =	sand.u32 $0x1, s21;
	[tilespmem:s23+$0x10] =	vst.msk $0x1, v4  }
0xf1: {  	s26 =	sshll.u32 s24, $0xD;
	v4 =	vld [tilespmem:$0x30]  }
0xf2: {  	v5 =	vld [tilespmem:s26+$0xA100]  }
0xf3: {  	v6 =	vld [tilespmem:s23+$0x40];
	_ =	sdelay $0x3  }
0xf4: {  	vm4 =	vmmov vm1;
	v5 =	vadd.f32 v5, v4  }
0xf5: {  	vm5 =	vmmov vm2;
	vm4 =	vmmov @p2 vm2;
	s24 =	sshll.u32 s24, $0x4;
	v4 =	vadd.f32 v6, v4  }
0xf6: {  	vm5 =	vmmov @p3 vm1;
	s24 =	sor.u32 $0x12100, s24;
	[tilespmem:s26+$0xA100] =	vst.msk vm4, v5  }
0xf7: {  	[tilespmem:s24+$0x0] =	vst.msk vm5, v4  }
0xf8: {  	v4 =	vld [tilespmem:s26+$0x80F0];
	_ =	sdelay $0x3  }
0xf9: {  	v5 =	vimm.f32 $0.0e+00  }
0xfa: {  	v4 =	vshift.insert v4, v5, s19  }
0xfb: {  	s28 =	sor.u32 $0x40, s29  }
0xfc: {  	[tilespmem:s28+$0x0] =	vst.msk $0x1, v4  }
0xfd: {  	[tilespmem:s26+$0x80FF] =	vst.msk $0x1, v5  }
0xfe: {  	v4 =	vld [tilespmem:s0+$0x20F0];
	_ =	sdelay $0x1  }
0xff: {  	s0 =	smulhi.u32 $0xAAAAAAAB, s18;
	_ =	sdelay $0x1  }
0x100: {  	s28 =	simm.s32 $0x1;
	s0 =	sshrl.u32 s0, $0x1  }
0x101: {  	s28 =	simm.s32 @!p0 $0x0;
	s0 =	smul.u32 $0xFFFE8000, s0;
	v4 =	vshift.insert v4, v1, s19  }
0x102: {  	s30 =	sshll.u32 s28, $0xD  }
0x103: {  	s28 =	sadd.s32 $0xA100, s30;
	s0 =	sshra.s32 s0, $0x2;
	[tilespmem:s29+$0x10] =	vst.msk $0x1, v4  }
0x104: {  	s0 =	sadd.s32 s0, s17;
	v6 =	vld [tilespmem:s28+$0x0]  }
0x105: {  	v7 =	vld [tilespmem:s0+$0x0];
	_ =	sdelay $0x3  }
0x106: {  	v5 =	vadd.f32 v6, v5  }
0x107: {  	vm4 =	vne.s32 v7, $0xFFFFFFFF  }
0x108: {  	(xrf2) =	vadd.seg.scan.f32 vm4, v5;
	_ =	sdelay $0x3  }
0x109: {  	s29 =	sadd.s32 $0x6100, s30;
	v5 =	vperm.xlane v4, v1  }
0x10a: {  	v6 =	vld [tilespmem:s29+$0x0]  }
0x10b: {  	vm5 =	veq.s32 v7, v3;
	vm6 =	veq.s32 v7, v5  }
0x10c: {  	vm7 =	vgt.u32 v7, $0xFFFFFFFD;
	vm6 =	vmor vm6, vm5  }
0x10d: {  	vm6 =	vmor vm6, vm7  }
0x10e: {  	v9 =	vld [tilespmem:$0xA0];
	v7 =	vsel vm6, $0xFFFFFFFF, v7  }
0x10f: {  	v10 =	vld [tilespmem:$0x90];
	v6 =	vsel vm5, $0x0, v6;
	v8, _, _ =	vpop (xrf2)  }
0x110: {  	v6 =	vadd.f32 v8, v6  }
0x111: {  	s30 =	sadd.s32 $0xE100, s30  }
0x112: {  	vm4 =	vmand vm4, vm3;
	[tilespmem:s30+$0x0] =	vst v6;
	(ifvalue) =	ssetifvalue $0xFFFFFFFF  }
0x113: {  	vm6 =	veq.s32 v9, $0x1;
	[hbm4b:s1+s14] =	stream.indirect_vreg.scatter [tilespmem:s30], [sflag:$0x2], $0x1, v7, vm0, $0x4038;
	v7 =	vsel vm4, $0x0, v8;
	[tilespmem:$0x12120] =	vst v63  }
0x114: {  	s31 =	simm.s32 $0x0;
	s0 =	sadd.s32 $0x10, s0;
	vm4 =	vmor vm6, vm5;
	v6 =	vsel vm5, v8, v10;
	v7 =	vshift.insert v7, v0, s19  }
.LBB3_8:
0x115: {  	v8 =	vld [tilespmem:s0+$0x0];
	s28 =	sadd.s32 $0x10, s28  }
0x116: {  	s29 =	sadd.s32 $0x10, s29;
	v9 =	vld [tilespmem:s28+$0x0]  }
0x117: {  	s31 =	sadd.s32 $0x10, s31;
	v10 =	vld [tilespmem:s29+$0x0]  }
0x118: {  	p2 =	slt.u32 s31, $0x1FF0;
	_ =	sdelay $0x2  }
0x119: {  	v7 =	vadd.f32 v9, v7  }
0x11a: {  	vm5 =	vne.s32 v8, $0xFFFFFFFF  }
0x11b: {  	vm6 =	vmand vm5, vm3;
	(xrf2) =	vadd.seg.scan.f32 vm5, v7;
	_ =	sdelay $0x5  }
0x11c: {  	vm7 =	veq.s32 v8, v5;
	vm5 =	veq.s32 v8, v3  }
0x11d: {  	vm8 =	vgt.u32 v8, $0xFFFFFFFD;
	vm4 =	vmor vm4, vm5;
	vm7 =	vmor vm7, vm5  }
0x11e: {  	vm7 =	vmor vm7, vm8  }
0x11f: {  	v8 =	vsel vm7, $0xFFFFFFFF, v8  }
.Ltmp11:
0x120: {  	v7 =	vsel vm5, $0x0, v10;
	v9, _, _ =	vpop (xrf2);
	(pc) =	sbr.rel @p2 .LBB3_8-.Ltmp11, $4  }
0x121: {  	v6 =	vsel vm5, v9, v6;
	v10 =	vadd.f32 v9, v7;
	v7 =	vsel vm6, $0x0, v9  }
0x122: {  	s30 =	sadd.s32 $0x10, s30;
	v7 =	vshift.insert v7, v0, s19  }
0x123: {  	s0 =	sadd.s32 $0x10, s0;
	[tilespmem:s30+$0x0] =	vst v10;
	(ifvalue) =	ssetifvalue $0xFFFFFFFF  }
0x124: {  	[hbm4b:s1+s14] =	stream.indirect_vreg.scatter [tilespmem:s30], [sflag:$0x2], $0x1, v8, vm0, $0x4038;
	[tilespmem:$0x12120] =	vst v63  }
0x125: {  	v3 =	vld [tilespmem:s26+$0x100F0];
	_ =	sdelay $0x4  }
0x126: {  	v3 =	vshift.insert v3, v0, s19;
	_ =	sdelay $0x1  }
0x127: {  	[tilespmem:s20+$0x0] =	vst.msk $0x1, v3  }
0x128: {  	v3 =	vsel vm4, $0x1, v1;
	[tilespmem:$0x90] =	vst v6  }
0x129: {  	s0 =	sadd.s32 @!p1 $0x100FF, s26;
	[tilespmem:$0xA0] =	vst v3  }
0x12a: {  	[spmem:s12] =	stream.linear.scatter @!p1 [tilespmem:s0], [sflag:$0x1], $0x1, $0x38;
	[tilespmem:$0x12120] =	vst v63  }
0x12b: {  	s0 =	simm.s32 @!p1 $0x1  }
0x12c: {  	v3 =	vmctz.xlane @!p1 vm4;
	_ =	swait.ge @!p1 [sflag:s0], $0x1  }
0x12d: {  	(v2sf) =	vpush @!p1 v4, $0x0  }
0x12e: {  	(v2sf) =	vpush @!p1 v3, $0x0;
	_ =	sdelay $0xd  }
0x12f: {  	s26 =	spop @!p1 (v2sf)  }
0x130: {  	s28 =	spop @!p1 (v2sf)  }
0x131: {  	p2 =	sne.s32 @!p1 s25, s26;
	p3 =	slt.s32 @!p1 s28, $0xF  }
0x132: {  	[sflag:s0] =	ssyncset.done @!p1 $0x0;
	p2 =	por p2, p1;
	p3 =	por !p3, p1  }
0x133: {  	[sflag:s0] =	ssyncadd.s32 @!p1 $0xFFFFFFFF;
	v3 =	vimm.s32 @!p2 $0xFFFFFFFF;
	s28 =	simm.s32 @p3 $0xF  }
0x134: {  	[tilespmem:$0x80] =	vst @!p2 v3;
	s25 =	sadd.s32 @!p1 $0x90, s28  }
0x135: {  	[spmem:s9] =	stream.linear.scatter @!p1 [tilespmem:s25], [sflag:$0x1], $0x1, $0x38;
	[tilespmem:$0x12120] =	vst v63  }
0x136: {  	_ =	swait.ge @!p1 [sflag:s0], $0x1  }
0x137: {  	[sflag:s0] =	ssyncset.done @!p1 $0x0  }
0x138: {  	s25 =	simm.s32 @!p1 $0x80;
	[sflag:s0] =	ssyncadd.s32 @!p1 $0xFFFFFFFF  }
0x139: {  	[spmem:s13] =	stream.linear.scatter @!p1 [tilespmem:s25], [sflag:$0x1], $0x1, $0x38;
	[tilespmem:$0x12120] =	vst v63  }
0x13a: {  	_ =	swait.ge @!p1 [sflag:s0], $0x1  }
0x13b: {  	[sflag:s0] =	ssyncset.done @!p1 $0x0  }
0x13c: {  	[sflag:s0] =	ssyncadd.s32 @!p1 $0xFFFFFFFF;
	(ifvalue) =	ssetifvalue $0xFFFFFFFF;
	v3 =	vld [tilespmem:s23+$0x10];
	_ =	sdelay $0x3  }
.Ltmp12:
0x13d: {  	_ = 	snop;
	(pc) =	sbr.rel .LBB3_10-.Ltmp12, $3  }
0x13e: {  	_ =	sdelay $0x1  }
0x13f: {  	(ifvalue) =	ssetifvalue $0xFFFFFFFF  }
0x140: {  	[hbm4b:s1+s14] =	stream.indirect_vreg.scatter [tilespmem:s24], [sflag:$0x9], $0x1, v3, vm0, $0x4038;
	[tilespmem:$0x12120] =	vst v63  }
.LBB3_11:
0x141: {  	_ =	sfence.sel $0x180000  }
0x142: {  	s0 =	simm.s32 $0x7;
	[bflag:$0x0] =	sbarrier.arrive $0xFFFF  }
0x143: {  	s26 =	simm.s32 $0x8;
	[sflag:s0] =	ssyncpa.u1 $0x1  }
0x144: {  	s28 =	simm.s32 $0x9;
	[sflag:s26] =	ssyncpa.u1 $0x1  }
0x145: {  	[sflag:s28] =	ssyncpa.u1 $0x1  }
0x146: {  	_ =	sfence.stream.spmem  }
0x147: {  	s29 =	simm.s32 $0x3;
	[bflag:$0x0] =	sbarrier.arrive $0xFFFF  }
0x148: {  	s30 =	simm.s32 $0x4;
	[sflag:s29] =	ssyncpa.u1 $0x1  }
0x149: {  	s31 =	simm.s32 $0x3C;
	[sflag:s30] =	ssyncpa.u1 $0x1  }
0x14a: {  	p0 =	sne.s32 s3, $0x0;
	[sflag:s31] =	ssyncpa.u1 $0x1  }
0x14b: {  	s0 =	simm.s32 @p0 $0x1;
	_ =	sfence @p0  }
0x14c: {  	[sflag:s0] =	ssyncpa.u1 @p0 $0x1;
	s0 =	simm.s32 @p0 $0x2  }
0x14d: {  	[sflag:s0] =	ssyncpa.u1 @p0 $0x1  }
0x14e: {  	_ =	strace @p0 $0x90000056  }
0x14f: {  	[bflag:$0x2] =	sbarrier.arrive @p0 $0xFFFF  }
0x150: {  	_ =	shalt @p0  }
.LBB3_12:
0x151: {  	_ =	sfence.stream.spmem;
	s0 =	simm.s32 $0x5  }
0x152: {  	s2 =	simm.s32 $0x80;
	s3 =	simm.s32 $0xC0;
	[sflag:s0] =	ssyncpa.u1 $0x0  }
0x153: {  	[tilespmem:s3], [sflag:$0x5] =	stream.linear.gather [spmem:s2], $0x20, $0x38;
	[tilespmem:$0x12120] =	vst v63  }
0x154: {  	s2 =	simm.s32 $0x0;
	s3 =	simm.s32 $0xE0  }
0x155: {  	[tilespmem:s3], [sflag:$0x5] =	stream.linear.gather [spmem:s2], $0x20, $0x38;
	[tilespmem:$0x12120] =	vst v63  }
.Ltmp13:
0x156: {  	_ = 	snop;
	(pc) =	sbr.rel .LBB3_13-.Ltmp13, $4  }
0x157: {  	_ =	swait.ge [sflag:s0], $0x40  }
0x158: {  	[sflag:s0] =	ssyncset.done $0x0  }
0x159: {  	s31 =	simm.s32 $0x6;
	[sflag:s0] =	ssyncadd.s32 $0xFFFFFFC0  }
0x15a: {  	s4 =	simm.s32 $0x0;
	[sflag:s31] =	ssyncpa.u1 $0x0  }
.LBB3_18:
0x15b: {  	p0 =	sgt.u32 s5, $0x257FFF  }
0x15c: {  	s0 =	sshrl.u32 @!p0 s5, $0x3  }
0x15d: {  	s5 =	sand.u32 @!p0 $0x7, s5;
	s6 =	simm.s32 @!p0 $0xB0;
	s0 =	sadd.s32 @!p0 s1, s0  }
0x15e: {  	[tilespmem:s6], [sflag:$0x6] =	stream.linear.gather @!p0 [hbm4b:s0+s5], $0x1, $0x38;
	[tilespmem:$0x12120] =	vst v63  }
0x15f: {  	s0 =	simm.s32 @!p0 $0x6  }
0x160: {  	_ =	swait.ge @!p0 [sflag:s0], $0x1  }
0x161: {  	[sflag:s0] =	ssyncset.done @!p0 $0x0  }
0x162: {  	[sflag:s0] =	ssyncadd.s32 @!p0 $0xFFFFFFFF  }
0x163: {  	v2 =	vmov @!p0 s4;
	v1 =	vld.msk @!p0 [tilespmem:$0xB0], $0x1;
	_ =	sdelay $0x3  }
0x164: {  	s0 =	simm.s32 @!p0 $0xE0  }
0x165: {  	[tilespmem:v2+s0+$0x0], v1 =	vst.idx.ret.add.f32.msk @!p0 $0x1, v1  }
0x166: {  	[tilespmem:s2+$0xC0] =	vst.msk $0x1, v0  }
0x167: {  	v0 =	vld.msk [tilespmem:s4+$0xE0], $0x1;
	_ =	sdelay $0x4  }
0x168: {  	[tilespmem:s2+$0xE0] =	vst.msk $0x1, v0;
	s2 =	sadd.s32 $0x1, s2  }
.LBB3_20:
0x169: {  	s4 =	sadd.s32 $0x1, s4  }
0x16a: {  	p0 =	sne.s32 s4, $0x20  }
.Ltmp14:
0x16b: {  	_ = 	snop;
	(pc) =	sbr.rel @!p0 .LBB3_21-.Ltmp14, $1  }
0x16c: {  	_ =	sdelay $0x3  }
.LBB3_13:
0x16d: {  	v0 =	vld.msk [tilespmem:s4+$0xC0], $0x1;
	_ =	sdelay $0x4  }
0x16e: {  	(v2sf) =	vpush v0, $0x0;
	_ =	sdelay $0xe  }
0x16f: {  	s5 =	spop (v2sf)  }
0x170: {  	p0 =	seq.s32 s5, $0xFFFFFFFF  }
.Ltmp15:
0x171: {  	_ = 	snop;
	(pc) =	sbr.rel @p0 .LBB3_20-.Ltmp15, $1  }
0x172: {  	_ =	sdelay $0x3  }
0x173: {  	p0 =	slt.s32 s2, $0x1  }
.Ltmp16:
0x174: {  	_ = 	snop;
	(pc) =	sbr.rel @p0 .LBB3_18-.Ltmp16, $1  }
0x175: {  	_ =	sdelay $0x3  }
0x176: {  	s6 =	simm.s32 $0xC0;
	p0 =	por $0x0, $0x0  }
0x177: {  	v1 =	vld.msk @!p0 [tilespmem:s6+$0x0], $0x1;
	_ =	sdelay $0x4  }
0x178: {  	(v2sf) =	vpush @!p0 v1, $0x0;
	_ =	sdelay $0xd  }
0x179: {  	p2 =	sne.s32 s2, $0x1  }
.Ltmp17:
0x17a: {  	s0 =	spop @!p0 (v2sf);
	(pc) =	sbr.rel @!p2 .LBB3_17-.Ltmp17, $4  }
0x17b: {  	p1 =	seq.s32 @!p0 s5, s0  }
0x17c: {  	s0 =	simm.s32 $0x0;
	p1 =	por !p1, p0  }
0x17d: {  	s8 =	simm.s32 $0xFFFFFFFF;
	s0 =	simm.s32 @p1 $0xFFFFFFFF  }
0x17e: {  	s7 =	simm.s32 $0x1;
	s0 =	smov.u32 @p0 s8  }
.LBB3_16:
0x17f: {  	s8 =	smov.u32 s0;
	p0 =	sne.s32 s0, $0xFFFFFFFF  }
0x180: {  	s6 =	sadd.s32 $0x1, s6;
	s0 =	smov.u32 s7;
	s7 =	sadd.s32 $0x1, s7  }
0x181: {  	p1 =	sne.s32 s2, s7;
	v1 =	vld.msk @!p0 [tilespmem:s6+$0x0], $0x1;
	_ =	sdelay $0x4  }
0x182: {  	(v2sf) =	vpush @!p0 v1, $0x0;
	_ =	sdelay $0xe  }
.Ltmp18:
0x183: {  	s9 =	spop @!p0 (v2sf);
	(pc) =	sbr.rel @p1 .LBB3_16-.Ltmp18, $4  }
0x184: {  	p2 =	seq.s32 @!p0 s5, s9  }
0x185: {  	p2 =	por !p2, p0  }
0x186: {  	s0 =	simm.s32 @p2 $0xFFFFFFFF  }
0x187: {  	s0 =	smov.u32 @p0 s8  }
.LBB3_17:
0x188: {  	p0 =	sne.s32 s0, $0xFFFFFFFF  }
.Ltmp19:
0x189: {  	_ = 	snop;
	(pc) =	sbr.rel @!p0 .LBB3_18-.Ltmp19, $1  }
0x18a: {  	_ =	sdelay $0x3  }
0x18b: {  	v0 =	vld.msk [tilespmem:s4+$0xE0], $0x1;
	v1 =	vmov s0  }
.Ltmp20:
0x18c: {  	_ = 	snop;
	(pc) =	sbr.rel .LBB3_20-.Ltmp20, $2  }
0x18d: {  	_ =	sdelay $0x2  }
0x18e: {  	[tilespmem:v1+s3+$0x0], v0 =	vst.idx.ret.add.f32.msk $0x1, v0  }
.LBB3_21:
0x18f: {  	p0 =	slt.s32 s2, $0x1  }
.Ltmp21:
0x190: {  	_ = 	snop;
	(pc) =	sbr.rel @p0 .LBB3_25-.Ltmp21, $3  }
0x191: {  	_ =	sdelay $0x1  }
0x192: {  	s0 =	simm.s32 $0x6  }
0x193: {  	s3 =	simm.s32 $0x0;
	[sflag:s0] =	ssyncpa.u1 $0x1  }
0x194: {  	s0 =	simm.s32 $0xC0  }
0x195: {  	v0 =	vld.msk [tilespmem:s0+$0x0], $0x1;
	_ =	sdelay $0x4  }
0x196: {  	(v2sf) =	vpush v0, $0x0;
	_ =	sdelay $0xe  }
0x197: {  	s2 =	sadd.s32 $0xFFFFFFFF, s2;
	s4 =	spop (v2sf)  }
0x198: {  	p1 =	sne.s32 s2, $0x0;
	p0 =	sgt.u32 s4, $0x257FFF  }
.Ltmp22:
0x199: {  	s5 =	sshrl.u32 @!p0 s4, $0x3;
	(pc) =	sbr.rel @!p1 .LBB3_24-.Ltmp22, $4  }
0x19a: {  	s0 =	simm.s32 $0xE0;
	s4 =	sand.u32 @!p0 $0x7, s4;
	s5 =	sadd.s32 @!p0 s1, s5  }
0x19b: {  	[hbm4b:s5+s4] =	stream.linear.scatter @!p0 [tilespmem:s0], [sflag:$0x5], $0x1, $0x38;
	[tilespmem:$0x12120] =	vst v63  }
0x19c: {  	s5 =	simm.s32 $0x0  }
0x19d: {  	s4 =	simm.s32 $0xC1;
	s5 =	simm.s32 @!p0 $0x4  }
.LBB3_23:
0x19e: {  	v0 =	vld.msk [tilespmem:s4+$0x0], $0x1;
	s2 =	sadd.s32 $0xFFFFFFFF, s2;
	s3 =	sadd.s32 s3, s5  }
0x19f: {  	p0 =	sne.s32 s2, $0x0;
	_ =	sdelay $0x3  }
0x1a0: {  	(v2sf) =	vpush v0, $0x0;
	_ =	sdelay $0xe  }
.Ltmp23:
0x1a1: {  	s6 =	spop (v2sf);
	(pc) =	sbr.rel @p0 .LBB3_23-.Ltmp23, $4  }
0x1a2: {  	s5 =	simm.s32 $0x0;
	p1 =	sgt.u32 s6, $0x257FFF  }
0x1a3: {  	s0 =	sadd.s32 $0x1, s0;
	s5 =	simm.s32 @!p1 $0x4;
	s7 =	sshrl.u32 @!p1 s6, $0x3  }
0x1a4: {  	s4 =	sadd.s32 $0x1, s4;
	s6 =	sand.u32 @!p1 $0x7, s6;
	s7 =	sadd.s32 @!p1 s1, s7  }
0x1a5: {  	[hbm4b:s7+s6] =	stream.linear.scatter @!p1 [tilespmem:s0], [sflag:$0x5], $0x1, $0x38;
	[tilespmem:$0x12120] =	vst v63  }
.LBB3_24:
0x1a6: {  	s0 =	sadd.s32 s3, s5  }
0x1a7: {  	s3 =	sshrl.u32 s0, $0x2  }
.LBB3_25:
0x1a8: {  	s0 =	simm.s32 $0x5  }
0x1a9: {  	_ =	swait.ge [sflag:s0], s3  }
0x1aa: {  	s1 =	ssub.s32 $0x0, s3;
	[sflag:s0] =	ssyncset.done $0x0  }
0x1ab: {  	[sflag:s0] =	ssyncadd.s32 s1  }
0x1ac: {  	[sflag:s0] =	ssyncpa.u1 $0x1  }
0x1ad: {  	s29 =	simm.s32 $0x1;
	_ =	sfence  }
0x1ae: {  	s30 =	simm.s32 $0x2;
	[sflag:s29] =	ssyncpa.u1 $0x1  }
0x1af: {  	[sflag:s30] =	ssyncpa.u1 $0x1  }
0x1b0: {  	_ =	strace $0x90000056  }
0x1b1: {  	[bflag:$0x2] =	sbarrier.arrive $0xFFFF  }
0x1b2: {  	s31 =	rddreg [dreg:$0x1]  }
0x1b3: {  	s0 =	sadd.s32 $0x100000, s31  }
0x1b4: {  	[sflag:s0] =	ssyncadd.tile.s32 $0x1;
	_ =	shalt  }
.Lfunc_end3:
_tile_overlayer_lowered:
.L_overlay_start_3:
0x1b5: {  	(tag) =	ssettag $0x3  }
0x1b6: {  	s0 =	rddreg [dreg:$0x0];
	s2 =	stileid.u32  }
0x1b7: {  	s1 =	rddreg [dreg:$0x1];
	p0 =	sne.s32 s2, $0x0  }
0x1b8: {  	s3 =	rddreg [dreg:$0x2];
	[bflag:$0x3] =	sbarrier.arrive $0xFFFF;
	s2 =	simm.s32 @!p0 $0x1C01  }
0x1b9: {  	[timem:s3], [sflag:s2] =	dma.local @!p0 [hbm:s0], s1  }
0x1ba: {  	s0 =	simm.s32 @!p0 $0x1  }
0x1bb: {  	_ =	swait.ge @!p0 [sflag:s0], s1  }
0x1bc: {  	s1 =	ssub.s32 @!p0 $0x0, s1;
	[sflag:s0] =	ssyncset.done @!p0 $0x0  }
0x1bd: {  	[sflag:s0] =	ssyncadd.s32 @!p0 s1  }
0x1be: {  	[bflag:$0x3] =	sbarrier.arrive $0xFFFF  }
0x1bf: {  	_ =	shalt  }

// kernel: scatter_offload_async_start
scs
__scs_entry_jumppad:
0x0: {  	(pc) =	sbr.rel $0x88, $3  }
0x1: {  	(tag) =	ssettag $0x0;
	lr =	simm.s32 $0x1  }
0x2: {  	[smem:$0x3F9F] =	sst lr;
	_ =	strace $0xD0000000  }
0x3: {  	_ = 	snop  }
0x4: {  	_ = 	snop  }
0x5: {  	_ = 	snop  }
0x6: {  	_ = 	snop  }
0x7: {  	_ = 	snop  }
__scs_overlays_trampoline_lowered:
0x8: {  	[smem:$0x3FAE] =	sst s0  }
0x9: {  	[smem:$0x3FAF] =	sst s1  }
0xa: {  	[smem:$0x3FB0] =	sst s2  }
0xb: {  	[smem:$0x3FB1] =	sst s3  }
0xc: {  	[smem:$0x3FB2] =	sst s4  }
0xd: {  	[smem:$0x3FB3] =	sst s5  }
0xe: {  	[smem:$0x3FB4] =	sst s6  }
0xf: {  	[smem:$0x3FB5] =	sst s7  }
0x10: {  	[smem:$0x3FB6] =	sst s8  }
0x11: {  	[smem:$0x3FB7] =	sst s9;
	s0 =	simm.s32 @!p0 $0x0  }
0x12: {  	s1 =	sld [smem:$0x3F9D];
	s0 =	simm.s32 @p0 $0x1  }
0x13: {  	[smem:$0x3FB8] =	sst s0;
	s0 =	simm.s32 @!p1 $0x0  }
0x14: {  	s2 =	sld [smem:$0x3F9C];
	s0 =	simm.s32 @p1 $0x1  }
0x15: {  	[smem:$0x3FB9] =	sst s0;
	s0 =	simm.s32 @!p2 $0x0  }
0x16: {  	s3 =	sld [smem:$0x3FDB];
	s0 =	simm.s32 @p2 $0x1  }
0x17: {  	s4 =	simm.s32 $0x1BF5;
	[smem:$0x3FBB] =	sst s0  }
0x18: {  	s0 =	sld [smem:$0x3F9E];
	_ =	swait.ge [sflag:s4], $0x0  }
0x19: {  	s7 =	sld [smem:$0x3F9F]  }
0x1a: {  	s8 =	sadd.s32 $0xFFFFE003, lr  }
0x1b: {  	s9 =	sadd.s32 $0xFFFFFEF7, lr;
	s5 =	simm.s32 $0xFFFFFFFF;
	p2 =	slt.u32 s8, $0xFFFFF086  }
0x1c: {  	p1 =	slt.u32 s9, $0xF7A;
	s5 =	simm.s32 @!p2 $0x0  }
0x1d: {  	s5 =	simm.s32 @p1 $0x1;
	p0 =	seq.s32 s7, s2  }
0x1e: {  	s7 =	smul.u32 @!p0 $0xF7A, s2;
	p2 =	seq.s32 @!p0 s5, $0x0  }
0x1f: {  	s9 =	smul.u32 $0xF7A, s1;
	s8 =	simm.s32 @!p0 $0x1BF5;
	p2 =	por !p2, p0  }
0x20: {  	[sflag:s8] =	ssyncset.s32 @!p0 $0xFFFFF086;
	s6 =	sadd.s32 @!p0 s3, s7;
	s7 =	simm.s32 @!p0 $0x108  }
0x21: {  	s3 =	sadd.s32 s3, s9;
	s6 =	sadd.s32 @!p0 $0x88, s6;
	s7 =	simm.s32 @p2 $0x1082  }
0x22: {  	[simem:s7], [sflag:s8] =	dma.local @!p0 [hbm:s6], $0xF7A  }
0x23: {  	s9 =	sor.u32 $0xD0000000, s2;
	s6 =	simm.s32 $0x108;
	_ =	swait.ge @!p0 [sflag:s8], $0x0  }
0x24: {  	s3 =	sadd.s32 $0x88, s3;
	s6 =	simm.s32 @!p1 $0x1082;
	[sflag:s4] =	ssyncset.s32 $0xFFFFF086  }
0x25: {  	[simem:s6], [sflag:s4] =	dma.local [hbm:s3], $0xF7A  }
0x26: {  	[smem:$0x3F9F] =	sst s1;
	(tag) =	ssettag s2;
	_ =	strace s9  }
0x27: {  	s1 =	sld [smem:$0x3FAF]  }
0x28: {  	s2 =	sld [smem:$0x3FB0]  }
0x29: {  	s4 =	sld [smem:$0x3FB2]  }
0x2a: {  	p0 =	seq.s32 s5, $0x0;
	s5 =	sld [smem:$0x3FB3]  }
0x2b: {  	s6 =	sld [smem:$0x3FB4]  }
0x2c: {  	s7 =	sld [smem:$0x3FB5]  }
0x2d: {  	s3 =	simm.s32 $0x108;
	s8 =	sld [smem:$0x3FB6]  }
0x2e: {  	s3 =	simm.s32 @!p0 $0x1082;
	s9 =	sld [smem:$0x3FB7]  }
0x2f: {  	lr =	sadd.s32 s0, s3;
	s0 =	sld [smem:$0x3FAE]  }
0x30: {  	s3 =	sld [smem:$0x3FB1]  }
0x31: {  	[smem:$0x3FBA] =	sst s10  }
0x32: {  	s10 =	sld [smem:$0x3FB8];
	_ =	sdelay $0x3  }
0x33: {  	p0 =	seq.s32 s10, $0x1;
	s10 =	sld [smem:$0x3FBA];
	_ =	sdelay $0x3  }
0x34: {  	[smem:$0x3FBA] =	sst s10  }
0x35: {  	s10 =	sld [smem:$0x3FB9];
	_ =	sdelay $0x3  }
0x36: {  	p1 =	seq.s32 s10, $0x1;
	s10 =	sld [smem:$0x3FBA];
	_ =	sdelay $0x3  }
0x37: {  	[smem:$0x3FBA] =	sst s10  }
0x38: {  	s10 =	sld [smem:$0x3FBB]  }
0x39: {  	_ = 	snop;
	(pc) =	sbr.ind lr, $3  }
0x3a: {  	_ = 	snop  }
0x3b: {  	_ = 	snop  }
0x3c: {  	p2 =	seq.s32 s10, $0x1;
	s10 =	sld [smem:$0x3FBA]  }
0x3d: {  	_ =	shalt  }
0x3e: {  	_ =	shalt  }
0x3f: {  	_ =	shalt  }
0x40: {  	_ =	shalt  }
0x41: {  	_ =	shalt  }
0x42: {  	_ =	shalt  }
0x43: {  	_ =	shalt  }
0x44: {  	_ =	shalt  }
0x45: {  	_ =	shalt  }
0x46: {  	_ =	shalt  }
0x47: {  	_ =	shalt  }
0x48: {  	_ =	shalt  }
0x49: {  	_ =	shalt  }
0x4a: {  	_ =	shalt  }
0x4b: {  	_ =	shalt  }
0x4c: {  	_ =	shalt  }
0x4d: {  	_ =	shalt  }
0x4e: {  	_ =	shalt  }
0x4f: {  	_ =	shalt  }
0x50: {  	_ =	shalt  }
0x51: {  	_ =	shalt  }
0x52: {  	_ =	shalt  }
0x53: {  	_ =	shalt  }
0x54: {  	_ =	shalt  }
0x55: {  	_ =	shalt  }
0x56: {  	_ =	shalt  }
0x57: {  	_ =	shalt  }
0x58: {  	_ =	shalt  }
0x59: {  	_ =	shalt  }
0x5a: {  	_ =	shalt  }
0x5b: {  	_ =	shalt  }
0x5c: {  	_ =	shalt  }
0x5d: {  	_ =	shalt  }
0x5e: {  	_ =	shalt  }
0x5f: {  	_ =	shalt  }
0x60: {  	_ =	shalt  }
0x61: {  	_ =	shalt  }
0x62: {  	_ =	shalt  }
0x63: {  	_ =	shalt  }
0x64: {  	_ =	shalt  }
0x65: {  	_ =	shalt  }
0x66: {  	_ =	shalt  }
0x67: {  	_ =	shalt  }
0x68: {  	_ =	shalt  }
0x69: {  	_ =	shalt  }
0x6a: {  	_ =	shalt  }
0x6b: {  	_ =	shalt  }
0x6c: {  	_ =	shalt  }
0x6d: {  	_ =	shalt  }
0x6e: {  	_ =	shalt  }
0x6f: {  	_ =	shalt  }
0x70: {  	_ =	shalt  }
0x71: {  	_ =	shalt  }
0x72: {  	_ =	shalt  }
0x73: {  	_ =	shalt  }
0x74: {  	_ =	shalt  }
0x75: {  	_ =	shalt  }
0x76: {  	_ =	shalt  }
0x77: {  	_ =	shalt  }
0x78: {  	_ =	shalt  }
0x79: {  	_ =	shalt  }
0x7a: {  	_ =	shalt  }
0x7b: {  	_ =	shalt  }
0x7c: {  	_ =	shalt  }
0x7d: {  	_ =	shalt  }
0x7e: {  	_ =	shalt  }
0x7f: {  	_ =	shalt  }
0x80: {  	_ =	shalt  }
0x81: {  	_ =	shalt  }
0x82: {  	_ =	shalt  }
0x83: {  	_ =	shalt  }
0x84: {  	_ =	shalt  }
0x85: {  	_ =	shalt  }
0x86: {  	_ =	shalt  }
0x87: {  	_ =	shalt  }
.Lfunc_end0:
.L_simem_size_0:
called_computation_lowered:
.L_overlay_start_0:
0x88: {  	s0 =	sld [smem:$0x3FD9]  }
0x89: {  	s1 =	sld [smem:$0x3FFE];
	_ =	sdelay $0x3  }
0x8a: {  	s0 =	sadd.s32 s1, s0  }
0x8b: {  	[smem:$0x3FC6] =	sst s0  }
0x8c: {  	_ = 	snop  }
0x8d: {  	s14 =	sld [smem:$0x3FD0];
	(tm) =	ssettm $0x1  }
0x8e: {  	s15 =	sld [smem:$0x3FFB];
	_ =	sdelay $0x3  }
0x8f: {  	_ =	strace s15  }
0x90: {  	s0 =	sld [smem:$0x3FFC];
	_ =	sdelay $0x3  }
0x91: {  	_ =	strace s0  }
0x92: {  	s0 =	sld [smem:$0x3FFD];
	_ =	sdelay $0x3  }
0x93: {  	_ =	strace s0  }
0x94: {  	_ =	strace $0x8FFFFFFF  }
0x95: {  	s16 =	sld [smem:$0x3FDB];
	_ =	sdelay $0x1  }
0x96: {  	s2 =	simm.s32 $_scs_section_size  }
0x97: {  	s3 =	simm.s32 $_size__tile_overlayer_lowered;
	s4 =	simm.s32 $_tile_overlayer_lowered  }
0x98: {  	s5 =	simm.s32 $0x1BFF;
	s17 =	sshll.u32 s4, $0x1;
	s2 =	sadd.s32 s2, s16  }
0x99: {  	s18 =	simm.s32 $0x0;
	s3 =	sshll.u32 s3, $0x1;
	s4 =	sadd.s32 s17, s2  }
0x9a: {  	[timem:s18], [sflag:s5] =	dma.local [hbm:s4], s3  }
0x9b: {  	_ =	swait.ge [sflag:s5], s3  }
0x9c: {  	s3 =	ssub.s32 $0x0, s3;
	[sflag:s5] =	ssyncset.done $0x0  }
0x9d: {  	[sflag:s5] =	ssyncadd.s32 s3;
	_ =	sdelay $0x1  }
0x9e: {  	s19 =	simm.s32 $0x1B8B  }
0x9f: {  	_ =	swait.ge [sflag:s19], $0x1  }
0xa0: {  	[sflag:s19] =	ssyncset.done $0x0  }
0xa1: {  	s21 =	simm.s32 $0x1B8E;
	s20 =	sld [smem:$0x3FFE];
	[sflag:s19] =	ssyncadd.s32 $0xFFFFFFFF  }
0xa2: {  	s22 =	simm.s32 $execute0_lowered;
	[smem:$0x3FD2] =	sst s21  }
0xa3: {  	s4 =	sshll.u32 s22, $0x1;
	_ =	strace $0x80000058;
	[dreg:$0x1] =	wrdreg $0xFFFFFFFF  }
0xa4: {  	s23 =	simm.s32 $_size_execute0_lowered;
	s4 =	sadd.s32 s2, s4;
	[dreg:$0x0] =	wrdreg $0x0  }
0xa5: {  	s5 =	sshll.u32 s23, $0x1;
	[dreg:$0x2] =	wrdreg s4  }
0xa6: {  	[dreg:$0x3] =	wrdreg s5  }
0xa7: {  	[dreg:$0x4] =	wrdreg $0xC0  }
0xa8: {  	s24 =	simm.s32 $execute1_lowered;
	_ =	task [dreg:s18], $0x5FFFF  }
0xa9: {  	s4 =	sshll.u32 s24, $0x1;
	[dreg:$0x1] =	wrdreg $0xFFFFFFFF  }
0xaa: {  	s2 =	sadd.s32 s2, s4;
	[dreg:$0x0] =	wrdreg $0x60  }
0xab: {  	[dreg:$0x2] =	wrdreg s2  }
0xac: {  	[dreg:$0x3] =	wrdreg s14  }
0xad: {  	[dreg:$0x4] =	wrdreg s20  }
0xae: {  	[dreg:$0x5] =	wrdreg $0x9  }
0xaf: {  	_ =	task.clear_ibuf [dreg:s18], $0x6FFFF;
	_ =	strace $0x90000058  }
0xb0: {  	s25 =	simm.s32 $0x9;
	_ =	strace $0x8000005A  }
0xb1: {  	_ =	swait.ge [sflag:s25], $0x1  }
0xb2: {  	[sflag:s25] =	ssyncadd.s32 $0xFFFFFFFF  }
0xb3: {  	_ =	strace $0x9000005A  }
0xb4: {  	_ =	strace $0x8000005B;
	[dreg:$0x1] =	wrdreg $0xFFFFFFFF  }
0xb5: {  	[dreg:$0x0] =	wrdreg $0x2030  }
0xb6: {  	[dreg:$0x2] =	wrdreg s20  }
0xb7: {  	[dreg:$0x3] =	wrdreg $0xA  }
0xb8: {  	_ =	task.clear_ibuf [dreg:s18], $0x4FFFF;
	_ =	strace $0x9000005B  }
0xb9: {  	s26 =	simm.s32 $0xA;
	_ =	strace $0x8000005D  }
0xba: {  	_ =	swait.ge [sflag:s26], $0x1  }
0xbb: {  	[sflag:s26] =	ssyncadd.s32 $0xFFFFFFFF  }
0xbc: {  	_ =	strace $0x9000005D  }
0xbd: {  	_ =	sfence  }
0xbe: {  	s28 =	sld [smem:$0x0];
	_ =	sdelay $0x1  }
0xbf: {  	s29 =	srdreg.scid  }
0xc0: {  	s30 =	sshll.u32 s29, $0xD;
	s31 =	sshrl.u32 s29, $0x2  }
0xc1: {  	s3 =	sand.u32 $0x4000, s30;
	s2 =	sand.u32 $0x1, s29;
	s1 =	sadd.s32 s31, s28  }
0xc2: {  	s2 =	sor.u32 s3, s2;
	s1 =	sshll.u32 s1, $0x11  }
0xc3: {  	s1 =	sor.u32 s1, s2  }
0xc4: {  	s1 =	sadd.s32 $0x8F2B, s1  }
0xc5: {  	[sflag:s1] =	ssyncadd.remote.s32 $0x1  }
0xc6: {  	_ =	sfence.sel $0xFFFF  }
0xc7: {  	[dreg:$0x0] =	wrdreg $0xFFFFFFFF;
	(pc) =	sbr.abs _section_cstart, $3  }
0xc8: {  	[dreg:$0x1] =	wrdreg $0xFFFFFFFF  }
0xc9: {  	_ =	task.clear_ibuf [dreg:s18], $0x2FFFF;
	_ =	strace $0x9FFFFFFF  }
0xca: {  	(tm) =	ssettm $0x7FFFFFFF  }
0xcb: {  	_ =	shalt  }
tec
execute0_lowered:
.L_overlay_start_1:
0x0: {  	(tag) =	ssettag $0x1  }
0x1: {  	s4 =	rddreg [dreg:$0x0]  }
0x2: {  	s2 =	rddreg [dreg:$0x1];
	s6 =	stileid.u32  }
0x3: {  	s5 =	rddreg [dreg:$0x2];
	s3 =	smul.u32 $0x3C00, s6  }
0x4: {  	s0 =	rddreg [dreg:$0x3];
	[bflag:$0x3] =	sbarrier.arrive $0xFFFF;
	s1 =	simm.s32 $_size_execute1_lowered  }
0x5: {  	s1 =	sshll.u32 s1, $0x1;
	p0 =	sne.s32 s6, $0x0;
	s28 =	ssub.s32 $0x258000, s3  }
0x6: {  	s7 =	simm.s32 @!p0 $0x1C3F;
	s8 =	simm.s32 @!p0 $0x4060;
	s9 =	smulhi.u32 $0x444445, s28  }
0x7: {  	[timem:s8], [sflag:s7] =	dma.local @!p0 [hbm:s4], s1  }
0x8: {  	s29 =	sshrl.u32 s9, $0x8  }
0x9: {  	s30 =	smul.u32 $0x3C000, s29  }
.Ltmp0:
0xa: {  	s31 =	simm.s32 $0x2;
	s10 =	simm.s32 $0x0;
	(pc) =	sbr.rel .LBB2_1-.Ltmp0, $4  }
0xb: {  	s6 =	simm.s32 $0x1;
	s5 =	sadd.s32 $0x19E000, s5;
	p1 =	sne.s32 s28, s30  }
0xc: {  	s4 =	simm.s32 $0x1;
	_ =	strace $0x80000059;
	s6 =	simm.s32 @!p1 $0x0  }
0xd: {  	s8 =	smov.u32 s3;
	[sflag:s4] =	ssyncpa.u1 $0x0;
	s6 =	sadd.s32 s6, s29  }
0xe: {  	[sflag:s31] =	ssyncpa.u1 $0x0;
	s9 =	simm.s32 $0x0;
	s7 =	sadd.s32 $0x1, s6  }
.LBB2_4:
0xf: {  	[tilespmem:s11+$0xB0] =	vst v0  }
0x10: {  	[tilespmem:s11+$0xC0] =	vst v1  }
0x11: {  	[tilespmem:s11+$0xD0] =	vst v2  }
0x12: {  	[tilespmem:s11+$0xE0] =	vst v3;
	s13 =	sshrl.u32 s10, $0x3  }
0x13: {  	[tilespmem:s11+$0xFFFFFF00] =	vst v4;
	s31 =	sand.u32 $0x7, s10;
	s30 =	sadd.s32 s5, s13  }
0x14: {  	[hbm4b:s30+s31] =	stream.linear.scatter [tilespmem:s12], [sflag:$0x2], $0x3C00, $0x38;
	[tilespmem:$0xF000] =	vst v63  }
.LBB2_5:
0x15: {  	s12 =	sadd.s32 $0x3C000, s8  }
0x16: {  	p2 =	sgt.s32 s12, $0x257FFF  }
0x17: {  	s12 =	smov.u32 @p2 s3;
	p2 =	sne.s32 s9, s7  }
.Ltmp1:
0x18: {  	p1 =	slt.u32 s9, $0x2;
	(pc) =	sbr.rel @!p2 .LBB2_6-.Ltmp1, $4  }
0x19: {  	s11 =	simm.s32 @!p1 $0x2  }
0x1a: {  	_ =	swait.ge @!p1 [sflag:s11], $0x3C00  }
0x1b: {  	s13 =	sadd.s32 $0x1, s9;
	s10 =	smov.u32 s8;
	[sflag:s11] =	ssyncset.done @!p1 $0x0  }
0x1c: {  	s9 =	smov.u32 s13;
	s8 =	smov.u32 s12;
	[sflag:s11] =	ssyncadd.s32 @!p1 $0xFFFFC400  }
.LBB2_1:
0x1d: {  	p1 =	sge.u32 s9, s6  }
0x1e: {  	s11 =	sxor.u32 @!p1 $0xFFFFFFFF, s9  }
0x1f: {  	s11 =	sand.u32 @!p1 $0x1, s11  }
0x20: {  	s11 =	smul.u32 @!p1 $0xF000, s11  }
0x21: {  	s31 =	sadd.s32 $0xFFFFFFFF, s9;
	s12 =	sshrl.u32 @!p1 s8, $0x3  }
0x22: {  	s13 =	sand.u32 @!p1 $0x7, s8;
	s12 =	sadd.s32 @!p1 s2, s12;
	s11 =	sshrl.u32 @!p1 s11, $0x2  }
0x23: {  	[tilespmem:s11], [sflag:$0x1] =	stream.linear.gather @!p1 [hbm4b:s12+s13], $0x3C00, $0x38;
	[tilespmem:$0xF000] =	vst v63  }
0x24: {  	p1 =	sge.u32 s31, s6  }
.Ltmp2:
0x25: {  	_ = 	snop;
	(pc) =	sbr.rel @p1 .LBB2_5-.Ltmp2, $1  }
0x26: {  	_ =	sdelay $0x3  }
0x27: {  	s11 =	sand.u32 $0x1, s9  }
0x28: {  	_ =	swait.ge [sflag:s4], $0x3C00;
	s12 =	simm.s32 $0x3C00;
	p1 =	seq.s32 s11, $0x1  }
0x29: {  	[sflag:s4] =	ssyncset.done $0x0;
	s12 =	simm.s32 @!p1 $0x0  }
0x2a: {  	[sflag:s4] =	ssyncadd.s32 $0xFFFFC400;
	s14 =	sor.u32 $0x100, s12  }
0x2b: {  	v0 =	vld [tilespmem:s14+$0xF0]  }
0x2c: {  	v1 =	vld [tilespmem:s14+$0xFFFFFF10]  }
0x2d: {  	v2 =	vld [tilespmem:s14+$0xFFFFFF20]  }
0x2e: {  	v3 =	vld [tilespmem:s14+$0xFFFFFF30]  }
0x2f: {  	s11 =	sadd.s32 $0x7900, s12;
	v4 =	vld [tilespmem:s14+$0xFFFFFF40]  }
0x30: {  	v5 =	vld [tilespmem:s14+$0xFFFFFF50];
	[tilespmem:s11+$0xF0] =	vst v0  }
0x31: {  	[tilespmem:s11+$0xFFFFFF10] =	vst v1;
	v0 =	vld [tilespmem:s14+$0xFFFFFF60]  }
0x32: {  	[tilespmem:s11+$0xFFFFFF20] =	vst v2;
	v1 =	vld [tilespmem:s14+$0xFFFFFF70]  }
0x33: {  	[tilespmem:s11+$0xFFFFFF30] =	vst v3;
	v2 =	vld [tilespmem:s14+$0xFFFFFF80]  }
0x34: {  	[tilespmem:s11+$0xFFFFFF40] =	vst v4;
	v3 =	vld [tilespmem:s14+$0xFFFFFF90]  }
0x35: {  	[tilespmem:s11+$0xFFFFFF50] =	vst v5;
	v4 =	vld [tilespmem:s14+$0xFFFFFFA0]  }
0x36: {  	v5 =	vld [tilespmem:s14+$0xA0];
	[tilespmem:s11+$0xFFFFFF60] =	vst v0  }
0x37: {  	v0 =	vld [tilespmem:s14+$0xFFFFFFB0];
	[tilespmem:s11+$0xFFFFFF70] =	vst v1  }
0x38: {  	v1 =	vld [tilespmem:s14+$0xFFFFFFC0];
	[tilespmem:s11+$0xFFFFFF80] =	vst v2  }
0x39: {  	v2 =	vld [tilespmem:s14+$0xFFFFFFD0];
	[tilespmem:s11+$0xFFFFFF90] =	vst v3  }
0x3a: {  	v3 =	vld [tilespmem:s14+$0xFFFFFFE0];
	[tilespmem:s11+$0xFFFFFFA0] =	vst v4  }
0x3b: {  	v4 =	vld [tilespmem:s14+$0xFFFFFFF0];
	[tilespmem:s11+$0xA0] =	vst v5  }
0x3c: {  	[tilespmem:s11+$0xFFFFFFB0] =	vst v0;
	v0 =	vld [tilespmem:s14+$0x0]  }
0x3d: {  	[tilespmem:s11+$0xFFFFFFC0] =	vst v1;
	v1 =	vld [tilespmem:s14+$0x10]  }
0x3e: {  	[tilespmem:s11+$0xFFFFFFD0] =	vst v2;
	v2 =	vld [tilespmem:s14+$0x20]  }
0x3f: {  	[tilespmem:s11+$0xFFFFFFE0] =	vst v3;
	v3 =	vld [tilespmem:s14+$0x30]  }
0x40: {  	[tilespmem:s11+$0xFFFFFFF0] =	vst v4;
	v4 =	vld [tilespmem:s14+$0x40]  }
0x41: {  	[tilespmem:s11+$0x0] =	vst v0;
	v0 =	vld [tilespmem:s14+$0x50]  }
0x42: {  	[tilespmem:s11+$0x10] =	vst v1;
	v1 =	vld [tilespmem:s14+$0x60]  }
0x43: {  	[tilespmem:s11+$0x20] =	vst v2;
	v2 =	vld [tilespmem:s14+$0x70]  }
0x44: {  	[tilespmem:s11+$0x30] =	vst v3;
	v3 =	vld [tilespmem:s14+$0x80]  }
0x45: {  	[tilespmem:s11+$0x40] =	vst v4;
	v4 =	vld [tilespmem:s14+$0x90]  }
0x46: {  	[tilespmem:s11+$0x50] =	vst v0;
	v0 =	vld [tilespmem:s14+$0xB0]  }
0x47: {  	[tilespmem:s11+$0x60] =	vst v1;
	v1 =	vld [tilespmem:s14+$0xC0]  }
0x48: {  	[tilespmem:s11+$0x70] =	vst v2;
	v2 =	vld [tilespmem:s14+$0xD0]  }
0x49: {  	[tilespmem:s11+$0x80] =	vst v3;
	v3 =	vld [tilespmem:s14+$0xE0]  }
0x4a: {  	s13 =	simm.s32 $0x0;
	s12 =	sadd.s32 $0x7800, s12;
	[tilespmem:s11+$0x90] =	vst v4;
	v4 =	vld [tilespmem:s14+$0xFFFFFF00];
	s14 =	sadd.s32 $0x200, s14  }
.LBB2_3:
0x4b: {  	v5 =	vld [tilespmem:s14+$0xF0];
	s13 =	sadd.s32 $0x200, s13;
	[tilespmem:s11+$0xB0] =	vst v0  }
0x4c: {  	v0 =	vld [tilespmem:s14+$0xFFFFFF10];
	p1 =	slt.u32 s13, $0x3A00;
	[tilespmem:s11+$0xC0] =	vst v1  }
0x4d: {  	v1 =	vld [tilespmem:s14+$0xFFFFFF20];
	[tilespmem:s11+$0xD0] =	vst v2  }
0x4e: {  	v2 =	vld [tilespmem:s14+$0xFFFFFF30];
	[tilespmem:s11+$0xE0] =	vst v3  }
0x4f: {  	v3 =	vld [tilespmem:s14+$0xFFFFFF40];
	[tilespmem:s11+$0xFFFFFF00] =	vst v4;
	s11 =	sadd.s32 $0x200, s11  }
0x50: {  	v4 =	vld [tilespmem:s14+$0xFFFFFF50];
	[tilespmem:s11+$0xF0] =	vst v5  }
0x51: {  	[tilespmem:s11+$0xFFFFFF10] =	vst v0;
	v0 =	vld [tilespmem:s14+$0xFFFFFF60]  }
0x52: {  	[tilespmem:s11+$0xFFFFFF20] =	vst v1;
	v1 =	vld [tilespmem:s14+$0xFFFFFF70]  }
0x53: {  	[tilespmem:s11+$0xFFFFFF30] =	vst v2;
	v2 =	vld [tilespmem:s14+$0xFFFFFF80]  }
0x54: {  	[tilespmem:s11+$0xFFFFFF40] =	vst v3;
	v3 =	vld [tilespmem:s14+$0xFFFFFF90]  }
0x55: {  	[tilespmem:s11+$0xFFFFFF50] =	vst v4;
	v4 =	vld [tilespmem:s14+$0xFFFFFFA0]  }
0x56: {  	[tilespmem:s11+$0xFFFFFF60] =	vst v0;
	v0 =	vld [tilespmem:s14+$0xFFFFFFB0]  }
0x57: {  	[tilespmem:s11+$0xFFFFFF70] =	vst v1;
	v1 =	vld [tilespmem:s14+$0xFFFFFFC0]  }
0x58: {  	[tilespmem:s11+$0xFFFFFF80] =	vst v2;
	v2 =	vld [tilespmem:s14+$0xFFFFFFD0]  }
0x59: {  	[tilespmem:s11+$0xFFFFFF90] =	vst v3;
	v3 =	vld [tilespmem:s14+$0xFFFFFFE0]  }
0x5a: {  	[tilespmem:s11+$0xFFFFFFA0] =	vst v4;
	v4 =	vld [tilespmem:s14+$0xFFFFFFF0]  }
0x5b: {  	[tilespmem:s11+$0xFFFFFFB0] =	vst v0;
	v0 =	vld [tilespmem:s14+$0x0]  }
0x5c: {  	[tilespmem:s11+$0xFFFFFFC0] =	vst v1;
	v1 =	vld [tilespmem:s14+$0x10]  }
0x5d: {  	[tilespmem:s11+$0xFFFFFFD0] =	vst v2;
	v2 =	vld [tilespmem:s14+$0x20]  }
0x5e: {  	[tilespmem:s11+$0xFFFFFFE0] =	vst v3;
	v3 =	vld [tilespmem:s14+$0x30]  }
0x5f: {  	[tilespmem:s11+$0xFFFFFFF0] =	vst v4;
	v4 =	vld [tilespmem:s14+$0x40]  }
0x60: {  	[tilespmem:s11+$0x0] =	vst v0;
	v0 =	vld [tilespmem:s14+$0x50]  }
0x61: {  	[tilespmem:s11+$0x10] =	vst v1;
	v1 =	vld [tilespmem:s14+$0x60]  }
0x62: {  	[tilespmem:s11+$0x20] =	vst v2;
	v2 =	vld [tilespmem:s14+$0x70]  }
0x63: {  	[tilespmem:s11+$0x30] =	vst v3;
	v3 =	vld [tilespmem:s14+$0x80]  }
0x64: {  	[tilespmem:s11+$0x40] =	vst v4;
	v4 =	vld [tilespmem:s14+$0x90]  }
0x65: {  	[tilespmem:s11+$0x50] =	vst v0;
	v5 =	vld [tilespmem:s14+$0xA0]  }
.Ltmp3:
0x66: {  	[tilespmem:s11+$0x60] =	vst v1;
	v0 =	vld [tilespmem:s14+$0xB0];
	(pc) =	sbr.rel @p1 .LBB2_3-.Ltmp3, $4  }
0x67: {  	[tilespmem:s11+$0x70] =	vst v2;
	v1 =	vld [tilespmem:s14+$0xC0]  }
0x68: {  	[tilespmem:s11+$0x80] =	vst v3;
	v2 =	vld [tilespmem:s14+$0xD0]  }
0x69: {  	[tilespmem:s11+$0x90] =	vst v4;
	v3 =	vld [tilespmem:s14+$0xE0]  }
0x6a: {  	v4 =	vld [tilespmem:s14+$0xFFFFFF00];
	[tilespmem:s11+$0xA0] =	vst v5;
	s14 =	sadd.s32 $0x200, s14  }
.Ltmp4:
0x6b: {  	_ = 	snop;
	(pc) =	sbr.rel .LBB2_4-.Ltmp4, $1  }
0x6c: {  	_ =	sdelay $0x3  }
.LBB2_6:
0x6d: {  	_ =	sfence.sel $0x180000  }
0x6e: {  	s2 =	simm.s32 $0x1;
	[bflag:$0x0] =	sbarrier.arrive $0xFFFF  }
0x6f: {  	s31 =	simm.s32 $0x2;
	[sflag:s2] =	ssyncpa.u1 $0x1  }
0x70: {  	[sflag:s31] =	ssyncpa.u1 $0x1  }
0x71: {  	_ =	strace $0x90000059  }
0x72: {  	s0 =	sadd.s32 @!p0 $0x100000, s0;
	[bflag:$0x2] =	sbarrier.arrive $0xFFFF  }
0x73: {  	[sflag:s0] =	ssyncadd.tile.s32 @!p0 $0x1;
	s0 =	simm.s32 @!p0 $0x3F  }
0x74: {  	_ =	swait.ge @!p0 [sflag:s0], s1  }
0x75: {  	s1 =	ssub.s32 @!p0 $0x0, s1;
	[sflag:s0] =	ssyncset.done @!p0 $0x0  }
0x76: {  	[sflag:s0] =	ssyncadd.s32 @!p0 s1  }
0x77: {  	[bflag:$0x3] =	sbarrier.arrive $0xFFFF  }
0x78: {  	_ =	shalt  }
.Lfunc_end2:
execute1_lowered:
.L_overlay_start_2:
0x79: {  	(tag) =	ssettag $0x2  }
0x7a: {  	s0 =	rddreg [dreg:$0x0];
	_ =	strace $0x8000005C;
	s2 =	simm.s32 $0x1  }
0x7b: {  	v1 =	vimm.s32 $0xFFFFFFFF;
	[sflag:s2] =	ssyncpa.u1 $0x0  }
0x7c: {  	[tilespmem:$0x10] =	vst v1  }
0x7d: {  	v0 =	vimm.f32 $0.0e+00;
	[tilespmem:$0x20] =	vst v1  }
0x7e: {  	[tilespmem:$0x30] =	vst v0  }
0x7f: {  	[tilespmem:$0x40] =	vst v0  }
0x80: {  	s30 =	simm.s32 $0x2;
	s3 =	stileid.u32;
	s6 =	simm.s32 $0x7;
	[tilespmem:$0x50] =	vst v0  }
0x81: {  	s8 =	simm.s32 $0x8;
	s31 =	simm.s32 $0x9;
	s14 =	simm.s32 $0x0;
	[tilespmem:$0x60] =	vst v1  }
0x82: {  	s15 =	simm.s32 $0xFFFFE000;
	s16 =	simm.s32 $0xFF;
	p0 =	por $0x0, $0x0;
	[tilespmem:$0x70] =	vst v1  }
0x83: {  	s17 =	simm.s32 $0xFFFFC100;
	s18 =	simm.s32 $0xFFFFFFFE;
	s19 =	simm.s32 $0xF;
	[tilespmem:$0x80] =	vst v1  }
0x84: {  	s20 =	simm.s32 $0x30;
	s23 =	simm.s32 $0x0;
	s21 =	simm.s32 $0x0;
	v1 =	vimm.s32 $0x0;
	[tilespmem:$0xB0] =	vst v0  }
.Ltmp5:
0x85: {  	s1 =	sadd.s32 $0x19E000, s0;
	s4 =	sadd.s32 $0x20000, s0;
	[tilespmem:$0x90] =	vst v1;
	(pc) =	sbr.rel .LBB3_1-.Ltmp5, $4  }
0x86: {  	s5 =	sadd.s32 $0x17E000, s0;
	s7 =	sshll.u32 s3, $0x10;
	[tilespmem:$0xA0] =	vst v1;
	[sflag:s30] =	ssyncpa.u1 $0x0  }
0x87: {  	s9 =	sshll.u32 s3, $0x1;
	s12 =	sshllo.u32 s3, $0x1;
	[sflag:s6] =	ssyncpa.u1 $0x0  }
0x88: {  	vm0 =	vmmov $0xffff;
	v2 =	vlaneseq.u32;
	s10 =	sadd.s32 $0x10000, s7;
	s11 =	sor.u32 $0x81, s9;
	[sflag:s8] =	ssyncpa.u1 $0x0  }
0x89: {  	vm1 =	vmxor vm1, vm1;
	vm2 =	vmmov $0x1;
	vm3 =	vcmask $0x3F3C;
	s13 =	sor.u32 $0x80, s9;
	s22 =	smov.u32 s7;
	[sflag:s31] =	ssyncpa.u1 $0x0  }
.LBB3_10:
0x8a: {  	p1 =	slt.u32 s21, $0x3  }
0x8b: {  	s0 =	simm.s32 @!p1 $0x2  }
0x8c: {  	_ =	swait.ge @!p1 [sflag:s0], $0x2000  }
0x8d: {  	[sflag:s0] =	ssyncset.done @!p1 $0x0  }
0x8e: {  	[sflag:s0] =	ssyncadd.s32 @!p1 $0xFFFFE000;
	s0 =	simm.s32 @!p1 $0x9  }
0x8f: {  	_ =	swait.ge @!p1 [sflag:s0], $0x10  }
0x90: {  	s21 =	sadd.s32 $0x1, s21;
	[sflag:s0] =	ssyncset.done @!p1 $0x0  }
0x91: {  	[sflag:s0] =	ssyncadd.s32 @!p1 $0xFFFFFFF0;
	p1 =	sne.s32 s21, $0xB  }
.Ltmp6:
0x92: {  	_ = 	snop;
	(pc) =	sbr.rel @!p1 .LBB3_11-.Ltmp6, $4  }
0x93: {  	s23 =	sadd.s32 $0x2000, s22;
	s24 =	smov.u32 s7  }
0x94: {  	s15 =	sadd.s32 $0x2000, s15;
	s16 =	sadd.s32 $0x1, s16;
	p2 =	slt.s32 s23, s10  }
0x95: {  	p0 =	por !p0, !p0;
	s17 =	sadd.s32 $0x2000, s17;
	s24 =	smov.u32 @p2 s23  }
0x96: {  	s18 =	sadd.s32 $0x1, s18;
	s23 =	smov.u32 s22;
	s22 =	smov.u32 s24  }
.LBB3_1:
0x97: {  	p1 =	sgt.u32 s21, $0x7  }
0x98: {  	s0 =	smul.u32 @!p1 $0xAB, s21;
	_ =	sdelay $0x1  }
0x99: {  	s0 =	sshrl.u32 @!p1 s0, $0x9  }
0x9a: {  	s0 =	sand.u32 @!p1 $0x7F, s0  }
0x9b: {  	s0 =	smul.u32 @!p1 $0x3, s0;
	_ =	sdelay $0x1  }
0x9c: {  	s0 =	ssub.s32 @!p1 s21, s0  }
0x9d: {  	s0 =	sand.u32 @!p1 $0xFF, s0  }
0x9e: {  	s24 =	sshrl.u32 @!p1 s22, $0x3;
	s0 =	sshll.u32 @!p1 s0, $0xD  }
0x9f: {  	s25 =	sand.u32 @!p1 $0x7, s22;
	s24 =	sadd.s32 @!p1 s4, s24;
	s0 =	sor.u32 @!p1 $0x100, s0  }
0xa0: {  	[tilespmem:s0], [sflag:$0x7] =	stream.linear.gather @!p1 [hbm4b:s24+s25], $0x2000, $0x38;
	[tilespmem:$0x12120] =	vst v63  }
0xa1: {  	s0 =	sadd.s32 $0xFFFFFFFF, s21  }
0xa2: {  	p1 =	sgt.u32 s0, $0x7  }
.Ltmp7:
0xa3: {  	_ = 	snop;
	(pc) =	sbr.rel @p1 .LBB3_5-.Ltmp7, $1  }
0xa4: {  	_ =	sdelay $0x3  }
0xa5: {  	s24 =	smul.u32 $0xAB, s0;
	_ =	sdelay $0x1  }
0xa6: {  	s24 =	sshrl.u32 s24, $0x9  }
0xa7: {  	s24 =	sand.u32 $0x7F, s24  }
0xa8: {  	s24 =	smul.u32 $0x3, s24;
	_ =	sdelay $0x1  }
0xa9: {  	s24 =	ssub.s32 s0, s24  }
0xaa: {  	s24 =	sand.u32 $0xFF, s24  }
0xab: {  	_ =	swait.ge [sflag:s6], $0x2000;
	s24 =	sshll.u32 s24, $0xD  }
0xac: {  	[sflag:s6] =	ssyncset.done $0x0;
	s24 =	sor.u32 $0x100, s24  }
0xad: {  	[sflag:s6] =	ssyncadd.s32 $0xFFFFE000;
	(ifvalue) =	ssetifvalue $0xFFFFFFFF;
	v3 =	vld.msk [tilespmem:s24+$0x0 ss:$0x1], $0xffff;
	_ =	sdelay $0x1  }
0xae: {  	s28 =	sand.u32 $0xFF, s16  }
0xaf: {  	p1 =	sne.s32 s21, $0x1;
	s25 =	smulhi.u32 $0x55555556, s28  }
0xb0: {  	v4 =	vimm.s32 @!p1 $0x0  }
0xb1: {  	s25 =	smul.u32 $0x18000, s25;
	v4 =	vperm.xlane @!p1 v3, v4  }
0xb2: {  	s26 =	sshll.u32 s21, $0x4;
	s24 =	sshll.u32 s28, $0xF;
	vm4 =	vlt.u32 v3, $0x258000  }
0xb3: {  	s29 =	sand.u32 $0x10, s26;
	s24 =	ssub.s32 s24, s25;
	v3 =	vnsel vm4, $0xFFFFFFFE, v3;
	vm4 =	vlt.u32 @!p1 v4, $0x258000  }
0xb4: {  	s24 =	sshra.s32 s24, $0x2;
	[tilespmem:s29+$0x60] =	vst v3;
	v3 =	vnsel @!p1 vm4, $0xFFFFFFFE, v4  }
0xb5: {  	s28 =	sadd.s32 $0x20F0, s24;
	[tilespmem:$0x80] =	vst @!p1 v3  }
0xb6: {  	v3 =	vld.msk [tilespmem:s28+$0x0 ss:$0x1], $0xffff;
	_ =	sdelay $0x4  }
0xb7: {  	(xrf1) =	vunique.msk.u32 $0xffff, v3;
	_ =	sdelay $0xd  }
0xb8: {  	v4 =	vimm.s32 $0xFFFFFFFF;
	v5, _, _ =	vpop (xrf1)  }
0xb9: {  	vm5 =	vne.s32 v3, v4;
	vm4 =	veq.s32 v5, v2  }
0xba: {  	vm6 =	vlt.u32 v3, $0x258000;
	vm4 =	vmand vm5, vm4  }
0xbb: {  	vm4 =	vmand vm6, vm4  }
0xbc: {  	v4 =	vnsel vm4, $0xFFFFFFFF, v3;
	_ =	sdelay $0x2  }
0xbd: {  	s30 =	sand.u32 $0x2000, s15  }
0xbe: {  	s31 =	sshll.u32 s0, $0xD;
	s24 =	sor.u32 $0x80F0, s30;
	(ifvalue) =	ssetifvalue $0xFFFFFFFF  }
0xbf: {  	v3 =	vperm.xlane v3, v1;
	[tilespmem:s24], [sflag:$0x8] =	stream.indirect_vreg.gather [hbm4b:s1+s14], $0x1, v4, vm0, $0x4038;
	v4 =	vnsel vm6, $0xFFFFFFFE, v4;
	[tilespmem:$0x12120] =	vst v63  }
0xc0: {  	s26 =	simm.s32 $0x0;
	s25 =	sand.u32 $0x2000, s31;
	s0 =	sadd.s32 $0xFFFFFFF0, s28;
	[tilespmem:s28+$0x0] =	vst v4  }
.LBB3_3:
0xc1: {  	v4 =	vld.msk [tilespmem:s0+$0x0 ss:$0x1], $0xffff;
	s26 =	sadd.s32 $0x10, s26;
	v5 =	vmov v3;
	s28 =	smov.u32 s0  }
0xc2: {  	p1 =	slt.u32 s26, $0x1FF0;
	_ =	sdelay $0x4  }
0xc3: {  	v3 =	vperm.xlane v4, v1;
	(xrf1) =	vunique.msk.u32 $0xffff, v4;
	_ =	sdelay $0xd  }
0xc4: {  	v6, _, _ =	vpop (xrf1)  }
0xc5: {  	vm5 =	vne.s32 v4, v5;
	vm4 =	veq.s32 v6, v2  }
0xc6: {  	vm6 =	vlt.u32 v4, $0x258000;
	vm4 =	vmand vm5, vm4  }
0xc7: {  	vm4 =	vmand vm6, vm4  }
0xc8: {  	v4 =	vnsel vm4, $0xFFFFFFFF, v4  }
.Ltmp8:
0xc9: {  	v5 =	vnsel vm6, $0xFFFFFFFE, v4;
	(pc) =	sbr.rel @p1 .LBB3_3-.Ltmp8, $3  }
0xca: {  	_ =	sdelay $0x1  }
0xcb: {  	s0 =	sadd.s32 $0xFFFFFFF0, s0;
	s24 =	sadd.s32 $0xFFFFFFF0, s24;
	(ifvalue) =	ssetifvalue $0xFFFFFFFF  }
0xcc: {  	[tilespmem:s24], [sflag:$0x8] =	stream.indirect_vreg.gather [hbm4b:s1+s14], $0x1, v4, vm0, $0x4038;
	[tilespmem:s28+$0x0] =	vst v5  }
0xcd: {  	s0 =	sshrl.u32 s23, $0x3  }
0xce: {  	s31 =	sadd.s32 $0xA100, s25;
	s0 =	sadd.s32 s5, s0  }
0xcf: {  	[tilespmem:s31], [sflag:$0x8] =	stream.linear.gather [hbm:s0], $0x2000, $0x38;
	[tilespmem:$0x12120] =	vst v63  }
.LBB3_5:
0xd0: {  	p1 =	sgt.u32 s21, $0xA  }
.Ltmp9:
0xd1: {  	_ = 	snop;
	(pc) =	sbr.rel @p1 .LBB3_7-.Ltmp9, $1  }
0xd2: {  	_ =	sdelay $0x3  }
0xd3: {  	s0 =	sshll.u32 s2, s21  }
0xd4: {  	s0 =	sand.u32 $0x403, s0  }
0xd5: {  	p1 =	sne.s32 s0, $0x0  }
.Ltmp10:
0xd6: {  	_ = 	snop;
	(pc) =	sbr.rel @p1 .LBB3_10-.Ltmp10, $1  }
0xd7: {  	_ =	sdelay $0x3  }
.LBB3_7:
0xd8: {  	s0 =	sadd.s32 $0xFFFFFFFE, s21  }
0xd9: {  	s23 =	smulhi.u32 $0xAAAAAAAB, s0;
	_ =	sdelay $0x1  }
0xda: {  	s23 =	sshrl.u32 s23, $0x1  }
0xdb: {  	s23 =	smul.u32 $0x3, s23;
	_ =	sdelay $0x1  }
0xdc: {  	_ =	swait.ge [sflag:s8], $0x4000;
	s0 =	ssub.s32 s0, s23  }
0xdd: {  	p1 =	sne.s32 s21, $0x9;
	[sflag:s8] =	ssyncset.done $0x0;
	s0 =	sshll.u32 s0, $0xD  }
0xde: {  	[sflag:s8] =	ssyncadd.s32 $0xFFFFC000;
	s23 =	sadd.s32 @!p1 $0x20FF, s0  }
0xdf: {  	[spmem:s11] =	stream.linear.scatter @!p1 [tilespmem:s23], [sflag:$0x1], $0x1, $0x38;
	[tilespmem:$0x12120] =	vst v63  }
0xe0: {  	s23 =	simm.s32 @!p1 $0x1  }
0xe1: {  	_ =	swait.ge @!p1 [sflag:s23], $0x1  }
0xe2: {  	s24 =	sshll.u32 s21, $0x4;
	[sflag:s23] =	ssyncset.done @!p1 $0x0  }
0xe3: {  	[sflag:s23] =	ssyncadd.s32 @!p1 $0xFFFFFFFF;
	s23 =	sand.u32 $0x10, s24  }
0xe4: {  	v4 =	vld [tilespmem:s23+$0x10];
	s29 =	sxor.u32 $0x10, s23  }
0xe5: {  	v5 =	vld [tilespmem:s29+$0x60]  }
0xe6: {  	v3 =	vld [tilespmem:$0x80];
	_ =	sdelay $0x2  }
0xe7: {  	(v2sf) =	vpush v4, $0x0  }
0xe8: {  	(v2sf) =	vpush v5, $0x0  }
0xe9: {  	(v2sf) =	vpush v3, $0x0;
	_ =	sdelay $0xc  }
0xea: {  	s24 =	spop (v2sf)  }
0xeb: {  	s26 =	spop (v2sf)  }
0xec: {  	s25 =	spop (v2sf)  }
0xed: {  	p2 =	seq.s32 s24, s26;
	p3 =	seq.s32 s25, s24  }
0xee: {  	p3 =	por p2, p3  }
0xef: {  	v4 =	vpsel p3, $0xFFFFFFFF, v4  }
0xf0: {  	s24 =	sand.u32 $0x1, s21;
	[tilespmem:s23+$0x10] =	vst.msk $0x1, v4  }
0xf1: {  	s26 =	sshll.u32 s24, $0xD;
	v4 =	vld [tilespmem:$0x30]  }
0xf2: {  	v5 =	vld [tilespmem:s26+$0xA100]  }
0xf3: {  	v6 =	vld [tilespmem:s23+$0x40];
	_ =	sdelay $0x3  }
0xf4: {  	vm4 =	vmmov vm1;
	v5 =	vadd.f32 v5, v4  }
0xf5: {  	vm5 =	vmmov vm2;
	vm4 =	vmmov @p2 vm2;
	s24 =	sshll.u32 s24, $0x4;
	v4 =	vadd.f32 v6, v4  }
0xf6: {  	vm5 =	vmmov @p3 vm1;
	s24 =	sor.u32 $0x12100, s24;
	[tilespmem:s26+$0xA100] =	vst.msk vm4, v5  }
0xf7: {  	[tilespmem:s24+$0x0] =	vst.msk vm5, v4  }
0xf8: {  	v4 =	vld [tilespmem:s26+$0x80F0];
	_ =	sdelay $0x3  }
0xf9: {  	v5 =	vimm.f32 $0.0e+00  }
0xfa: {  	v4 =	vshift.insert v4, v5, s19  }
0xfb: {  	s28 =	sor.u32 $0x40, s29  }
0xfc: {  	[tilespmem:s28+$0x0] =	vst.msk $0x1, v4  }
0xfd: {  	[tilespmem:s26+$0x80FF] =	vst.msk $0x1, v5  }
0xfe: {  	v4 =	vld [tilespmem:s0+$0x20F0];
	_ =	sdelay $0x1  }
0xff: {  	s0 =	smulhi.u32 $0xAAAAAAAB, s18;
	_ =	sdelay $0x1  }
0x100: {  	s28 =	simm.s32 $0x1;
	s0 =	sshrl.u32 s0, $0x1  }
0x101: {  	s28 =	simm.s32 @!p0 $0x0;
	s0 =	smul.u32 $0xFFFE8000, s0;
	v4 =	vshift.insert v4, v1, s19  }
0x102: {  	s30 =	sshll.u32 s28, $0xD  }
0x103: {  	s28 =	sadd.s32 $0xA100, s30;
	s0 =	sshra.s32 s0, $0x2;
	[tilespmem:s29+$0x10] =	vst.msk $0x1, v4  }
0x104: {  	s0 =	sadd.s32 s0, s17;
	v6 =	vld [tilespmem:s28+$0x0]  }
0x105: {  	v7 =	vld [tilespmem:s0+$0x0];
	_ =	sdelay $0x3  }
0x106: {  	v5 =	vadd.f32 v6, v5  }
0x107: {  	vm4 =	vne.s32 v7, $0xFFFFFFFF  }
0x108: {  	(xrf2) =	vadd.seg.scan.f32 vm4, v5;
	_ =	sdelay $0x3  }
0x109: {  	s29 =	sadd.s32 $0x6100, s30;
	v5 =	vperm.xlane v4, v1  }
0x10a: {  	v6 =	vld [tilespmem:s29+$0x0]  }
0x10b: {  	vm5 =	veq.s32 v7, v3;
	vm6 =	veq.s32 v7, v5  }
0x10c: {  	vm7 =	vgt.u32 v7, $0xFFFFFFFD;
	vm6 =	vmor vm6, vm5  }
0x10d: {  	vm6 =	vmor vm6, vm7  }
0x10e: {  	v9 =	vld [tilespmem:$0xA0];
	v7 =	vsel vm6, $0xFFFFFFFF, v7  }
0x10f: {  	v10 =	vld [tilespmem:$0x90];
	v6 =	vsel vm5, $0x0, v6;
	v8, _, _ =	vpop (xrf2)  }
0x110: {  	v6 =	vadd.f32 v8, v6  }
0x111: {  	s30 =	sadd.s32 $0xE100, s30  }
0x112: {  	vm4 =	vmand vm4, vm3;
	[tilespmem:s30+$0x0] =	vst v6;
	(ifvalue) =	ssetifvalue $0xFFFFFFFF  }
0x113: {  	vm6 =	veq.s32 v9, $0x1;
	[hbm4b:s1+s14] =	stream.indirect_vreg.scatter [tilespmem:s30], [sflag:$0x2], $0x1, v7, vm0, $0x4038;
	v7 =	vsel vm4, $0x0, v8;
	[tilespmem:$0x12120] =	vst v63  }
0x114: {  	s31 =	simm.s32 $0x0;
	s0 =	sadd.s32 $0x10, s0;
	vm4 =	vmor vm6, vm5;
	v6 =	vsel vm5, v8, v10;
	v7 =	vshift.insert v7, v0, s19  }
.LBB3_8:
0x115: {  	v8 =	vld [tilespmem:s0+$0x0];
	s28 =	sadd.s32 $0x10, s28  }
0x116: {  	s29 =	sadd.s32 $0x10, s29;
	v9 =	vld [tilespmem:s28+$0x0]  }
0x117: {  	s31 =	sadd.s32 $0x10, s31;
	v10 =	vld [tilespmem:s29+$0x0]  }
0x118: {  	p2 =	slt.u32 s31, $0x1FF0;
	_ =	sdelay $0x2  }
0x119: {  	v7 =	vadd.f32 v9, v7  }
0x11a: {  	vm5 =	vne.s32 v8, $0xFFFFFFFF  }
0x11b: {  	vm6 =	vmand vm5, vm3;
	(xrf2) =	vadd.seg.scan.f32 vm5, v7;
	_ =	sdelay $0x5  }
0x11c: {  	vm7 =	veq.s32 v8, v5;
	vm5 =	veq.s32 v8, v3  }
0x11d: {  	vm8 =	vgt.u32 v8, $0xFFFFFFFD;
	vm4 =	vmor vm4, vm5;
	vm7 =	vmor vm7, vm5  }
0x11e: {  	vm7 =	vmor vm7, vm8  }
0x11f: {  	v8 =	vsel vm7, $0xFFFFFFFF, v8  }
.Ltmp11:
0x120: {  	v7 =	vsel vm5, $0x0, v10;
	v9, _, _ =	vpop (xrf2);
	(pc) =	sbr.rel @p2 .LBB3_8-.Ltmp11, $4  }
0x121: {  	v6 =	vsel vm5, v9, v6;
	v10 =	vadd.f32 v9, v7;
	v7 =	vsel vm6, $0x0, v9  }
0x122: {  	s30 =	sadd.s32 $0x10, s30;
	v7 =	vshift.insert v7, v0, s19  }
0x123: {  	s0 =	sadd.s32 $0x10, s0;
	[tilespmem:s30+$0x0] =	vst v10;
	(ifvalue) =	ssetifvalue $0xFFFFFFFF  }
0x124: {  	[hbm4b:s1+s14] =	stream.indirect_vreg.scatter [tilespmem:s30], [sflag:$0x2], $0x1, v8, vm0, $0x4038;
	[tilespmem:$0x12120] =	vst v63  }
0x125: {  	v3 =	vld [tilespmem:s26+$0x100F0];
	_ =	sdelay $0x4  }
0x126: {  	v3 =	vshift.insert v3, v0, s19;
	_ =	sdelay $0x1  }
0x127: {  	[tilespmem:s20+$0x0] =	vst.msk $0x1, v3  }
0x128: {  	v3 =	vsel vm4, $0x1, v1;
	[tilespmem:$0x90] =	vst v6  }
0x129: {  	s0 =	sadd.s32 @!p1 $0x100FF, s26;
	[tilespmem:$0xA0] =	vst v3  }
0x12a: {  	[spmem:s12] =	stream.linear.scatter @!p1 [tilespmem:s0], [sflag:$0x1], $0x1, $0x38;
	[tilespmem:$0x12120] =	vst v63  }
0x12b: {  	s0 =	simm.s32 @!p1 $0x1  }
0x12c: {  	v3 =	vmctz.xlane @!p1 vm4;
	_ =	swait.ge @!p1 [sflag:s0], $0x1  }
0x12d: {  	(v2sf) =	vpush @!p1 v4, $0x0  }
0x12e: {  	(v2sf) =	vpush @!p1 v3, $0x0;
	_ =	sdelay $0xd  }
0x12f: {  	s26 =	spop @!p1 (v2sf)  }
0x130: {  	s28 =	spop @!p1 (v2sf)  }
0x131: {  	p2 =	sne.s32 @!p1 s25, s26;
	p3 =	slt.s32 @!p1 s28, $0xF  }
0x132: {  	[sflag:s0] =	ssyncset.done @!p1 $0x0;
	p2 =	por p2, p1;
	p3 =	por !p3, p1  }
0x133: {  	[sflag:s0] =	ssyncadd.s32 @!p1 $0xFFFFFFFF;
	v3 =	vimm.s32 @!p2 $0xFFFFFFFF;
	s28 =	simm.s32 @p3 $0xF  }
0x134: {  	[tilespmem:$0x80] =	vst @!p2 v3;
	s25 =	sadd.s32 @!p1 $0x90, s28  }
0x135: {  	[spmem:s9] =	stream.linear.scatter @!p1 [tilespmem:s25], [sflag:$0x1], $0x1, $0x38;
	[tilespmem:$0x12120] =	vst v63  }
0x136: {  	_ =	swait.ge @!p1 [sflag:s0], $0x1  }
0x137: {  	[sflag:s0] =	ssyncset.done @!p1 $0x0  }
0x138: {  	s25 =	simm.s32 @!p1 $0x80;
	[sflag:s0] =	ssyncadd.s32 @!p1 $0xFFFFFFFF  }
0x139: {  	[spmem:s13] =	stream.linear.scatter @!p1 [tilespmem:s25], [sflag:$0x1], $0x1, $0x38;
	[tilespmem:$0x12120] =	vst v63  }
0x13a: {  	_ =	swait.ge @!p1 [sflag:s0], $0x1  }
0x13b: {  	[sflag:s0] =	ssyncset.done @!p1 $0x0  }
0x13c: {  	[sflag:s0] =	ssyncadd.s32 @!p1 $0xFFFFFFFF;
	(ifvalue) =	ssetifvalue $0xFFFFFFFF;
	v3 =	vld [tilespmem:s23+$0x10];
	_ =	sdelay $0x3  }
.Ltmp12:
0x13d: {  	_ = 	snop;
	(pc) =	sbr.rel .LBB3_10-.Ltmp12, $3  }
0x13e: {  	_ =	sdelay $0x1  }
0x13f: {  	(ifvalue) =	ssetifvalue $0xFFFFFFFF  }
0x140: {  	[hbm4b:s1+s14] =	stream.indirect_vreg.scatter [tilespmem:s24], [sflag:$0x9], $0x1, v3, vm0, $0x4038;
	[tilespmem:$0x12120] =	vst v63  }
.LBB3_11:
0x141: {  	_ =	sfence.sel $0x180000  }
0x142: {  	s0 =	simm.s32 $0x7;
	[bflag:$0x0] =	sbarrier.arrive $0xFFFF  }
0x143: {  	s26 =	simm.s32 $0x8;
	[sflag:s0] =	ssyncpa.u1 $0x1  }
0x144: {  	s28 =	simm.s32 $0x9;
	[sflag:s26] =	ssyncpa.u1 $0x1  }
0x145: {  	[sflag:s28] =	ssyncpa.u1 $0x1  }
0x146: {  	_ =	sfence.stream.spmem  }
0x147: {  	s29 =	simm.s32 $0x3;
	[bflag:$0x0] =	sbarrier.arrive $0xFFFF  }
0x148: {  	s30 =	simm.s32 $0x4;
	[sflag:s29] =	ssyncpa.u1 $0x1  }
0x149: {  	s31 =	simm.s32 $0x3C;
	[sflag:s30] =	ssyncpa.u1 $0x1  }
0x14a: {  	p0 =	sne.s32 s3, $0x0;
	[sflag:s31] =	ssyncpa.u1 $0x1  }
0x14b: {  	s0 =	simm.s32 @p0 $0x1;
	_ =	sfence @p0  }
0x14c: {  	[sflag:s0] =	ssyncpa.u1 @p0 $0x1;
	s0 =	simm.s32 @p0 $0x2  }
0x14d: {  	[sflag:s0] =	ssyncpa.u1 @p0 $0x1  }
0x14e: {  	_ =	strace @p0 $0x9000005C  }
0x14f: {  	[bflag:$0x2] =	sbarrier.arrive @p0 $0xFFFF  }
0x150: {  	_ =	shalt @p0  }
.LBB3_12:
0x151: {  	_ =	sfence.stream.spmem;
	s0 =	simm.s32 $0x5  }
0x152: {  	s2 =	simm.s32 $0x80;
	s3 =	simm.s32 $0xC0;
	[sflag:s0] =	ssyncpa.u1 $0x0  }
0x153: {  	[tilespmem:s3], [sflag:$0x5] =	stream.linear.gather [spmem:s2], $0x20, $0x38;
	[tilespmem:$0x12120] =	vst v63  }
0x154: {  	s2 =	simm.s32 $0x0;
	s3 =	simm.s32 $0xE0  }
0x155: {  	[tilespmem:s3], [sflag:$0x5] =	stream.linear.gather [spmem:s2], $0x20, $0x38;
	[tilespmem:$0x12120] =	vst v63  }
.Ltmp13:
0x156: {  	_ = 	snop;
	(pc) =	sbr.rel .LBB3_13-.Ltmp13, $4  }
0x157: {  	_ =	swait.ge [sflag:s0], $0x40  }
0x158: {  	[sflag:s0] =	ssyncset.done $0x0  }
0x159: {  	s31 =	simm.s32 $0x6;
	[sflag:s0] =	ssyncadd.s32 $0xFFFFFFC0  }
0x15a: {  	s4 =	simm.s32 $0x0;
	[sflag:s31] =	ssyncpa.u1 $0x0  }
.LBB3_18:
0x15b: {  	p0 =	sgt.u32 s5, $0x257FFF  }
0x15c: {  	s0 =	sshrl.u32 @!p0 s5, $0x3  }
0x15d: {  	s5 =	sand.u32 @!p0 $0x7, s5;
	s6 =	simm.s32 @!p0 $0xB0;
	s0 =	sadd.s32 @!p0 s1, s0  }
0x15e: {  	[tilespmem:s6], [sflag:$0x6] =	stream.linear.gather @!p0 [hbm4b:s0+s5], $0x1, $0x38;
	[tilespmem:$0x12120] =	vst v63  }
0x15f: {  	s0 =	simm.s32 @!p0 $0x6  }
0x160: {  	_ =	swait.ge @!p0 [sflag:s0], $0x1  }
0x161: {  	[sflag:s0] =	ssyncset.done @!p0 $0x0  }
0x162: {  	[sflag:s0] =	ssyncadd.s32 @!p0 $0xFFFFFFFF  }
0x163: {  	v2 =	vmov @!p0 s4;
	v1 =	vld.msk @!p0 [tilespmem:$0xB0], $0x1;
	_ =	sdelay $0x3  }
0x164: {  	s0 =	simm.s32 @!p0 $0xE0  }
0x165: {  	[tilespmem:v2+s0+$0x0], v1 =	vst.idx.ret.add.f32.msk @!p0 $0x1, v1  }
0x166: {  	[tilespmem:s2+$0xC0] =	vst.msk $0x1, v0  }
0x167: {  	v0 =	vld.msk [tilespmem:s4+$0xE0], $0x1;
	_ =	sdelay $0x4  }
0x168: {  	[tilespmem:s2+$0xE0] =	vst.msk $0x1, v0;
	s2 =	sadd.s32 $0x1, s2  }
.LBB3_20:
0x169: {  	s4 =	sadd.s32 $0x1, s4  }
0x16a: {  	p0 =	sne.s32 s4, $0x20  }
.Ltmp14:
0x16b: {  	_ = 	snop;
	(pc) =	sbr.rel @!p0 .LBB3_21-.Ltmp14, $1  }
0x16c: {  	_ =	sdelay $0x3  }
.LBB3_13:
0x16d: {  	v0 =	vld.msk [tilespmem:s4+$0xC0], $0x1;
	_ =	sdelay $0x4  }
0x16e: {  	(v2sf) =	vpush v0, $0x0;
	_ =	sdelay $0xe  }
0x16f: {  	s5 =	spop (v2sf)  }
0x170: {  	p0 =	seq.s32 s5, $0xFFFFFFFF  }
.Ltmp15:
0x171: {  	_ = 	snop;
	(pc) =	sbr.rel @p0 .LBB3_20-.Ltmp15, $1  }
0x172: {  	_ =	sdelay $0x3  }
0x173: {  	p0 =	slt.s32 s2, $0x1  }
.Ltmp16:
0x174: {  	_ = 	snop;
	(pc) =	sbr.rel @p0 .LBB3_18-.Ltmp16, $1  }
0x175: {  	_ =	sdelay $0x3  }
0x176: {  	s6 =	simm.s32 $0xC0;
	p0 =	por $0x0, $0x0  }
0x177: {  	v1 =	vld.msk @!p0 [tilespmem:s6+$0x0], $0x1;
	_ =	sdelay $0x4  }
0x178: {  	(v2sf) =	vpush @!p0 v1, $0x0;
	_ =	sdelay $0xd  }
0x179: {  	p2 =	sne.s32 s2, $0x1  }
.Ltmp17:
0x17a: {  	s0 =	spop @!p0 (v2sf);
	(pc) =	sbr.rel @!p2 .LBB3_17-.Ltmp17, $4  }
0x17b: {  	p1 =	seq.s32 @!p0 s5, s0  }
0x17c: {  	s0 =	simm.s32 $0x0;
	p1 =	por !p1, p0  }
0x17d: {  	s8 =	simm.s32 $0xFFFFFFFF;
	s0 =	simm.s32 @p1 $0xFFFFFFFF  }
0x17e: {  	s7 =	simm.s32 $0x1;
	s0 =	smov.u32 @p0 s8  }
.LBB3_16:
0x17f: {  	s8 =	smov.u32 s0;
	p0 =	sne.s32 s0, $0xFFFFFFFF  }
0x180: {  	s6 =	sadd.s32 $0x1, s6;
	s0 =	smov.u32 s7;
	s7 =	sadd.s32 $0x1, s7  }
0x181: {  	p1 =	sne.s32 s2, s7;
	v1 =	vld.msk @!p0 [tilespmem:s6+$0x0], $0x1;
	_ =	sdelay $0x4  }
0x182: {  	(v2sf) =	vpush @!p0 v1, $0x0;
	_ =	sdelay $0xe  }
.Ltmp18:
0x183: {  	s9 =	spop @!p0 (v2sf);
	(pc) =	sbr.rel @p1 .LBB3_16-.Ltmp18, $4  }
0x184: {  	p2 =	seq.s32 @!p0 s5, s9  }
0x185: {  	p2 =	por !p2, p0  }
0x186: {  	s0 =	simm.s32 @p2 $0xFFFFFFFF  }
0x187: {  	s0 =	smov.u32 @p0 s8  }
.LBB3_17:
0x188: {  	p0 =	sne.s32 s0, $0xFFFFFFFF  }
.Ltmp19:
0x189: {  	_ = 	snop;
	(pc) =	sbr.rel @!p0 .LBB3_18-.Ltmp19, $1  }
0x18a: {  	_ =	sdelay $0x3  }
0x18b: {  	v0 =	vld.msk [tilespmem:s4+$0xE0], $0x1;
	v1 =	vmov s0  }
.Ltmp20:
0x18c: {  	_ = 	snop;
	(pc) =	sbr.rel .LBB3_20-.Ltmp20, $2  }
0x18d: {  	_ =	sdelay $0x2  }
0x18e: {  	[tilespmem:v1+s3+$0x0], v0 =	vst.idx.ret.add.f32.msk $0x1, v0  }
.LBB3_21:
0x18f: {  	p0 =	slt.s32 s2, $0x1  }
.Ltmp21:
0x190: {  	_ = 	snop;
	(pc) =	sbr.rel @p0 .LBB3_25-.Ltmp21, $3  }
0x191: {  	_ =	sdelay $0x1  }
0x192: {  	s0 =	simm.s32 $0x6  }
0x193: {  	s3 =	simm.s32 $0x0;
	[sflag:s0] =	ssyncpa.u1 $0x1  }
0x194: {  	s0 =	simm.s32 $0xC0  }
0x195: {  	v0 =	vld.msk [tilespmem:s0+$0x0], $0x1;
	_ =	sdelay $0x4  }
0x196: {  	(v2sf) =	vpush v0, $0x0;
	_ =	sdelay $0xe  }
0x197: {  	s2 =	sadd.s32 $0xFFFFFFFF, s2;
	s4 =	spop (v2sf)  }
0x198: {  	p1 =	sne.s32 s2, $0x0;
	p0 =	sgt.u32 s4, $0x257FFF  }
.Ltmp22:
0x199: {  	s5 =	sshrl.u32 @!p0 s4, $0x3;
	(pc) =	sbr.rel @!p1 .LBB3_24-.Ltmp22, $4  }
0x19a: {  	s0 =	simm.s32 $0xE0;
	s4 =	sand.u32 @!p0 $0x7, s4;
	s5 =	sadd.s32 @!p0 s1, s5  }
0x19b: {  	[hbm4b:s5+s4] =	stream.linear.scatter @!p0 [tilespmem:s0], [sflag:$0x5], $0x1, $0x38;
	[tilespmem:$0x12120] =	vst v63  }
0x19c: {  	s5 =	simm.s32 $0x0  }
0x19d: {  	s4 =	simm.s32 $0xC1;
	s5 =	simm.s32 @!p0 $0x4  }
.LBB3_23:
0x19e: {  	v0 =	vld.msk [tilespmem:s4+$0x0], $0x1;
	s2 =	sadd.s32 $0xFFFFFFFF, s2;
	s3 =	sadd.s32 s3, s5  }
0x19f: {  	p0 =	sne.s32 s2, $0x0;
	_ =	sdelay $0x3  }
0x1a0: {  	(v2sf) =	vpush v0, $0x0;
	_ =	sdelay $0xe  }
.Ltmp23:
0x1a1: {  	s6 =	spop (v2sf);
	(pc) =	sbr.rel @p0 .LBB3_23-.Ltmp23, $4  }
0x1a2: {  	s5 =	simm.s32 $0x0;
	p1 =	sgt.u32 s6, $0x257FFF  }
0x1a3: {  	s0 =	sadd.s32 $0x1, s0;
	s5 =	simm.s32 @!p1 $0x4;
	s7 =	sshrl.u32 @!p1 s6, $0x3  }
0x1a4: {  	s4 =	sadd.s32 $0x1, s4;
	s6 =	sand.u32 @!p1 $0x7, s6;
	s7 =	sadd.s32 @!p1 s1, s7  }
0x1a5: {  	[hbm4b:s7+s6] =	stream.linear.scatter @!p1 [tilespmem:s0], [sflag:$0x5], $0x1, $0x38;
	[tilespmem:$0x12120] =	vst v63  }
.LBB3_24:
0x1a6: {  	s0 =	sadd.s32 s3, s5  }
0x1a7: {  	s3 =	sshrl.u32 s0, $0x2  }
.LBB3_25:
0x1a8: {  	s0 =	simm.s32 $0x5  }
0x1a9: {  	_ =	swait.ge [sflag:s0], s3  }
0x1aa: {  	s1 =	ssub.s32 $0x0, s3;
	[sflag:s0] =	ssyncset.done $0x0  }
0x1ab: {  	[sflag:s0] =	ssyncadd.s32 s1  }
0x1ac: {  	[sflag:s0] =	ssyncpa.u1 $0x1  }
0x1ad: {  	s29 =	simm.s32 $0x1;
	_ =	sfence  }
0x1ae: {  	s30 =	simm.s32 $0x2;
	[sflag:s29] =	ssyncpa.u1 $0x1  }
0x1af: {  	[sflag:s30] =	ssyncpa.u1 $0x1  }
0x1b0: {  	_ =	strace $0x9000005C  }
0x1b1: {  	[bflag:$0x2] =	sbarrier.arrive $0xFFFF  }
0x1b2: {  	s31 =	rddreg [dreg:$0x1]  }
0x1b3: {  	s0 =	sadd.s32 $0x100000, s31  }
0x1b4: {  	[sflag:s0] =	ssyncadd.tile.s32 $0x1;
	_ =	shalt  }
.Lfunc_end3:
_tile_overlayer_lowered:
.L_overlay_start_3:
0x1b5: {  	(tag) =	ssettag $0x3  }
0x1b6: {  	s0 =	rddreg [dreg:$0x0];
	s2 =	stileid.u32  }
0x1b7: {  	s1 =	rddreg [dreg:$0x1];
	p0 =	sne.s32 s2, $0x0  }
0x1b8: {  	s3 =	rddreg [dreg:$0x2];
	[bflag:$0x3] =	sbarrier.arrive $0xFFFF;
	s2 =	simm.s32 @!p0 $0x1C01  }
0x1b9: {  	[timem:s3], [sflag:s2] =	dma.local @!p0 [hbm:s0], s1  }
0x1ba: {  	s0 =	simm.s32 @!p0 $0x1  }
0x1bb: {  	_ =	swait.ge @!p0 [sflag:s0], s1  }
0x1bc: {  	s1 =	ssub.s32 @!p0 $0x0, s1;
	[sflag:s0] =	ssyncset.done @!p0 $0x0  }
0x1bd: {  	[sflag:s0] =	ssyncadd.s32 @!p0 s1  }
0x1be: {  	[bflag:$0x3] =	sbarrier.arrive $0xFFFF  }
0x1bf: {  	_ =	shalt  }

</sc_bundles>
